<compile_context>
chip_gen: v7x
topology: tpu7x:2x2x1
jax: 0.10.2.dev20260603
libtpu: 0.0.44.dev20260713+nightly
codegen_flags: <defaults>
</compile_context>

<pallas_src>
import jax
import jax.numpy as jnp
from jax import lax
from jax.experimental import pallas as pl
from jax.experimental.pallas import tpu as pltpu
from jax.experimental.pallas import tpu_sc as plsc

N_NODES = 100000
NUM_TYPES = 128
L = 16
NW = 32
NSLOTS = 5
CHUNK = 160
NFULL = N_NODES // CHUNK
MAX_ITERS = -(-NFULL // NW)

TC_BLOCK = 10000


def _scatter_groups(buf, idx_v, n_rows, value):
    vals = jnp.full((L,), value, dtype=jnp.float32)
    row_off = lax.broadcasted_iota(jnp.int32, (L,), 0) * NUM_TYPES
    for g in range(n_rows // L):
        cols = idx_v[pl.ds(g * L, L)]
        flat = row_off + (g * L * NUM_TYPES) + cols
        plsc.store_scatter(buf, [flat], vals)


def _zero_fill(buf, n_words):
    zeros = jnp.zeros((L,), jnp.float32)

    def _step(k, _):
        for j in range(8):
            buf[pl.ds(k * 8 * L + j * L, L)] = zeros
        return 0

    lax.fori_loop(0, n_words // (8 * L), _step, 0)


def _sc_body(elem_hbm, out_hbm, idx0, idx1, idx2, idx3, idx4,
             buf0, buf1, buf2, buf3, buf4, sem0, sem1, sem2, sem3, sem4):
    wid = lax.axis_index("s") * 2 + lax.axis_index("c")
    idx_s = (idx0, idx1, idx2, idx3, idx4)
    buf_s = (buf0, buf1, buf2, buf3, buf4)
    sem_s = (sem0, sem1, sem2, sem3, sem4)

    def _wait_slot(s):
        pltpu.make_async_copy(buf_s[s], out_hbm.at[pl.ds(0, CHUNK * NUM_TYPES)],
                              sem_s[s]).wait()

    def _fire(s, base):
        pltpu.sync_copy(elem_hbm.at[pl.ds(base, CHUNK)], idx_s[s])
        _scatter_groups(buf_s[s], idx_s[s], CHUNK, 1.0)
        pltpu.async_copy(buf_s[s],
                         out_hbm.at[pl.ds(base * NUM_TYPES, CHUNK * NUM_TYPES)],
                         sem_s[s])

    for i in range(NSLOTS):
        _zero_fill(buf_s[i], CHUNK * NUM_TYPES)
        _fire(i, (wid + i * NW) * CHUNK)

    def _round(r, _):
        for j in range(NSLOTS):
            _wait_slot(j)
            _scatter_groups(buf_s[j], idx_s[j], CHUNK, 0.0)
            c_i = wid + (r * NSLOTS + j) * NW

            @pl.when(c_i < NFULL)
            def _(j=j, c_i=c_i):
                _fire(j, c_i * CHUNK)

        return 0

    lax.fori_loop(1, MAX_ITERS // NSLOTS, _round, 0)

    for i in range(MAX_ITERS - NSLOTS, MAX_ITERS):
        c_i = wid + i * NW

        @pl.when(c_i < NFULL)
        def _(s=i % NSLOTS):
            _wait_slot(s)


def _tc_body(idx_ref, out_ref):
    idx = jnp.reshape(idx_ref[...], (TC_BLOCK, 1))
    classes = lax.broadcasted_iota(jnp.int32, (1, NUM_TYPES), 1)
    out_ref[...] = jnp.where(idx == classes, jnp.float32(1.0), jnp.float32(0.0))


def kernel(elem_map, pos):
    del pos
    idx_lin = jnp.reshape(elem_map, (N_NODES,))

    out_sds = jax.ShapeDtypeStruct((N_NODES * NUM_TYPES,), jnp.float32)
    mesh = plsc.VectorSubcoreMesh(core_axis_name="c", subcore_axis_name="s")
    sc_call = pl.kernel(
        _sc_body,
        out_type=out_sds,
        mesh=mesh,
        compiler_params=pltpu.CompilerParams(needs_layout_passes=False),
        scratch_types=(
            [pltpu.VMEM((CHUNK,), jnp.int32)] * NSLOTS
            + [pltpu.VMEM((CHUNK * NUM_TYPES,), jnp.float32)] * NSLOTS
            + [pltpu.SemaphoreType.DMA] * NSLOTS
        ),
    )
    oh2 = sc_call(idx_lin)

    idx3d = jnp.reshape(idx_lin, (N_NODES // TC_BLOCK, 1, TC_BLOCK))
    oh1 = pl.pallas_call(
        _tc_body,
        grid=(N_NODES // TC_BLOCK,),
        in_specs=[pl.BlockSpec((1, 1, TC_BLOCK), lambda i: (i, 0, 0))],
        out_specs=pl.BlockSpec((TC_BLOCK, NUM_TYPES), lambda i: (i, 0)),
        out_shape=jax.ShapeDtypeStruct((N_NODES, NUM_TYPES), jnp.float32),
    )(idx3d)

    return (oh1, jnp.reshape(oh2, (N_NODES, NUM_TYPES)))

# --- scband reference (transcript-rebuilt; emitter-appended) ---
"""Pipeline reference for scband-one-hot-atom-encoding-21354577395846 (READ-ONLY COPY).

The authoritative reference and input builder live on the scoring server;
editing this copy changes nothing except your own understanding.
"""

import jax, jax.numpy as jnp
import numpy as np

NUM_TYPES = 128
N_NODES = 100000

def setup_inputs(seed: int = 0) -> dict:
    key = jax.random.key(seed)
    k1, k2 = jax.random.split(key)
    elem_map = jax.random.randint(k1, (N_NODES, 1), 0, NUM_TYPES, dtype=jnp.int64 if jax.config.jax_enable_x64 else jnp.int32).astype(jnp.int32)
    pos = jax.random.normal(k2, (N_NODES, 3), dtype=jnp.float32)
    return {"elem_map": elem_map, "pos": pos}

def reference(elem_map, pos):
    # type_numbers = data[elem_map].squeeze(-1)
    type_numbers = jnp.squeeze(elem_map, axis=-1)
    # one_hot = F.one_hot(type_numbers, num_classes=num_types).to(dtype=pos.dtype)
    one_hot = jax.nn.one_hot(type_numbers, NUM_TYPES, dtype=pos.dtype)
    # set_features=True: node_features = node_attr = one_hot
    node_attr = one_hot
    node_features = one_hot
    return (node_attr, node_features)

if __name__ == "__main__":
    import jax
    _d = setup_inputs()
    print(jax.jit(kernel)(*tuple(_d.values())))

</pallas_src>

<mosaic_0001>
#map = affine_map<(d0, d1) -> (0)>
module attributes {stable_mosaic.version = 14 : i64} {
  func.func @_sc_body(%arg0: i32, %arg1: i32, %arg2: memref<100000xi32, #tpu.memory_space<hbm>>, %arg3: memref<12800000xf32, #tpu.memory_space<hbm>>, %arg4: memref<160xi32, #tpu.memory_space<vmem>>, %arg5: memref<160xi32, #tpu.memory_space<vmem>>, %arg6: memref<160xi32, #tpu.memory_space<vmem>>, %arg7: memref<160xi32, #tpu.memory_space<vmem>>, %arg8: memref<160xi32, #tpu.memory_space<vmem>>, %arg9: memref<20480xf32, #tpu.memory_space<vmem>>, %arg10: memref<20480xf32, #tpu.memory_space<vmem>>, %arg11: memref<20480xf32, #tpu.memory_space<vmem>>, %arg12: memref<20480xf32, #tpu.memory_space<vmem>>, %arg13: memref<20480xf32, #tpu.memory_space<vmem>>, %arg14: memref<!tpu.dma_semaphore, #tpu.memory_space<semaphore_mem>>, %arg15: memref<!tpu.dma_semaphore, #tpu.memory_space<semaphore_mem>>, %arg16: memref<!tpu.dma_semaphore, #tpu.memory_space<semaphore_mem>>, %arg17: memref<!tpu.dma_semaphore, #tpu.memory_space<semaphore_mem>>, %arg18: memref<!tpu.dma_semaphore, #tpu.memory_space<semaphore_mem>>) attributes {dimension_semantics = [#tpu.dimension_semantics<core_parallel>, #tpu.dimension_semantics<subcore_parallel>], iteration_bounds = array<i64: 2, 16>, scalar_prefetch = 0 : i64, scratch_operands = 15 : i64, tpu.core_type = #tpu.core_type<sc_vector_subcore>, window_params = [{transform_indices = #map}, {transform_indices = #map}]} {
    %mul3A = arith.constant 2 : i32
    %mul3A_0 = arith.muli %arg1, %mul3A : i32
    %add3A = arith.addi %mul3A_0, %arg0 : i32
    %broadcast_in_dim3A = arith.constant 0.000000e+00 : f32
    %broadcast_in_dim3A_1 = vector.broadcast %broadcast_in_dim3A : f32 to vector<16xf32>
    %scan3A = arith.constant 0 : i32
    %scan3A_2 = arith.constant 0 : i32
    %scan3A_3 = arith.constant 160 : i32
    %scan3A_4 = arith.addi %scan3A_2, %scan3A_3 : i32
    %scan3A_5 = arith.constant 1 : i32
    %scan3A_6 = scf.for %scan3A_450 = %scan3A_2 to %scan3A_4 step %scan3A_5 iter_args(%scan3A_451 = %scan3A) -> (i32)  : i32 {
      %mul3A_452 = arith.constant 8 : i32
      %mul3A_453 = arith.muli %scan3A_450, %mul3A_452 : i32
      %mul3A_454 = arith.constant 16 : i32
      %mul3A_455 = arith.muli %mul3A_453, %mul3A_454 : i32
      %add3A_456 = arith.constant 0 : i32
      %add3A_457 = arith.addi %mul3A_455, %add3A_456 : i32
      %swap3A = arith.index_cast %add3A_457 : i32 to index
      %swap3A_458 = tpu.vector_load %arg9[%swap3A] {strides = array<i32>} : memref<20480xf32, #tpu.memory_space<vmem>>, vector<16xf32>,
      tpu.vector_store %arg9[%swap3A], %broadcast_in_dim3A_1 {strides = array<i32>} : memref<20480xf32, #tpu.memory_space<vmem>>, vector<16xf32>,
      %mul3A_459 = arith.constant 8 : i32
      %mul3A_460 = arith.muli %scan3A_450, %mul3A_459 : i32
      %mul3A_461 = arith.constant 16 : i32
      %mul3A_462 = arith.muli %mul3A_460, %mul3A_461 : i32
      %add3A_463 = arith.constant 16 : i32
      %add3A_464 = arith.addi %mul3A_462, %add3A_463 : i32
      %swap3A_465 = arith.index_cast %add3A_464 : i32 to index
      %swap3A_466 = tpu.vector_load %arg9[%swap3A_465] {strides = array<i32>} : memref<20480xf32, #tpu.memory_space<vmem>>, vector<16xf32>,
      tpu.vector_store %arg9[%swap3A_465], %broadcast_in_dim3A_1 {strides = array<i32>} : memref<20480xf32, #tpu.memory_space<vmem>>, vector<16xf32>,
      %mul3A_467 = arith.constant 8 : i32
      %mul3A_468 = arith.muli %scan3A_450, %mul3A_467 : i32
      %mul3A_469 = arith.constant 16 : i32
      %mul3A_470 = arith.muli %mul3A_468, %mul3A_469 : i32
      %add3A_471 = arith.constant 32 : i32
      %add3A_472 = arith.addi %mul3A_470, %add3A_471 : i32
      %swap3A_473 = arith.index_cast %add3A_472 : i32 to index
      %swap3A_474 = tpu.vector_load %arg9[%swap3A_473] {strides = array<i32>} : memref<20480xf32, #tpu.memory_space<vmem>>, vector<16xf32>,
      tpu.vector_store %arg9[%swap3A_473], %broadcast_in_dim3A_1 {strides = array<i32>} : memref<20480xf32, #tpu.memory_space<vmem>>, vector<16xf32>,
      %mul3A_475 = arith.constant 8 : i32
      %mul3A_476 = arith.muli %scan3A_450, %mul3A_475 : i32
      %mul3A_477 = arith.constant 16 : i32
      %mul3A_478 = arith.muli %mul3A_476, %mul3A_477 : i32
      %add3A_479 = arith.constant 48 : i32
      %add3A_480 = arith.addi %mul3A_478, %add3A_479 : i32
      %swap3A_481 = arith.index_cast %add3A_480 : i32 to index
      %swap3A_482 = tpu.vector_load %arg9[%swap3A_481] {strides = array<i32>} : memref<20480xf32, #tpu.memory_space<vmem>>, vector<16xf32>,
      tpu.vector_store %arg9[%swap3A_481], %broadcast_in_dim3A_1 {strides = array<i32>} : memref<20480xf32, #tpu.memory_space<vmem>>, vector<16xf32>,
      %mul3A_483 = arith.constant 8 : i32
      %mul3A_484 = arith.muli %scan3A_450, %mul3A_483 : i32
      %mul3A_485 = arith.constant 16 : i32
      %mul3A_486 = arith.muli %mul3A_484, %mul3A_485 : i32
      %add3A_487 = arith.constant 64 : i32
      %add3A_488 = arith.addi %mul3A_486, %add3A_487 : i32
      %swap3A_489 = arith.index_cast %add3A_488 : i32 to index
      %swap3A_490 = tpu.vector_load %arg9[%swap3A_489] {strides = array<i32>} : memref<20480xf32, #tpu.memory_space<vmem>>, vector<16xf32>,
      tpu.vector_store %arg9[%swap3A_489], %broadcast_in_dim3A_1 {strides = array<i32>} : memref<20480xf32, #tpu.memory_space<vmem>>, vector<16xf32>,
      %mul3A_491 = arith.constant 8 : i32
      %mul3A_492 = arith.muli %scan3A_450, %mul3A_491 : i32
      %mul3A_493 = arith.constant 16 : i32
      %mul3A_494 = arith.muli %mul3A_492, %mul3A_493 : i32
      %add3A_495 = arith.constant 80 : i32
      %add3A_496 = arith.addi %mul3A_494, %add3A_495 : i32
      %swap3A_497 = arith.index_cast %add3A_496 : i32 to index
      %swap3A_498 = tpu.vector_load %arg9[%swap3A_497] {strides = array<i32>} : memref<20480xf32, #tpu.memory_space<vmem>>, vector<16xf32>,
      tpu.vector_store %arg9[%swap3A_497], %broadcast_in_dim3A_1 {strides = array<i32>} : memref<20480xf32, #tpu.memory_space<vmem>>, vector<16xf32>,
      %mul3A_499 = arith.constant 8 : i32
      %mul3A_500 = arith.muli %scan3A_450, %mul3A_499 : i32
      %mul3A_501 = arith.constant 16 : i32
      %mul3A_502 = arith.muli %mul3A_500, %mul3A_501 : i32
      %add3A_503 = arith.constant 96 : i32
      %add3A_504 = arith.addi %mul3A_502, %add3A_503 : i32
      %swap3A_505 = arith.index_cast %add3A_504 : i32 to index
      %swap3A_506 = tpu.vector_load %arg9[%swap3A_505] {strides = array<i32>} : memref<20480xf32, #tpu.memory_space<vmem>>, vector<16xf32>,
      tpu.vector_store %arg9[%swap3A_505], %broadcast_in_dim3A_1 {strides = array<i32>} : memref<20480xf32, #tpu.memory_space<vmem>>, vector<16xf32>,
      %mul3A_507 = arith.constant 8 : i32
      %mul3A_508 = arith.muli %scan3A_450, %mul3A_507 : i32
      %mul3A_509 = arith.constant 16 : i32
      %mul3A_510 = arith.muli %mul3A_508, %mul3A_509 : i32
      %add3A_511 = arith.constant 112 : i32
      %add3A_512 = arith.addi %mul3A_510, %add3A_511 : i32
      %swap3A_513 = arith.index_cast %add3A_512 : i32 to index
      %swap3A_514 = tpu.vector_load %arg9[%swap3A_513] {strides = array<i32>} : memref<20480xf32, #tpu.memory_space<vmem>>, vector<16xf32>,
      tpu.vector_store %arg9[%swap3A_513], %broadcast_in_dim3A_1 {strides = array<i32>} : memref<20480xf32, #tpu.memory_space<vmem>>, vector<16xf32>,
      %scan3A_515 = arith.constant 0 : i32
      scf.yield %scan3A_515 : i32
    }
    %scan3A_7 = arith.constant 160 : i32
    %add3A_8 = arith.constant 0 : i32
    %add3A_9 = arith.addi %add3A, %add3A_8 : i32
    %mul3A_10 = arith.constant 160 : i32
    %mul3A_11 = arith.muli %add3A_9, %mul3A_10 : i32
    "tpu.region"() ({
      %run_scoped3A = tpu.sem_alloc : memref<!tpu.dma_semaphore, #tpu.memory_space<semaphore_mem>>
      %dma_start3A_450 = tpu.memref_slice %arg2[%mul3A_11] : memref<100000xi32, #tpu.memory_space<hbm>> -> memref<160xi32, #tpu.memory_space<hbm>>
      %dma_start3A_451 = tpu.memref_slice %arg2[%mul3A_11] : memref<100000xi32, #tpu.memory_space<hbm>> -> memref<160xi32, #tpu.memory_space<hbm>>
      tpu.enqueue_dma source(%dma_start3A_451 : memref<160xi32, #tpu.memory_space<hbm>>) target(%arg4 : memref<160xi32, #tpu.memory_space<vmem>>) target_semaphore(%run_scoped3A : memref<!tpu.dma_semaphore, #tpu.memory_space<semaphore_mem>>)
      %dma_wait3A = tpu.memref_slice %arg2[%mul3A_11] : memref<100000xi32, #tpu.memory_space<hbm>> -> memref<160xi32, #tpu.memory_space<hbm>>
      %dma_wait3A_452 = tpu.memref_slice %arg2[%mul3A_11] : memref<100000xi32, #tpu.memory_space<hbm>> -> memref<160xi32, #tpu.memory_space<hbm>>
      tpu.wait_dma2 semaphore(%run_scoped3A : memref<!tpu.dma_semaphore, #tpu.memory_space<semaphore_mem>>) src(%dma_wait3A_452 : memref<160xi32, #tpu.memory_space<hbm>>) dst(%arg4 : memref<160xi32, #tpu.memory_space<vmem>>)
      tpu.yield
    }) : () -> ()
    %broadcast_in_dim3A_12 = arith.constant 1.000000e+00 : f32
    %broadcast_in_dim3A_13 = vector.broadcast %broadcast_in_dim3A_12 : f32 to vector<16xf32>
    %iota3A = tpu.iota {dimensions = array<i32: 0>} : vector<16xi32>
    %mul3A_14 = arith.constant 128 : i32
    %mul3A_15 = vector.broadcast %mul3A_14 : i32 to vector<16xi32>
    %mul3A_16 = arith.muli %iota3A, %mul3A_15 : vector<16xi32>
    %get3A = arith.constant 0 : index
    %get3A_17 = tpu.vector_load %arg4[%get3A] {strides = array<i32>} : memref<160xi32, #tpu.memory_space<vmem>>, vector<16xi32>,
    %add3A_18 = arith.constant 0 : i32
    %add3A_19 = vector.broadcast %add3A_18 : i32 to vector<16xi32>
    %add3A_20 = arith.addi %mul3A_16, %add3A_19 : vector<16xi32>
    %add3A_21 = arith.addi %add3A_20, %get3A_17 : vector<16xi32>
    tpu.vector_store_idx %arg9[%add3A_21], %broadcast_in_dim3A_13 : memref<20480xf32, #tpu.memory_space<vmem>>[vector<16xi32>], vector<16xf32>,
    %get3A_22 = arith.constant 16 : index
    %get3A_23 = tpu.vector_load %arg4[%get3A_22] {strides = array<i32>} : memref<160xi32, #tpu.memory_space<vmem>>, vector<16xi32>,
    %add3A_24 = arith.constant 2048 : i32
    %add3A_25 = vector.broadcast %add3A_24 : i32 to vector<16xi32>
    %add3A_26 = arith.addi %mul3A_16, %add3A_25 : vector<16xi32>
    %add3A_27 = arith.addi %add3A_26, %get3A_23 : vector<16xi32>
    tpu.vector_store_idx %arg9[%add3A_27], %broadcast_in_dim3A_13 : memref<20480xf32, #tpu.memory_space<vmem>>[vector<16xi32>], vector<16xf32>,
    %get3A_28 = arith.constant 32 : index
    %get3A_29 = tpu.vector_load %arg4[%get3A_28] {strides = array<i32>} : memref<160xi32, #tpu.memory_space<vmem>>, vector<16xi32>,
    %add3A_30 = arith.constant 4096 : i32
    %add3A_31 = vector.broadcast %add3A_30 : i32 to vector<16xi32>
    %add3A_32 = arith.addi %mul3A_16, %add3A_31 : vector<16xi32>
    %add3A_33 = arith.addi %add3A_32, %get3A_29 : vector<16xi32>
    tpu.vector_store_idx %arg9[%add3A_33], %broadcast_in_dim3A_13 : memref<20480xf32, #tpu.memory_space<vmem>>[vector<16xi32>], vector<16xf32>,
    %get3A_34 = arith.constant 48 : index
    %get3A_35 = tpu.vector_load %arg4[%get3A_34] {strides = array<i32>} : memref<160xi32, #tpu.memory_space<vmem>>, vector<16xi32>,
    %add3A_36 = arith.constant 6144 : i32
    %add3A_37 = vector.broadcast %add3A_36 : i32 to vector<16xi32>
    %add3A_38 = arith.addi %mul3A_16, %add3A_37 : vector<16xi32>
    %add3A_39 = arith.addi %add3A_38, %get3A_35 : vector<16xi32>
    tpu.vector_store_idx %arg9[%add3A_39], %broadcast_in_dim3A_13 : memref<20480xf32, #tpu.memory_space<vmem>>[vector<16xi32>], vector<16xf32>,
    %get3A_40 = arith.constant 64 : index
    %get3A_41 = tpu.vector_load %arg4[%get3A_40] {strides = array<i32>} : memref<160xi32, #tpu.memory_space<vmem>>, vector<16xi32>,
    %add3A_42 = arith.constant 8192 : i32
    %add3A_43 = vector.broadcast %add3A_42 : i32 to vector<16xi32>
    %add3A_44 = arith.addi %mul3A_16, %add3A_43 : vector<16xi32>
    %add3A_45 = arith.addi %add3A_44, %get3A_41 : vector<16xi32>
    tpu.vector_store_idx %arg9[%add3A_45], %broadcast_in_dim3A_13 : memref<20480xf32, #tpu.memory_space<vmem>>[vector<16xi32>], vector<16xf32>,
    %get3A_46 = arith.constant 80 : index
    %get3A_47 = tpu.vector_load %arg4[%get3A_46] {strides = array<i32>} : memref<160xi32, #tpu.memory_space<vmem>>, vector<16xi32>,
    %add3A_48 = arith.constant 10240 : i32
    %add3A_49 = vector.broadcast %add3A_48 : i32 to vector<16xi32>
    %add3A_50 = arith.addi %mul3A_16, %add3A_49 : vector<16xi32>
    %add3A_51 = arith.addi %add3A_50, %get3A_47 : vector<16xi32>
    tpu.vector_store_idx %arg9[%add3A_51], %broadcast_in_dim3A_13 : memref<20480xf32, #tpu.memory_space<vmem>>[vector<16xi32>], vector<16xf32>,
    %get3A_52 = arith.constant 96 : index
    %get3A_53 = tpu.vector_load %arg4[%get3A_52] {strides = array<i32>} : memref<160xi32, #tpu.memory_space<vmem>>, vector<16xi32>,
    %add3A_54 = arith.constant 12288 : i32
    %add3A_55 = vector.broadcast %add3A_54 : i32 to vector<16xi32>
    %add3A_56 = arith.addi %mul3A_16, %add3A_55 : vector<16xi32>
    %add3A_57 = arith.addi %add3A_56, %get3A_53 : vector<16xi32>
    tpu.vector_store_idx %arg9[%add3A_57], %broadcast_in_dim3A_13 : memref<20480xf32, #tpu.memory_space<vmem>>[vector<16xi32>], vector<16xf32>,
    %get3A_58 = arith.constant 112 : index
    %get3A_59 = tpu.vector_load %arg4[%get3A_58] {strides = array<i32>} : memref<160xi32, #tpu.memory_space<vmem>>, vector<16xi32>,
    %add3A_60 = arith.constant 14336 : i32
    %add3A_61 = vector.broadcast %add3A_60 : i32 to vector<16xi32>
    %add3A_62 = arith.addi %mul3A_16, %add3A_61 : vector<16xi32>
    %add3A_63 = arith.addi %add3A_62, %get3A_59 : vector<16xi32>
    tpu.vector_store_idx %arg9[%add3A_63], %broadcast_in_dim3A_13 : memref<20480xf32, #tpu.memory_space<vmem>>[vector<16xi32>], vector<16xf32>,
    %get3A_64 = arith.constant 128 : index
    %get3A_65 = tpu.vector_load %arg4[%get3A_64] {strides = array<i32>} : memref<160xi32, #tpu.memory_space<vmem>>, vector<16xi32>,
    %add3A_66 = arith.constant 16384 : i32
    %add3A_67 = vector.broadcast %add3A_66 : i32 to vector<16xi32>
    %add3A_68 = arith.addi %mul3A_16, %add3A_67 : vector<16xi32>
    %add3A_69 = arith.addi %add3A_68, %get3A_65 : vector<16xi32>
    tpu.vector_store_idx %arg9[%add3A_69], %broadcast_in_dim3A_13 : memref<20480xf32, #tpu.memory_space<vmem>>[vector<16xi32>], vector<16xf32>,
    %get3A_70 = arith.constant 144 : index
    %get3A_71 = tpu.vector_load %arg4[%get3A_70] {strides = array<i32>} : memref<160xi32, #tpu.memory_space<vmem>>, vector<16xi32>,
    %add3A_72 = arith.constant 18432 : i32
    %add3A_73 = vector.broadcast %add3A_72 : i32 to vector<16xi32>
    %add3A_74 = arith.addi %mul3A_16, %add3A_73 : vector<16xi32>
    %add3A_75 = arith.addi %add3A_74, %get3A_71 : vector<16xi32>
    tpu.vector_store_idx %arg9[%add3A_75], %broadcast_in_dim3A_13 : memref<20480xf32, #tpu.memory_space<vmem>>[vector<16xi32>], vector<16xf32>,
    %mul3A_76 = arith.constant 128 : i32
    %mul3A_77 = arith.muli %mul3A_11, %mul3A_76 : i32
    %dma_start3A = tpu.memref_slice %arg3[%mul3A_77] : memref<12800000xf32, #tpu.memory_space<hbm>> -> memref<20480xf32, #tpu.memory_space<hbm>>
    %dma_start3A_78 = tpu.memref_slice %arg3[%mul3A_77] : memref<12800000xf32, #tpu.memory_space<hbm>> -> memref<20480xf32, #tpu.memory_space<hbm>>
    tpu.enqueue_dma source(%arg9 : memref<20480xf32, #tpu.memory_space<vmem>>) target(%dma_start3A_78 : memref<20480xf32, #tpu.memory_space<hbm>>) target_semaphore(%arg14 : memref<!tpu.dma_semaphore, #tpu.memory_space<semaphore_mem>>)
    %broadcast_in_dim3A_79 = arith.constant 0.000000e+00 : f32
    %broadcast_in_dim3A_80 = vector.broadcast %broadcast_in_dim3A_79 : f32 to vector<16xf32>
    %scan3A_81 = arith.constant 0 : i32
    %scan3A_82 = arith.constant 0 : i32
    %scan3A_83 = arith.constant 160 : i32
    %scan3A_84 = arith.addi %scan3A_82, %scan3A_83 : i32
    %scan3A_85 = arith.constant 1 : i32
    %scan3A_86 = scf.for %scan3A_450 = %scan3A_82 to %scan3A_84 step %scan3A_85 iter_args(%scan3A_451 = %scan3A_81) -> (i32)  : i32 {
      %mul3A_452 = arith.constant 8 : i32
      %mul3A_453 = arith.muli %scan3A_450, %mul3A_452 : i32
      %mul3A_454 = arith.constant 16 : i32
      %mul3A_455 = arith.muli %mul3A_453, %mul3A_454 : i32
      %add3A_456 = arith.constant 0 : i32
      %add3A_457 = arith.addi %mul3A_455, %add3A_456 : i32
      %swap3A = arith.index_cast %add3A_457 : i32 to index
      %swap3A_458 = tpu.vector_load %arg10[%swap3A] {strides = array<i32>} : memref<20480xf32, #tpu.memory_space<vmem>>, vector<16xf32>,
      tpu.vector_store %arg10[%swap3A], %broadcast_in_dim3A_80 {strides = array<i32>} : memref<20480xf32, #tpu.memory_space<vmem>>, vector<16xf32>,
      %mul3A_459 = arith.constant 8 : i32
      %mul3A_460 = arith.muli %scan3A_450, %mul3A_459 : i32
      %mul3A_461 = arith.constant 16 : i32
      %mul3A_462 = arith.muli %mul3A_460, %mul3A_461 : i32
      %add3A_463 = arith.constant 16 : i32
      %add3A_464 = arith.addi %mul3A_462, %add3A_463 : i32
      %swap3A_465 = arith.index_cast %add3A_464 : i32 to index
      %swap3A_466 = tpu.vector_load %arg10[%swap3A_465] {strides = array<i32>} : memref<20480xf32, #tpu.memory_space<vmem>>, vector<16xf32>,
      tpu.vector_store %arg10[%swap3A_465], %broadcast_in_dim3A_80 {strides = array<i32>} : memref<20480xf32, #tpu.memory_space<vmem>>, vector<16xf32>,
      %mul3A_467 = arith.constant 8 : i32
      %mul3A_468 = arith.muli %scan3A_450, %mul3A_467 : i32
      %mul3A_469 = arith.constant 16 : i32
      %mul3A_470 = arith.muli %mul3A_468, %mul3A_469 : i32
      %add3A_471 = arith.constant 32 : i32
      %add3A_472 = arith.addi %mul3A_470, %add3A_471 : i32
      %swap3A_473 = arith.index_cast %add3A_472 : i32 to index
      %swap3A_474 = tpu.vector_load %arg10[%swap3A_473] {strides = array<i32>} : memref<20480xf32, #tpu.memory_space<vmem>>, vector<16xf32>,
      tpu.vector_store %arg10[%swap3A_473], %broadcast_in_dim3A_80 {strides = array<i32>} : memref<20480xf32, #tpu.memory_space<vmem>>, vector<16xf32>,
      %mul3A_475 = arith.constant 8 : i32
      %mul3A_476 = arith.muli %scan3A_450, %mul3A_475 : i32
      %mul3A_477 = arith.constant 16 : i32
      %mul3A_478 = arith.muli %mul3A_476, %mul3A_477 : i32
      %add3A_479 = arith.constant 48 : i32
      %add3A_480 = arith.addi %mul3A_478, %add3A_479 : i32
      %swap3A_481 = arith.index_cast %add3A_480 : i32 to index
      %swap3A_482 = tpu.vector_load %arg10[%swap3A_481] {strides = array<i32>} : memref<20480xf32, #tpu.memory_space<vmem>>, vector<16xf32>,
      tpu.vector_store %arg10[%swap3A_481], %broadcast_in_dim3A_80 {strides = array<i32>} : memref<20480xf32, #tpu.memory_space<vmem>>, vector<16xf32>,
      %mul3A_483 = arith.constant 8 : i32
      %mul3A_484 = arith.muli %scan3A_450, %mul3A_483 : i32
      %mul3A_485 = arith.constant 16 : i32
      %mul3A_486 = arith.muli %mul3A_484, %mul3A_485 : i32
      %add3A_487 = arith.constant 64 : i32
      %add3A_488 = arith.addi %mul3A_486, %add3A_487 : i32
      %swap3A_489 = arith.index_cast %add3A_488 : i32 to index
      %swap3A_490 = tpu.vector_load %arg10[%swap3A_489] {strides = array<i32>} : memref<20480xf32, #tpu.memory_space<vmem>>, vector<16xf32>,
      tpu.vector_store %arg10[%swap3A_489], %broadcast_in_dim3A_80 {strides = array<i32>} : memref<20480xf32, #tpu.memory_space<vmem>>, vector<16xf32>,
      %mul3A_491 = arith.constant 8 : i32
      %mul3A_492 = arith.muli %scan3A_450, %mul3A_491 : i32
      %mul3A_493 = arith.constant 16 : i32
      %mul3A_494 = arith.muli %mul3A_492, %mul3A_493 : i32
      %add3A_495 = arith.constant 80 : i32
      %add3A_496 = arith.addi %mul3A_494, %add3A_495 : i32
      %swap3A_497 = arith.index_cast %add3A_496 : i32 to index
      %swap3A_498 = tpu.vector_load %arg10[%swap3A_497] {strides = array<i32>} : memref<20480xf32, #tpu.memory_space<vmem>>, vector<16xf32>,
      tpu.vector_store %arg10[%swap3A_497], %broadcast_in_dim3A_80 {strides = array<i32>} : memref<20480xf32, #tpu.memory_space<vmem>>, vector<16xf32>,
      %mul3A_499 = arith.constant 8 : i32
      %mul3A_500 = arith.muli %scan3A_450, %mul3A_499 : i32
      %mul3A_501 = arith.constant 16 : i32
      %mul3A_502 = arith.muli %mul3A_500, %mul3A_501 : i32
      %add3A_503 = arith.constant 96 : i32
      %add3A_504 = arith.addi %mul3A_502, %add3A_503 : i32
      %swap3A_505 = arith.index_cast %add3A_504 : i32 to index
      %swap3A_506 = tpu.vector_load %arg10[%swap3A_505] {strides = array<i32>} : memref<20480xf32, #tpu.memory_space<vmem>>, vector<16xf32>,
      tpu.vector_store %arg10[%swap3A_505], %broadcast_in_dim3A_80 {strides = array<i32>} : memref<20480xf32, #tpu.memory_space<vmem>>, vector<16xf32>,
      %mul3A_507 = arith.constant 8 : i32
      %mul3A_508 = arith.muli %scan3A_450, %mul3A_507 : i32
      %mul3A_509 = arith.constant 16 : i32
      %mul3A_510 = arith.muli %mul3A_508, %mul3A_509 : i32
      %add3A_511 = arith.constant 112 : i32
      %add3A_512 = arith.addi %mul3A_510, %add3A_511 : i32
      %swap3A_513 = arith.index_cast %add3A_512 : i32 to index
      %swap3A_514 = tpu.vector_load %arg10[%swap3A_513] {strides = array<i32>} : memref<20480xf32, #tpu.memory_space<vmem>>, vector<16xf32>,
      tpu.vector_store %arg10[%swap3A_513], %broadcast_in_dim3A_80 {strides = array<i32>} : memref<20480xf32, #tpu.memory_space<vmem>>, vector<16xf32>,
      %scan3A_515 = arith.constant 0 : i32
      scf.yield %scan3A_515 : i32
    }
    %scan3A_87 = arith.constant 160 : i32
    %add3A_88 = arith.constant 32 : i32
    %add3A_89 = arith.addi %add3A, %add3A_88 : i32
    %mul3A_90 = arith.constant 160 : i32
    %mul3A_91 = arith.muli %add3A_89, %mul3A_90 : i32
    "tpu.region"() ({
      %run_scoped3A = tpu.sem_alloc : memref<!tpu.dma_semaphore, #tpu.memory_space<semaphore_mem>>
      %dma_start3A_450 = tpu.memref_slice %arg2[%mul3A_91] : memref<100000xi32, #tpu.memory_space<hbm>> -> memref<160xi32, #tpu.memory_space<hbm>>
      %dma_start3A_451 = tpu.memref_slice %arg2[%mul3A_91] : memref<100000xi32, #tpu.memory_space<hbm>> -> memref<160xi32, #tpu.memory_space<hbm>>
      tpu.enqueue_dma source(%dma_start3A_451 : memref<160xi32, #tpu.memory_space<hbm>>) target(%arg5 : memref<160xi32, #tpu.memory_space<vmem>>) target_semaphore(%run_scoped3A : memref<!tpu.dma_semaphore, #tpu.memory_space<semaphore_mem>>)
      %dma_wait3A = tpu.memref_slice %arg2[%mul3A_91] : memref<100000xi32, #tpu.memory_space<hbm>> -> memref<160xi32, #tpu.memory_space<hbm>>
      %dma_wait3A_452 = tpu.memref_slice %arg2[%mul3A_91] : memref<100000xi32, #tpu.memory_space<hbm>> -> memref<160xi32, #tpu.memory_space<hbm>>
      tpu.wait_dma2 semaphore(%run_scoped3A : memref<!tpu.dma_semaphore, #tpu.memory_space<semaphore_mem>>) src(%dma_wait3A_452 : memref<160xi32, #tpu.memory_space<hbm>>) dst(%arg5 : memref<160xi32, #tpu.memory_space<vmem>>)
      tpu.yield
    }) : () -> ()
    %broadcast_in_dim3A_92 = arith.constant 1.000000e+00 : f32
    %broadcast_in_dim3A_93 = vector.broadcast %broadcast_in_dim3A_92 : f32 to vector<16xf32>
    %iota3A_94 = tpu.iota {dimensions = array<i32: 0>} : vector<16xi32>
    %mul3A_95 = arith.constant 128 : i32
    %mul3A_96 = vector.broadcast %mul3A_95 : i32 to vector<16xi32>
    %mul3A_97 = arith.muli %iota3A_94, %mul3A_96 : vector<16xi32>
    %get3A_98 = arith.constant 0 : index
    %get3A_99 = tpu.vector_load %arg5[%get3A_98] {strides = array<i32>} : memref<160xi32, #tpu.memory_space<vmem>>, vector<16xi32>,
    %add3A_100 = arith.constant 0 : i32
    %add3A_101 = vector.broadcast %add3A_100 : i32 to vector<16xi32>
    %add3A_102 = arith.addi %mul3A_97, %add3A_101 : vector<16xi32>
    %add3A_103 = arith.addi %add3A_102, %get3A_99 : vector<16xi32>
    tpu.vector_store_idx %arg10[%add3A_103], %broadcast_in_dim3A_93 : memref<20480xf32, #tpu.memory_space<vmem>>[vector<16xi32>], vector<16xf32>,
    %get3A_104 = arith.constant 16 : index
    %get3A_105 = tpu.vector_load %arg5[%get3A_104] {strides = array<i32>} : memref<160xi32, #tpu.memory_space<vmem>>, vector<16xi32>,
    %add3A_106 = arith.constant 2048 : i32
    %add3A_107 = vector.broadcast %add3A_106 : i32 to vector<16xi32>
    %add3A_108 = arith.addi %mul3A_97, %add3A_107 : vector<16xi32>
    %add3A_109 = arith.addi %add3A_108, %get3A_105 : vector<16xi32>
    tpu.vector_store_idx %arg10[%add3A_109], %broadcast_in_dim3A_93 : memref<20480xf32, #tpu.memory_space<vmem>>[vector<16xi32>], vector<16xf32>,
    %get3A_110 = arith.constant 32 : index
    %get3A_111 = tpu.vector_load %arg5[%get3A_110] {strides = array<i32>} : memref<160xi32, #tpu.memory_space<vmem>>, vector<16xi32>,
    %add3A_112 = arith.constant 4096 : i32
    %add3A_113 = vector.broadcast %add3A_112 : i32 to vector<16xi32>
    %add3A_114 = arith.addi %mul3A_97, %add3A_113 : vector<16xi32>
    %add3A_115 = arith.addi %add3A_114, %get3A_111 : vector<16xi32>
    tpu.vector_store_idx %arg10[%add3A_115], %broadcast_in_dim3A_93 : memref<20480xf32, #tpu.memory_space<vmem>>[vector<16xi32>], vector<16xf32>,
    %get3A_116 = arith.constant 48 : index
    %get3A_117 = tpu.vector_load %arg5[%get3A_116] {strides = array<i32>} : memref<160xi32, #tpu.memory_space<vmem>>, vector<16xi32>,
    %add3A_118 = arith.constant 6144 : i32
    %add3A_119 = vector.broadcast %add3A_118 : i32 to vector<16xi32>
    %add3A_120 = arith.addi %mul3A_97, %add3A_119 : vector<16xi32>
    %add3A_121 = arith.addi %add3A_120, %get3A_117 : vector<16xi32>
    tpu.vector_store_idx %arg10[%add3A_121], %broadcast_in_dim3A_93 : memref<20480xf32, #tpu.memory_space<vmem>>[vector<16xi32>], vector<16xf32>,
    %get3A_122 = arith.constant 64 : index
    %get3A_123 = tpu.vector_load %arg5[%get3A_122] {strides = array<i32>} : memref<160xi32, #tpu.memory_space<vmem>>, vector<16xi32>,
    %add3A_124 = arith.constant 8192 : i32
    %add3A_125 = vector.broadcast %add3A_124 : i32 to vector<16xi32>
    %add3A_126 = arith.addi %mul3A_97, %add3A_125 : vector<16xi32>
    %add3A_127 = arith.addi %add3A_126, %get3A_123 : vector<16xi32>
    tpu.vector_store_idx %arg10[%add3A_127], %broadcast_in_dim3A_93 : memref<20480xf32, #tpu.memory_space<vmem>>[vector<16xi32>], vector<16xf32>,
    %get3A_128 = arith.constant 80 : index
    %get3A_129 = tpu.vector_load %arg5[%get3A_128] {strides = array<i32>} : memref<160xi32, #tpu.memory_space<vmem>>, vector<16xi32>,
    %add3A_130 = arith.constant 10240 : i32
    %add3A_131 = vector.broadcast %add3A_130 : i32 to vector<16xi32>
    %add3A_132 = arith.addi %mul3A_97, %add3A_131 : vector<16xi32>
    %add3A_133 = arith.addi %add3A_132, %get3A_129 : vector<16xi32>
    tpu.vector_store_idx %arg10[%add3A_133], %broadcast_in_dim3A_93 : memref<20480xf32, #tpu.memory_space<vmem>>[vector<16xi32>], vector<16xf32>,
    %get3A_134 = arith.constant 96 : index
    %get3A_135 = tpu.vector_load %arg5[%get3A_134] {strides = array<i32>} : memref<160xi32, #tpu.memory_space<vmem>>, vector<16xi32>,
    %add3A_136 = arith.constant 12288 : i32
    %add3A_137 = vector.broadcast %add3A_136 : i32 to vector<16xi32>
    %add3A_138 = arith.addi %mul3A_97, %add3A_137 : vector<16xi32>
    %add3A_139 = arith.addi %add3A_138, %get3A_135 : vector<16xi32>
    tpu.vector_store_idx %arg10[%add3A_139], %broadcast_in_dim3A_93 : memref<20480xf32, #tpu.memory_space<vmem>>[vector<16xi32>], vector<16xf32>,
    %get3A_140 = arith.constant 112 : index
    %get3A_141 = tpu.vector_load %arg5[%get3A_140] {strides = array<i32>} : memref<160xi32, #tpu.memory_space<vmem>>, vector<16xi32>,
    %add3A_142 = arith.constant 14336 : i32
    %add3A_143 = vector.broadcast %add3A_142 : i32 to vector<16xi32>
    %add3A_144 = arith.addi %mul3A_97, %add3A_143 : vector<16xi32>
    %add3A_145 = arith.addi %add3A_144, %get3A_141 : vector<16xi32>
    tpu.vector_store_idx %arg10[%add3A_145], %broadcast_in_dim3A_93 : memref<20480xf32, #tpu.memory_space<vmem>>[vector<16xi32>], vector<16xf32>,
    %get3A_146 = arith.constant 128 : index
    %get3A_147 = tpu.vector_load %arg5[%get3A_146] {strides = array<i32>} : memref<160xi32, #tpu.memory_space<vmem>>, vector<16xi32>,
    %add3A_148 = arith.constant 16384 : i32
    %add3A_149 = vector.broadcast %add3A_148 : i32 to vector<16xi32>
    %add3A_150 = arith.addi %mul3A_97, %add3A_149 : vector<16xi32>
    %add3A_151 = arith.addi %add3A_150, %get3A_147 : vector<16xi32>
    tpu.vector_store_idx %arg10[%add3A_151], %broadcast_in_dim3A_93 : memref<20480xf32, #tpu.memory_space<vmem>>[vector<16xi32>], vector<16xf32>,
    %get3A_152 = arith.constant 144 : index
    %get3A_153 = tpu.vector_load %arg5[%get3A_152] {strides = array<i32>} : memref<160xi32, #tpu.memory_space<vmem>>, vector<16xi32>,
    %add3A_154 = arith.constant 18432 : i32
    %add3A_155 = vector.broadcast %add3A_154 : i32 to vector<16xi32>
    %add3A_156 = arith.addi %mul3A_97, %add3A_155 : vector<16xi32>
    %add3A_157 = arith.addi %add3A_156, %get3A_153 : vector<16xi32>
    tpu.vector_store_idx %arg10[%add3A_157], %broadcast_in_dim3A_93 : memref<20480xf32, #tpu.memory_space<vmem>>[vector<16xi32>], vector<16xf32>,
    %mul3A_158 = arith.constant 128 : i32
    %mul3A_159 = arith.muli %mul3A_91, %mul3A_158 : i32
    %dma_start3A_160 = tpu.memref_slice %arg3[%mul3A_159] : memref<12800000xf32, #tpu.memory_space<hbm>> -> memref<20480xf32, #tpu.memory_space<hbm>>
    %dma_start3A_161 = tpu.memref_slice %arg3[%mul3A_159] : memref<12800000xf32, #tpu.memory_space<hbm>> -> memref<20480xf32, #tpu.memory_space<hbm>>
    tpu.enqueue_dma source(%arg10 : memref<20480xf32, #tpu.memory_space<vmem>>) target(%dma_start3A_161 : memref<20480xf32, #tpu.memory_space<hbm>>) target_semaphore(%arg15 : memref<!tpu.dma_semaphore, #tpu.memory_space<semaphore_mem>>)
    %broadcast_in_dim3A_162 = arith.constant 0.000000e+00 : f32
    %broadcast_in_dim3A_163 = vector.broadcast %broadcast_in_dim3A_162 : f32 to vector<16xf32>
    %scan3A_164 = arith.constant 0 : i32
    %scan3A_165 = arith.constant 0 : i32
    %scan3A_166 = arith.constant 160 : i32
    %scan3A_167 = arith.addi %scan3A_165, %scan3A_166 : i32
    %scan3A_168 = arith.constant 1 : i32
    %scan3A_169 = scf.for %scan3A_450 = %scan3A_165 to %scan3A_167 step %scan3A_168 iter_args(%scan3A_451 = %scan3A_164) -> (i32)  : i32 {
      %mul3A_452 = arith.constant 8 : i32
      %mul3A_453 = arith.muli %scan3A_450, %mul3A_452 : i32
      %mul3A_454 = arith.constant 16 : i32
      %mul3A_455 = arith.muli %mul3A_453, %mul3A_454 : i32
      %add3A_456 = arith.constant 0 : i32
      %add3A_457 = arith.addi %mul3A_455, %add3A_456 : i32
      %swap3A = arith.index_cast %add3A_457 : i32 to index
      %swap3A_458 = tpu.vector_load %arg11[%swap3A] {strides = array<i32>} : memref<20480xf32, #tpu.memory_space<vmem>>, vector<16xf32>,
      tpu.vector_store %arg11[%swap3A], %broadcast_in_dim3A_163 {strides = array<i32>} : memref<20480xf32, #tpu.memory_space<vmem>>, vector<16xf32>,
      %mul3A_459 = arith.constant 8 : i32
      %mul3A_460 = arith.muli %scan3A_450, %mul3A_459 : i32
      %mul3A_461 = arith.constant 16 : i32
      %mul3A_462 = arith.muli %mul3A_460, %mul3A_461 : i32
      %add3A_463 = arith.constant 16 : i32
      %add3A_464 = arith.addi %mul3A_462, %add3A_463 : i32
      %swap3A_465 = arith.index_cast %add3A_464 : i32 to index
      %swap3A_466 = tpu.vector_load %arg11[%swap3A_465] {strides = array<i32>} : memref<20480xf32, #tpu.memory_space<vmem>>, vector<16xf32>,
      tpu.vector_store %arg11[%swap3A_465], %broadcast_in_dim3A_163 {strides = array<i32>} : memref<20480xf32, #tpu.memory_space<vmem>>, vector<16xf32>,
      %mul3A_467 = arith.constant 8 : i32
      %mul3A_468 = arith.muli %scan3A_450, %mul3A_467 : i32
      %mul3A_469 = arith.constant 16 : i32
      %mul3A_470 = arith.muli %mul3A_468, %mul3A_469 : i32
      %add3A_471 = arith.constant 32 : i32
      %add3A_472 = arith.addi %mul3A_470, %add3A_471 : i32
      %swap3A_473 = arith.index_cast %add3A_472 : i32 to index
      %swap3A_474 = tpu.vector_load %arg11[%swap3A_473] {strides = array<i32>} : memref<20480xf32, #tpu.memory_space<vmem>>, vector<16xf32>,
      tpu.vector_store %arg11[%swap3A_473], %broadcast_in_dim3A_163 {strides = array<i32>} : memref<20480xf32, #tpu.memory_space<vmem>>, vector<16xf32>,
      %mul3A_475 = arith.constant 8 : i32
      %mul3A_476 = arith.muli %scan3A_450, %mul3A_475 : i32
      %mul3A_477 = arith.constant 16 : i32
      %mul3A_478 = arith.muli %mul3A_476, %mul3A_477 : i32
      %add3A_479 = arith.constant 48 : i32
      %add3A_480 = arith.addi %mul3A_478, %add3A_479 : i32
      %swap3A_481 = arith.index_cast %add3A_480 : i32 to index
      %swap3A_482 = tpu.vector_load %arg11[%swap3A_481] {strides = array<i32>} : memref<20480xf32, #tpu.memory_space<vmem>>, vector<16xf32>,
      tpu.vector_store %arg11[%swap3A_481], %broadcast_in_dim3A_163 {strides = array<i32>} : memref<20480xf32, #tpu.memory_space<vmem>>, vector<16xf32>,
      %mul3A_483 = arith.constant 8 : i32
      %mul3A_484 = arith.muli %scan3A_450, %mul3A_483 : i32
      %mul3A_485 = arith.constant 16 : i32
      %mul3A_486 = arith.muli %mul3A_484, %mul3A_485 : i32
      %add3A_487 = arith.constant 64 : i32
      %add3A_488 = arith.addi %mul3A_486, %add3A_487 : i32
      %swap3A_489 = arith.index_cast %add3A_488 : i32 to index
      %swap3A_490 = tpu.vector_load %arg11[%swap3A_489] {strides = array<i32>} : memref<20480xf32, #tpu.memory_space<vmem>>, vector<16xf32>,
      tpu.vector_store %arg11[%swap3A_489], %broadcast_in_dim3A_163 {strides = array<i32>} : memref<20480xf32, #tpu.memory_space<vmem>>, vector<16xf32>,
      %mul3A_491 = arith.constant 8 : i32
      %mul3A_492 = arith.muli %scan3A_450, %mul3A_491 : i32
      %mul3A_493 = arith.constant 16 : i32
      %mul3A_494 = arith.muli %mul3A_492, %mul3A_493 : i32
      %add3A_495 = arith.constant 80 : i32
      %add3A_496 = arith.addi %mul3A_494, %add3A_495 : i32
      %swap3A_497 = arith.index_cast %add3A_496 : i32 to index
      %swap3A_498 = tpu.vector_load %arg11[%swap3A_497] {strides = array<i32>} : memref<20480xf32, #tpu.memory_space<vmem>>, vector<16xf32>,
      tpu.vector_store %arg11[%swap3A_497], %broadcast_in_dim3A_163 {strides = array<i32>} : memref<20480xf32, #tpu.memory_space<vmem>>, vector<16xf32>,
      %mul3A_499 = arith.constant 8 : i32
      %mul3A_500 = arith.muli %scan3A_450, %mul3A_499 : i32
      %mul3A_501 = arith.constant 16 : i32
      %mul3A_502 = arith.muli %mul3A_500, %mul3A_501 : i32
      %add3A_503 = arith.constant 96 : i32
      %add3A_504 = arith.addi %mul3A_502, %add3A_503 : i32
      %swap3A_505 = arith.index_cast %add3A_504 : i32 to index
      %swap3A_506 = tpu.vector_load %arg11[%swap3A_505] {strides = array<i32>} : memref<20480xf32, #tpu.memory_space<vmem>>, vector<16xf32>,
      tpu.vector_store %arg11[%swap3A_505], %broadcast_in_dim3A_163 {strides = array<i32>} : memref<20480xf32, #tpu.memory_space<vmem>>, vector<16xf32>,
      %mul3A_507 = arith.constant 8 : i32
      %mul3A_508 = arith.muli %scan3A_450, %mul3A_507 : i32
      %mul3A_509 = arith.constant 16 : i32
      %mul3A_510 = arith.muli %mul3A_508, %mul3A_509 : i32
      %add3A_511 = arith.constant 112 : i32
      %add3A_512 = arith.addi %mul3A_510, %add3A_511 : i32
      %swap3A_513 = arith.index_cast %add3A_512 : i32 to index
      %swap3A_514 = tpu.vector_load %arg11[%swap3A_513] {strides = array<i32>} : memref<20480xf32, #tpu.memory_space<vmem>>, vector<16xf32>,
      tpu.vector_store %arg11[%swap3A_513], %broadcast_in_dim3A_163 {strides = array<i32>} : memref<20480xf32, #tpu.memory_space<vmem>>, vector<16xf32>,
      %scan3A_515 = arith.constant 0 : i32
      scf.yield %scan3A_515 : i32
    }
    %scan3A_170 = arith.constant 160 : i32
    %add3A_171 = arith.constant 64 : i32
    %add3A_172 = arith.addi %add3A, %add3A_171 : i32
    %mul3A_173 = arith.constant 160 : i32
    %mul3A_174 = arith.muli %add3A_172, %mul3A_173 : i32
    "tpu.region"() ({
      %run_scoped3A = tpu.sem_alloc : memref<!tpu.dma_semaphore, #tpu.memory_space<semaphore_mem>>
      %dma_start3A_450 = tpu.memref_slice %arg2[%mul3A_174] : memref<100000xi32, #tpu.memory_space<hbm>> -> memref<160xi32, #tpu.memory_space<hbm>>
      %dma_start3A_451 = tpu.memref_slice %arg2[%mul3A_174] : memref<100000xi32, #tpu.memory_space<hbm>> -> memref<160xi32, #tpu.memory_space<hbm>>
      tpu.enqueue_dma source(%dma_start3A_451 : memref<160xi32, #tpu.memory_space<hbm>>) target(%arg6 : memref<160xi32, #tpu.memory_space<vmem>>) target_semaphore(%run_scoped3A : memref<!tpu.dma_semaphore, #tpu.memory_space<semaphore_mem>>)
      %dma_wait3A = tpu.memref_slice %arg2[%mul3A_174] : memref<100000xi32, #tpu.memory_space<hbm>> -> memref<160xi32, #tpu.memory_space<hbm>>
      %dma_wait3A_452 = tpu.memref_slice %arg2[%mul3A_174] : memref<100000xi32, #tpu.memory_space<hbm>> -> memref<160xi32, #tpu.memory_space<hbm>>
      tpu.wait_dma2 semaphore(%run_scoped3A : memref<!tpu.dma_semaphore, #tpu.memory_space<semaphore_mem>>) src(%dma_wait3A_452 : memref<160xi32, #tpu.memory_space<hbm>>) dst(%arg6 : memref<160xi32, #tpu.memory_space<vmem>>)
      tpu.yield
    }) : () -> ()
    %broadcast_in_dim3A_175 = arith.constant 1.000000e+00 : f32
    %broadcast_in_dim3A_176 = vector.broadcast %broadcast_in_dim3A_175 : f32 to vector<16xf32>
    %iota3A_177 = tpu.iota {dimensions = array<i32: 0>} : vector<16xi32>
    %mul3A_178 = arith.constant 128 : i32
    %mul3A_179 = vector.broadcast %mul3A_178 : i32 to vector<16xi32>
    %mul3A_180 = arith.muli %iota3A_177, %mul3A_179 : vector<16xi32>
    %get3A_181 = arith.constant 0 : index
    %get3A_182 = tpu.vector_load %arg6[%get3A_181] {strides = array<i32>} : memref<160xi32, #tpu.memory_space<vmem>>, vector<16xi32>,
    %add3A_183 = arith.constant 0 : i32
    %add3A_184 = vector.broadcast %add3A_183 : i32 to vector<16xi32>
    %add3A_185 = arith.addi %mul3A_180, %add3A_184 : vector<16xi32>
    %add3A_186 = arith.addi %add3A_185, %get3A_182 : vector<16xi32>
    tpu.vector_store_idx %arg11[%add3A_186], %broadcast_in_dim3A_176 : memref<20480xf32, #tpu.memory_space<vmem>>[vector<16xi32>], vector<16xf32>,
    %get3A_187 = arith.constant 16 : index
    %get3A_188 = tpu.vector_load %arg6[%get3A_187] {strides = array<i32>} : memref<160xi32, #tpu.memory_space<vmem>>, vector<16xi32>,
    %add3A_189 = arith.constant 2048 : i32
    %add3A_190 = vector.broadcast %add3A_189 : i32 to vector<16xi32>
    %add3A_191 = arith.addi %mul3A_180, %add3A_190 : vector<16xi32>
    %add3A_192 = arith.addi %add3A_191, %get3A_188 : vector<16xi32>
    tpu.vector_store_idx %arg11[%add3A_192], %broadcast_in_dim3A_176 : memref<20480xf32, #tpu.memory_space<vmem>>[vector<16xi32>], vector<16xf32>,
    %get3A_193 = arith.constant 32 : index
    %get3A_194 = tpu.vector_load %arg6[%get3A_193] {strides = array<i32>} : memref<160xi32, #tpu.memory_space<vmem>>, vector<16xi32>,
    %add3A_195 = arith.constant 4096 : i32
    %add3A_196 = vector.broadcast %add3A_195 : i32 to vector<16xi32>
    %add3A_197 = arith.addi %mul3A_180, %add3A_196 : vector<16xi32>
    %add3A_198 = arith.addi %add3A_197, %get3A_194 : vector<16xi32>
    tpu.vector_store_idx %arg11[%add3A_198], %broadcast_in_dim3A_176 : memref<20480xf32, #tpu.memory_space<vmem>>[vector<16xi32>], vector<16xf32>,
    %get3A_199 = arith.constant 48 : index
    %get3A_200 = tpu.vector_load %arg6[%get3A_199] {strides = array<i32>} : memref<160xi32, #tpu.memory_space<vmem>>, vector<16xi32>,
    %add3A_201 = arith.constant 6144 : i32
    %add3A_202 = vector.broadcast %add3A_201 : i32 to vector<16xi32>
    %add3A_203 = arith.addi %mul3A_180, %add3A_202 : vector<16xi32>
    %add3A_204 = arith.addi %add3A_203, %get3A_200 : vector<16xi32>
    tpu.vector_store_idx %arg11[%add3A_204], %broadcast_in_dim3A_176 : memref<20480xf32, #tpu.memory_space<vmem>>[vector<16xi32>], vector<16xf32>,
    %get3A_205 = arith.constant 64 : index
    %get3A_206 = tpu.vector_load %arg6[%get3A_205] {strides = array<i32>} : memref<160xi32, #tpu.memory_space<vmem>>, vector<16xi32>,
    %add3A_207 = arith.constant 8192 : i32
    %add3A_208 = vector.broadcast %add3A_207 : i32 to vector<16xi32>
    %add3A_209 = arith.addi %mul3A_180, %add3A_208 : vector<16xi32>
    %add3A_210 = arith.addi %add3A_209, %get3A_206 : vector<16xi32>
    tpu.vector_store_idx %arg11[%add3A_210], %broadcast_in_dim3A_176 : memref<20480xf32, #tpu.memory_space<vmem>>[vector<16xi32>], vector<16xf32>,
    %get3A_211 = arith.constant 80 : index
    %get3A_212 = tpu.vector_load %arg6[%get3A_211] {strides = array<i32>} : memref<160xi32, #tpu.memory_space<vmem>>, vector<16xi32>,
    %add3A_213 = arith.constant 10240 : i32
    %add3A_214 = vector.broadcast %add3A_213 : i32 to vector<16xi32>
    %add3A_215 = arith.addi %mul3A_180, %add3A_214 : vector<16xi32>
    %add3A_216 = arith.addi %add3A_215, %get3A_212 : vector<16xi32>
    tpu.vector_store_idx %arg11[%add3A_216], %broadcast_in_dim3A_176 : memref<20480xf32, #tpu.memory_space<vmem>>[vector<16xi32>], vector<16xf32>,
    %get3A_217 = arith.constant 96 : index
    %get3A_218 = tpu.vector_load %arg6[%get3A_217] {strides = array<i32>} : memref<160xi32, #tpu.memory_space<vmem>>, vector<16xi32>,
    %add3A_219 = arith.constant 12288 : i32
    %add3A_220 = vector.broadcast %add3A_219 : i32 to vector<16xi32>
    %add3A_221 = arith.addi %mul3A_180, %add3A_220 : vector<16xi32>
    %add3A_222 = arith.addi %add3A_221, %get3A_218 : vector<16xi32>
    tpu.vector_store_idx %arg11[%add3A_222], %broadcast_in_dim3A_176 : memref<20480xf32, #tpu.memory_space<vmem>>[vector<16xi32>], vector<16xf32>,
    %get3A_223 = arith.constant 112 : index
    %get3A_224 = tpu.vector_load %arg6[%get3A_223] {strides = array<i32>} : memref<160xi32, #tpu.memory_space<vmem>>, vector<16xi32>,
    %add3A_225 = arith.constant 14336 : i32
    %add3A_226 = vector.broadcast %add3A_225 : i32 to vector<16xi32>
    %add3A_227 = arith.addi %mul3A_180, %add3A_226 : vector<16xi32>
    %add3A_228 = arith.addi %add3A_227, %get3A_224 : vector<16xi32>
    tpu.vector_store_idx %arg11[%add3A_228], %broadcast_in_dim3A_176 : memref<20480xf32, #tpu.memory_space<vmem>>[vector<16xi32>], vector<16xf32>,
    %get3A_229 = arith.constant 128 : index
    %get3A_230 = tpu.vector_load %arg6[%get3A_229] {strides = array<i32>} : memref<160xi32, #tpu.memory_space<vmem>>, vector<16xi32>,
    %add3A_231 = arith.constant 16384 : i32
    %add3A_232 = vector.broadcast %add3A_231 : i32 to vector<16xi32>
    %add3A_233 = arith.addi %mul3A_180, %add3A_232 : vector<16xi32>
    %add3A_234 = arith.addi %add3A_233, %get3A_230 : vector<16xi32>
    tpu.vector_store_idx %arg11[%add3A_234], %broadcast_in_dim3A_176 : memref<20480xf32, #tpu.memory_space<vmem>>[vector<16xi32>], vector<16xf32>,
    %get3A_235 = arith.constant 144 : index
    %get3A_236 = tpu.vector_load %arg6[%get3A_235] {strides = array<i32>} : memref<160xi32, #tpu.memory_space<vmem>>, vector<16xi32>,
    %add3A_237 = arith.constant 18432 : i32
    %add3A_238 = vector.broadcast %add3A_237 : i32 to vector<16xi32>
    %add3A_239 = arith.addi %mul3A_180, %add3A_238 : vector<16xi32>
    %add3A_240 = arith.addi %add3A_239, %get3A_236 : vector<16xi32>
    tpu.vector_store_idx %arg11[%add3A_240], %broadcast_in_dim3A_176 : memref<20480xf32, #tpu.memory_space<vmem>>[vector<16xi32>], vector<16xf32>,
    %mul3A_241 = arith.constant 128 : i32
    %mul3A_242 = arith.muli %mul3A_174, %mul3A_241 : i32
    %dma_start3A_243 = tpu.memref_slice %arg3[%mul3A_242] : memref<12800000xf32, #tpu.memory_space<hbm>> -> memref<20480xf32, #tpu.memory_space<hbm>>
    %dma_start3A_244 = tpu.memref_slice %arg3[%mul3A_242] : memref<12800000xf32, #tpu.memory_space<hbm>> -> memref<20480xf32, #tpu.memory_space<hbm>>
    tpu.enqueue_dma source(%arg11 : memref<20480xf32, #tpu.memory_space<vmem>>) target(%dma_start3A_244 : memref<20480xf32, #tpu.memory_space<hbm>>) target_semaphore(%arg16 : memref<!tpu.dma_semaphore, #tpu.memory_space<semaphore_mem>>)
    %broadcast_in_dim3A_245 = arith.constant 0.000000e+00 : f32
    %broadcast_in_dim3A_246 = vector.broadcast %broadcast_in_dim3A_245 : f32 to vector<16xf32>
    %scan3A_247 = arith.constant 0 : i32
    %scan3A_248 = arith.constant 0 : i32
    %scan3A_249 = arith.constant 160 : i32
    %scan3A_250 = arith.addi %scan3A_248, %scan3A_249 : i32
    %scan3A_251 = arith.constant 1 : i32
    %scan3A_252 = scf.for %scan3A_450 = %scan3A_248 to %scan3A_250 step %scan3A_251 iter_args(%scan3A_451 = %scan3A_247) -> (i32)  : i32 {
      %mul3A_452 = arith.constant 8 : i32
      %mul3A_453 = arith.muli %scan3A_450, %mul3A_452 : i32
      %mul3A_454 = arith.constant 16 : i32
      %mul3A_455 = arith.muli %mul3A_453, %mul3A_454 : i32
      %add3A_456 = arith.constant 0 : i32
      %add3A_457 = arith.addi %mul3A_455, %add3A_456 : i32
      %swap3A = arith.index_cast %add3A_457 : i32 to index
      %swap3A_458 = tpu.vector_load %arg12[%swap3A] {strides = array<i32>} : memref<20480xf32, #tpu.memory_space<vmem>>, vector<16xf32>,
      tpu.vector_store %arg12[%swap3A], %broadcast_in_dim3A_246 {strides = array<i32>} : memref<20480xf32, #tpu.memory_space<vmem>>, vector<16xf32>,
      %mul3A_459 = arith.constant 8 : i32
      %mul3A_460 = arith.muli %scan3A_450, %mul3A_459 : i32
      %mul3A_461 = arith.constant 16 : i32
      %mul3A_462 = arith.muli %mul3A_460, %mul3A_461 : i32
      %add3A_463 = arith.constant 16 : i32
      %add3A_464 = arith.addi %mul3A_462, %add3A_463 : i32
      %swap3A_465 = arith.index_cast %add3A_464 : i32 to index
      %swap3A_466 = tpu.vector_load %arg12[%swap3A_465] {strides = array<i32>} : memref<20480xf32, #tpu.memory_space<vmem>>, vector<16xf32>,
      tpu.vector_store %arg12[%swap3A_465], %broadcast_in_dim3A_246 {strides = array<i32>} : memref<20480xf32, #tpu.memory_space<vmem>>, vector<16xf32>,
      %mul3A_467 = arith.constant 8 : i32
      %mul3A_468 = arith.muli %scan3A_450, %mul3A_467 : i32
      %mul3A_469 = arith.constant 16 : i32
      %mul3A_470 = arith.muli %mul3A_468, %mul3A_469 : i32
      %add3A_471 = arith.constant 32 : i32
      %add3A_472 = arith.addi %mul3A_470, %add3A_471 : i32
      %swap3A_473 = arith.index_cast %add3A_472 : i32 to index
      %swap3A_474 = tpu.vector_load %arg12[%swap3A_473] {strides = array<i32>} : memref<20480xf32, #tpu.memory_space<vmem>>, vector<16xf32>,
      tpu.vector_store %arg12[%swap3A_473], %broadcast_in_dim3A_246 {strides = array<i32>} : memref<20480xf32, #tpu.memory_space<vmem>>, vector<16xf32>,
      %mul3A_475 = arith.constant 8 : i32
      %mul3A_476 = arith.muli %scan3A_450, %mul3A_475 : i32
      %mul3A_477 = arith.constant 16 : i32
      %mul3A_478 = arith.muli %mul3A_476, %mul3A_477 : i32
      %add3A_479 = arith.constant 48 : i32
      %add3A_480 = arith.addi %mul3A_478, %add3A_479 : i32
      %swap3A_481 = arith.index_cast %add3A_480 : i32 to index
      %swap3A_482 = tpu.vector_load %arg12[%swap3A_481] {strides = array<i32>} : memref<20480xf32, #tpu.memory_space<vmem>>, vector<16xf32>,
      tpu.vector_store %arg12[%swap3A_481], %broadcast_in_dim3A_246 {strides = array<i32>} : memref<20480xf32, #tpu.memory_space<vmem>>, vector<16xf32>,
      %mul3A_483 = arith.constant 8 : i32
      %mul3A_484 = arith.muli %scan3A_450, %mul3A_483 : i32
      %mul3A_485 = arith.constant 16 : i32
      %mul3A_486 = arith.muli %mul3A_484, %mul3A_485 : i32
      %add3A_487 = arith.constant 64 : i32
      %add3A_488 = arith.addi %mul3A_486, %add3A_487 : i32
      %swap3A_489 = arith.index_cast %add3A_488 : i32 to index
      %swap3A_490 = tpu.vector_load %arg12[%swap3A_489] {strides = array<i32>} : memref<20480xf32, #tpu.memory_space<vmem>>, vector<16xf32>,
      tpu.vector_store %arg12[%swap3A_489], %broadcast_in_dim3A_246 {strides = array<i32>} : memref<20480xf32, #tpu.memory_space<vmem>>, vector<16xf32>,
      %mul3A_491 = arith.constant 8 : i32
      %mul3A_492 = arith.muli %scan3A_450, %mul3A_491 : i32
      %mul3A_493 = arith.constant 16 : i32
      %mul3A_494 = arith.muli %mul3A_492, %mul3A_493 : i32
      %add3A_495 = arith.constant 80 : i32
      %add3A_496 = arith.addi %mul3A_494, %add3A_495 : i32
      %swap3A_497 = arith.index_cast %add3A_496 : i32 to index
      %swap3A_498 = tpu.vector_load %arg12[%swap3A_497] {strides = array<i32>} : memref<20480xf32, #tpu.memory_space<vmem>>, vector<16xf32>,
      tpu.vector_store %arg12[%swap3A_497], %broadcast_in_dim3A_246 {strides = array<i32>} : memref<20480xf32, #tpu.memory_space<vmem>>, vector<16xf32>,
      %mul3A_499 = arith.constant 8 : i32
      %mul3A_500 = arith.muli %scan3A_450, %mul3A_499 : i32
      %mul3A_501 = arith.constant 16 : i32
      %mul3A_502 = arith.muli %mul3A_500, %mul3A_501 : i32
      %add3A_503 = arith.constant 96 : i32
      %add3A_504 = arith.addi %mul3A_502, %add3A_503 : i32
      %swap3A_505 = arith.index_cast %add3A_504 : i32 to index
      %swap3A_506 = tpu.vector_load %arg12[%swap3A_505] {strides = array<i32>} : memref<20480xf32, #tpu.memory_space<vmem>>, vector<16xf32>,
      tpu.vector_store %arg12[%swap3A_505], %broadcast_in_dim3A_246 {strides = array<i32>} : memref<20480xf32, #tpu.memory_space<vmem>>, vector<16xf32>,
      %mul3A_507 = arith.constant 8 : i32
      %mul3A_508 = arith.muli %scan3A_450, %mul3A_507 : i32
      %mul3A_509 = arith.constant 16 : i32
      %mul3A_510 = arith.muli %mul3A_508, %mul3A_509 : i32
      %add3A_511 = arith.constant 112 : i32
      %add3A_512 = arith.addi %mul3A_510, %add3A_511 : i32
      %swap3A_513 = arith.index_cast %add3A_512 : i32 to index
      %swap3A_514 = tpu.vector_load %arg12[%swap3A_513] {strides = array<i32>} : memref<20480xf32, #tpu.memory_space<vmem>>, vector<16xf32>,
      tpu.vector_store %arg12[%swap3A_513], %broadcast_in_dim3A_246 {strides = array<i32>} : memref<20480xf32, #tpu.memory_space<vmem>>, vector<16xf32>,
      %scan3A_515 = arith.constant 0 : i32
      scf.yield %scan3A_515 : i32
    }
    %scan3A_253 = arith.constant 160 : i32
    %add3A_254 = arith.constant 96 : i32
    %add3A_255 = arith.addi %add3A, %add3A_254 : i32
    %mul3A_256 = arith.constant 160 : i32
    %mul3A_257 = arith.muli %add3A_255, %mul3A_256 : i32
    "tpu.region"() ({
      %run_scoped3A = tpu.sem_alloc : memref<!tpu.dma_semaphore, #tpu.memory_space<semaphore_mem>>
      %dma_start3A_450 = tpu.memref_slice %arg2[%mul3A_257] : memref<100000xi32, #tpu.memory_space<hbm>> -> memref<160xi32, #tpu.memory_space<hbm>>
      %dma_start3A_451 = tpu.memref_slice %arg2[%mul3A_257] : memref<100000xi32, #tpu.memory_space<hbm>> -> memref<160xi32, #tpu.memory_space<hbm>>
      tpu.enqueue_dma source(%dma_start3A_451 : memref<160xi32, #tpu.memory_space<hbm>>) target(%arg7 : memref<160xi32, #tpu.memory_space<vmem>>) target_semaphore(%run_scoped3A : memref<!tpu.dma_semaphore, #tpu.memory_space<semaphore_mem>>)
      %dma_wait3A = tpu.memref_slice %arg2[%mul3A_257] : memref<100000xi32, #tpu.memory_space<hbm>> -> memref<160xi32, #tpu.memory_space<hbm>>
      %dma_wait3A_452 = tpu.memref_slice %arg2[%mul3A_257] : memref<100000xi32, #tpu.memory_space<hbm>> -> memref<160xi32, #tpu.memory_space<hbm>>
      tpu.wait_dma2 semaphore(%run_scoped3A : memref<!tpu.dma_semaphore, #tpu.memory_space<semaphore_mem>>) src(%dma_wait3A_452 : memref<160xi32, #tpu.memory_space<hbm>>) dst(%arg7 : memref<160xi32, #tpu.memory_space<vmem>>)
      tpu.yield
    }) : () -> ()
    %broadcast_in_dim3A_258 = arith.constant 1.000000e+00 : f32
    %broadcast_in_dim3A_259 = vector.broadcast %broadcast_in_dim3A_258 : f32 to vector<16xf32>
    %iota3A_260 = tpu.iota {dimensions = array<i32: 0>} : vector<16xi32>
    %mul3A_261 = arith.constant 128 : i32
    %mul3A_262 = vector.broadcast %mul3A_261 : i32 to vector<16xi32>
    %mul3A_263 = arith.muli %iota3A_260, %mul3A_262 : vector<16xi32>
    %get3A_264 = arith.constant 0 : index
    %get3A_265 = tpu.vector_load %arg7[%get3A_264] {strides = array<i32>} : memref<160xi32, #tpu.memory_space<vmem>>, vector<16xi32>,
    %add3A_266 = arith.constant 0 : i32
    %add3A_267 = vector.broadcast %add3A_266 : i32 to vector<16xi32>
    %add3A_268 = arith.addi %mul3A_263, %add3A_267 : vector<16xi32>
    %add3A_269 = arith.addi %add3A_268, %get3A_265 : vector<16xi32>
    tpu.vector_store_idx %arg12[%add3A_269], %broadcast_in_dim3A_259 : memref<20480xf32, #tpu.memory_space<vmem>>[vector<16xi32>], vector<16xf32>,
    %get3A_270 = arith.constant 16 : index
    %get3A_271 = tpu.vector_load %arg7[%get3A_270] {strides = array<i32>} : memref<160xi32, #tpu.memory_space<vmem>>, vector<16xi32>,
    %add3A_272 = arith.constant 2048 : i32
    %add3A_273 = vector.broadcast %add3A_272 : i32 to vector<16xi32>
    %add3A_274 = arith.addi %mul3A_263, %add3A_273 : vector<16xi32>
    %add3A_275 = arith.addi %add3A_274, %get3A_271 : vector<16xi32>
    tpu.vector_store_idx %arg12[%add3A_275], %broadcast_in_dim3A_259 : memref<20480xf32, #tpu.memory_space<vmem>>[vector<16xi32>], vector<16xf32>,
    %get3A_276 = arith.constant 32 : index
    %get3A_277 = tpu.vector_load %arg7[%get3A_276] {strides = array<i32>} : memref<160xi32, #tpu.memory_space<vmem>>, vector<16xi32>,
    %add3A_278 = arith.constant 4096 : i32
    %add3A_279 = vector.broadcast %add3A_278 : i32 to vector<16xi32>
    %add3A_280 = arith.addi %mul3A_263, %add3A_279 : vector<16xi32>
    %add3A_281 = arith.addi %add3A_280, %get3A_277 : vector<16xi32>
    tpu.vector_store_idx %arg12[%add3A_281], %broadcast_in_dim3A_259 : memref<20480xf32, #tpu.memory_space<vmem>>[vector<16xi32>], vector<16xf32>,
    %get3A_282 = arith.constant 48 : index
    %get3A_283 = tpu.vector_load %arg7[%get3A_282] {strides = array<i32>} : memref<160xi32, #tpu.memory_space<vmem>>, vector<16xi32>,
    %add3A_284 = arith.constant 6144 : i32
    %add3A_285 = vector.broadcast %add3A_284 : i32 to vector<16xi32>
    %add3A_286 = arith.addi %mul3A_263, %add3A_285 : vector<16xi32>
    %add3A_287 = arith.addi %add3A_286, %get3A_283 : vector<16xi32>
    tpu.vector_store_idx %arg12[%add3A_287], %broadcast_in_dim3A_259 : memref<20480xf32, #tpu.memory_space<vmem>>[vector<16xi32>], vector<16xf32>,
    %get3A_288 = arith.constant 64 : index
    %get3A_289 = tpu.vector_load %arg7[%get3A_288] {strides = array<i32>} : memref<160xi32, #tpu.memory_space<vmem>>, vector<16xi32>,
    %add3A_290 = arith.constant 8192 : i32
    %add3A_291 = vector.broadcast %add3A_290 : i32 to vector<16xi32>
    %add3A_292 = arith.addi %mul3A_263, %add3A_291 : vector<16xi32>
    %add3A_293 = arith.addi %add3A_292, %get3A_289 : vector<16xi32>
    tpu.vector_store_idx %arg12[%add3A_293], %broadcast_in_dim3A_259 : memref<20480xf32, #tpu.memory_space<vmem>>[vector<16xi32>], vector<16xf32>,
    %get3A_294 = arith.constant 80 : index
    %get3A_295 = tpu.vector_load %arg7[%get3A_294] {strides = array<i32>} : memref<160xi32, #tpu.memory_space<vmem>>, vector<16xi32>,
    %add3A_296 = arith.constant 10240 : i32
    %add3A_297 = vector.broadcast %add3A_296 : i32 to vector<16xi32>
    %add3A_298 = arith.addi %mul3A_263, %add3A_297 : vector<16xi32>
    %add3A_299 = arith.addi %add3A_298, %get3A_295 : vector<16xi32>
    tpu.vector_store_idx %arg12[%add3A_299], %broadcast_in_dim3A_259 : memref<20480xf32, #tpu.memory_space<vmem>>[vector<16xi32>], vector<16xf32>,
    %get3A_300 = arith.constant 96 : index
    %get3A_301 = tpu.vector_load %arg7[%get3A_300] {strides = array<i32>} : memref<160xi32, #tpu.memory_space<vmem>>, vector<16xi32>,
    %add3A_302 = arith.constant 12288 : i32
    %add3A_303 = vector.broadcast %add3A_302 : i32 to vector<16xi32>
    %add3A_304 = arith.addi %mul3A_263, %add3A_303 : vector<16xi32>
    %add3A_305 = arith.addi %add3A_304, %get3A_301 : vector<16xi32>
    tpu.vector_store_idx %arg12[%add3A_305], %broadcast_in_dim3A_259 : memref<20480xf32, #tpu.memory_space<vmem>>[vector<16xi32>], vector<16xf32>,
    %get3A_306 = arith.constant 112 : index
    %get3A_307 = tpu.vector_load %arg7[%get3A_306] {strides = array<i32>} : memref<160xi32, #tpu.memory_space<vmem>>, vector<16xi32>,
    %add3A_308 = arith.constant 14336 : i32
    %add3A_309 = vector.broadcast %add3A_308 : i32 to vector<16xi32>
    %add3A_310 = arith.addi %mul3A_263, %add3A_309 : vector<16xi32>
    %add3A_311 = arith.addi %add3A_310, %get3A_307 : vector<16xi32>
    tpu.vector_store_idx %arg12[%add3A_311], %broadcast_in_dim3A_259 : memref<20480xf32, #tpu.memory_space<vmem>>[vector<16xi32>], vector<16xf32>,
    %get3A_312 = arith.constant 128 : index
    %get3A_313 = tpu.vector_load %arg7[%get3A_312] {strides = array<i32>} : memref<160xi32, #tpu.memory_space<vmem>>, vector<16xi32>,
    %add3A_314 = arith.constant 16384 : i32
    %add3A_315 = vector.broadcast %add3A_314 : i32 to vector<16xi32>
    %add3A_316 = arith.addi %mul3A_263, %add3A_315 : vector<16xi32>
    %add3A_317 = arith.addi %add3A_316, %get3A_313 : vector<16xi32>
    tpu.vector_store_idx %arg12[%add3A_317], %broadcast_in_dim3A_259 : memref<20480xf32, #tpu.memory_space<vmem>>[vector<16xi32>], vector<16xf32>,
    %get3A_318 = arith.constant 144 : index
    %get3A_319 = tpu.vector_load %arg7[%get3A_318] {strides = array<i32>} : memref<160xi32, #tpu.memory_space<vmem>>, vector<16xi32>,
    %add3A_320 = arith.constant 18432 : i32
    %add3A_321 = vector.broadcast %add3A_320 : i32 to vector<16xi32>
    %add3A_322 = arith.addi %mul3A_263, %add3A_321 : vector<16xi32>
    %add3A_323 = arith.addi %add3A_322, %get3A_319 : vector<16xi32>
    tpu.vector_store_idx %arg12[%add3A_323], %broadcast_in_dim3A_259 : memref<20480xf32, #tpu.memory_space<vmem>>[vector<16xi32>], vector<16xf32>,
    %mul3A_324 = arith.constant 128 : i32
    %mul3A_325 = arith.muli %mul3A_257, %mul3A_324 : i32
    %dma_start3A_326 = tpu.memref_slice %arg3[%mul3A_325] : memref<12800000xf32, #tpu.memory_space<hbm>> -> memref<20480xf32, #tpu.memory_space<hbm>>
    %dma_start3A_327 = tpu.memref_slice %arg3[%mul3A_325] : memref<12800000xf32, #tpu.memory_space<hbm>> -> memref<20480xf32, #tpu.memory_space<hbm>>
    tpu.enqueue_dma source(%arg12 : memref<20480xf32, #tpu.memory_space<vmem>>) target(%dma_start3A_327 : memref<20480xf32, #tpu.memory_space<hbm>>) target_semaphore(%arg17 : memref<!tpu.dma_semaphore, #tpu.memory_space<semaphore_mem>>)
    %broadcast_in_dim3A_328 = arith.constant 0.000000e+00 : f32
    %broadcast_in_dim3A_329 = vector.broadcast %broadcast_in_dim3A_328 : f32 to vector<16xf32>
    %scan3A_330 = arith.constant 0 : i32
    %scan3A_331 = arith.constant 0 : i32
    %scan3A_332 = arith.constant 160 : i32
    %scan3A_333 = arith.addi %scan3A_331, %scan3A_332 : i32
    %scan3A_334 = arith.constant 1 : i32
    %scan3A_335 = scf.for %scan3A_450 = %scan3A_331 to %scan3A_333 step %scan3A_334 iter_args(%scan3A_451 = %scan3A_330) -> (i32)  : i32 {
      %mul3A_452 = arith.constant 8 : i32
      %mul3A_453 = arith.muli %scan3A_450, %mul3A_452 : i32
      %mul3A_454 = arith.constant 16 : i32
      %mul3A_455 = arith.muli %mul3A_453, %mul3A_454 : i32
      %add3A_456 = arith.constant 0 : i32
      %add3A_457 = arith.addi %mul3A_455, %add3A_456 : i32
      %swap3A = arith.index_cast %add3A_457 : i32 to index
      %swap3A_458 = tpu.vector_load %arg13[%swap3A] {strides = array<i32>} : memref<20480xf32, #tpu.memory_space<vmem>>, vector<16xf32>,
      tpu.vector_store %arg13[%swap3A], %broadcast_in_dim3A_329 {strides = array<i32>} : memref<20480xf32, #tpu.memory_space<vmem>>, vector<16xf32>,
      %mul3A_459 = arith.constant 8 : i32
      %mul3A_460 = arith.muli %scan3A_450, %mul3A_459 : i32
      %mul3A_461 = arith.constant 16 : i32
      %mul3A_462 = arith.muli %mul3A_460, %mul3A_461 : i32
      %add3A_463 = arith.constant 16 : i32
      %add3A_464 = arith.addi %mul3A_462, %add3A_463 : i32
      %swap3A_465 = arith.index_cast %add3A_464 : i32 to index
      %swap3A_466 = tpu.vector_load %arg13[%swap3A_465] {strides = array<i32>} : memref<20480xf32, #tpu.memory_space<vmem>>, vector<16xf32>,
      tpu.vector_store %arg13[%swap3A_465], %broadcast_in_dim3A_329 {strides = array<i32>} : memref<20480xf32, #tpu.memory_space<vmem>>, vector<16xf32>,
      %mul3A_467 = arith.constant 8 : i32
      %mul3A_468 = arith.muli %scan3A_450, %mul3A_467 : i32
      %mul3A_469 = arith.constant 16 : i32
      %mul3A_470 = arith.muli %mul3A_468, %mul3A_469 : i32
      %add3A_471 = arith.constant 32 : i32
      %add3A_472 = arith.addi %mul3A_470, %add3A_471 : i32
      %swap3A_473 = arith.index_cast %add3A_472 : i32 to index
      %swap3A_474 = tpu.vector_load %arg13[%swap3A_473] {strides = array<i32>} : memref<20480xf32, #tpu.memory_space<vmem>>, vector<16xf32>,
      tpu.vector_store %arg13[%swap3A_473], %broadcast_in_dim3A_329 {strides = array<i32>} : memref<20480xf32, #tpu.memory_space<vmem>>, vector<16xf32>,
      %mul3A_475 = arith.constant 8 : i32
      %mul3A_476 = arith.muli %scan3A_450, %mul3A_475 : i32
      %mul3A_477 = arith.constant 16 : i32
      %mul3A_478 = arith.muli %mul3A_476, %mul3A_477 : i32
      %add3A_479 = arith.constant 48 : i32
      %add3A_480 = arith.addi %mul3A_478, %add3A_479 : i32
      %swap3A_481 = arith.index_cast %add3A_480 : i32 to index
      %swap3A_482 = tpu.vector_load %arg13[%swap3A_481] {strides = array<i32>} : memref<20480xf32, #tpu.memory_space<vmem>>, vector<16xf32>,
      tpu.vector_store %arg13[%swap3A_481], %broadcast_in_dim3A_329 {strides = array<i32>} : memref<20480xf32, #tpu.memory_space<vmem>>, vector<16xf32>,
      %mul3A_483 = arith.constant 8 : i32
      %mul3A_484 = arith.muli %scan3A_450, %mul3A_483 : i32
      %mul3A_485 = arith.constant 16 : i32
      %mul3A_486 = arith.muli %mul3A_484, %mul3A_485 : i32
      %add3A_487 = arith.constant 64 : i32
      %add3A_488 = arith.addi %mul3A_486, %add3A_487 : i32
      %swap3A_489 = arith.index_cast %add3A_488 : i32 to index
      %swap3A_490 = tpu.vector_load %arg13[%swap3A_489] {strides = array<i32>} : memref<20480xf32, #tpu.memory_space<vmem>>, vector<16xf32>,
      tpu.vector_store %arg13[%swap3A_489], %broadcast_in_dim3A_329 {strides = array<i32>} : memref<20480xf32, #tpu.memory_space<vmem>>, vector<16xf32>,
      %mul3A_491 = arith.constant 8 : i32
      %mul3A_492 = arith.muli %scan3A_450, %mul3A_491 : i32
      %mul3A_493 = arith.constant 16 : i32
      %mul3A_494 = arith.muli %mul3A_492, %mul3A_493 : i32
      %add3A_495 = arith.constant 80 : i32
      %add3A_496 = arith.addi %mul3A_494, %add3A_495 : i32
      %swap3A_497 = arith.index_cast %add3A_496 : i32 to index
      %swap3A_498 = tpu.vector_load %arg13[%swap3A_497] {strides = array<i32>} : memref<20480xf32, #tpu.memory_space<vmem>>, vector<16xf32>,
      tpu.vector_store %arg13[%swap3A_497], %broadcast_in_dim3A_329 {strides = array<i32>} : memref<20480xf32, #tpu.memory_space<vmem>>, vector<16xf32>,
      %mul3A_499 = arith.constant 8 : i32
      %mul3A_500 = arith.muli %scan3A_450, %mul3A_499 : i32
      %mul3A_501 = arith.constant 16 : i32
      %mul3A_502 = arith.muli %mul3A_500, %mul3A_501 : i32
      %add3A_503 = arith.constant 96 : i32
      %add3A_504 = arith.addi %mul3A_502, %add3A_503 : i32
      %swap3A_505 = arith.index_cast %add3A_504 : i32 to index
      %swap3A_506 = tpu.vector_load %arg13[%swap3A_505] {strides = array<i32>} : memref<20480xf32, #tpu.memory_space<vmem>>, vector<16xf32>,
      tpu.vector_store %arg13[%swap3A_505], %broadcast_in_dim3A_329 {strides = array<i32>} : memref<20480xf32, #tpu.memory_space<vmem>>, vector<16xf32>,
      %mul3A_507 = arith.constant 8 : i32
      %mul3A_508 = arith.muli %scan3A_450, %mul3A_507 : i32
      %mul3A_509 = arith.constant 16 : i32
      %mul3A_510 = arith.muli %mul3A_508, %mul3A_509 : i32
      %add3A_511 = arith.constant 112 : i32
      %add3A_512 = arith.addi %mul3A_510, %add3A_511 : i32
      %swap3A_513 = arith.index_cast %add3A_512 : i32 to index
      %swap3A_514 = tpu.vector_load %arg13[%swap3A_513] {strides = array<i32>} : memref<20480xf32, #tpu.memory_space<vmem>>, vector<16xf32>,
      tpu.vector_store %arg13[%swap3A_513], %broadcast_in_dim3A_329 {strides = array<i32>} : memref<20480xf32, #tpu.memory_space<vmem>>, vector<16xf32>,
      %scan3A_515 = arith.constant 0 : i32
      scf.yield %scan3A_515 : i32
    }
    %scan3A_336 = arith.constant 160 : i32
    %add3A_337 = arith.constant 128 : i32
    %add3A_338 = arith.addi %add3A, %add3A_337 : i32
    %mul3A_339 = arith.constant 160 : i32
    %mul3A_340 = arith.muli %add3A_338, %mul3A_339 : i32
    "tpu.region"() ({
      %run_scoped3A = tpu.sem_alloc : memref<!tpu.dma_semaphore, #tpu.memory_space<semaphore_mem>>
      %dma_start3A_450 = tpu.memref_slice %arg2[%mul3A_340] : memref<100000xi32, #tpu.memory_space<hbm>> -> memref<160xi32, #tpu.memory_space<hbm>>
      %dma_start3A_451 = tpu.memref_slice %arg2[%mul3A_340] : memref<100000xi32, #tpu.memory_space<hbm>> -> memref<160xi32, #tpu.memory_space<hbm>>
      tpu.enqueue_dma source(%dma_start3A_451 : memref<160xi32, #tpu.memory_space<hbm>>) target(%arg8 : memref<160xi32, #tpu.memory_space<vmem>>) target_semaphore(%run_scoped3A : memref<!tpu.dma_semaphore, #tpu.memory_space<semaphore_mem>>)
      %dma_wait3A = tpu.memref_slice %arg2[%mul3A_340] : memref<100000xi32, #tpu.memory_space<hbm>> -> memref<160xi32, #tpu.memory_space<hbm>>
      %dma_wait3A_452 = tpu.memref_slice %arg2[%mul3A_340] : memref<100000xi32, #tpu.memory_space<hbm>> -> memref<160xi32, #tpu.memory_space<hbm>>
      tpu.wait_dma2 semaphore(%run_scoped3A : memref<!tpu.dma_semaphore, #tpu.memory_space<semaphore_mem>>) src(%dma_wait3A_452 : memref<160xi32, #tpu.memory_space<hbm>>) dst(%arg8 : memref<160xi32, #tpu.memory_space<vmem>>)
      tpu.yield
    }) : () -> ()
    %broadcast_in_dim3A_341 = arith.constant 1.000000e+00 : f32
    %broadcast_in_dim3A_342 = vector.broadcast %broadcast_in_dim3A_341 : f32 to vector<16xf32>
    %iota3A_343 = tpu.iota {dimensions = array<i32: 0>} : vector<16xi32>
    %mul3A_344 = arith.constant 128 : i32
    %mul3A_345 = vector.broadcast %mul3A_344 : i32 to vector<16xi32>
    %mul3A_346 = arith.muli %iota3A_343, %mul3A_345 : vector<16xi32>
    %get3A_347 = arith.constant 0 : index
    %get3A_348 = tpu.vector_load %arg8[%get3A_347] {strides = array<i32>} : memref<160xi32, #tpu.memory_space<vmem>>, vector<16xi32>,
    %add3A_349 = arith.constant 0 : i32
    %add3A_350 = vector.broadcast %add3A_349 : i32 to vector<16xi32>
    %add3A_351 = arith.addi %mul3A_346, %add3A_350 : vector<16xi32>
    %add3A_352 = arith.addi %add3A_351, %get3A_348 : vector<16xi32>
    tpu.vector_store_idx %arg13[%add3A_352], %broadcast_in_dim3A_342 : memref<20480xf32, #tpu.memory_space<vmem>>[vector<16xi32>], vector<16xf32>,
    %get3A_353 = arith.constant 16 : index
    %get3A_354 = tpu.vector_load %arg8[%get3A_353] {strides = array<i32>} : memref<160xi32, #tpu.memory_space<vmem>>, vector<16xi32>,
    %add3A_355 = arith.constant 2048 : i32
    %add3A_356 = vector.broadcast %add3A_355 : i32 to vector<16xi32>
    %add3A_357 = arith.addi %mul3A_346, %add3A_356 : vector<16xi32>
    %add3A_358 = arith.addi %add3A_357, %get3A_354 : vector<16xi32>
    tpu.vector_store_idx %arg13[%add3A_358], %broadcast_in_dim3A_342 : memref<20480xf32, #tpu.memory_space<vmem>>[vector<16xi32>], vector<16xf32>,
    %get3A_359 = arith.constant 32 : index
    %get3A_360 = tpu.vector_load %arg8[%get3A_359] {strides = array<i32>} : memref<160xi32, #tpu.memory_space<vmem>>, vector<16xi32>,
    %add3A_361 = arith.constant 4096 : i32
    %add3A_362 = vector.broadcast %add3A_361 : i32 to vector<16xi32>
    %add3A_363 = arith.addi %mul3A_346, %add3A_362 : vector<16xi32>
    %add3A_364 = arith.addi %add3A_363, %get3A_360 : vector<16xi32>
    tpu.vector_store_idx %arg13[%add3A_364], %broadcast_in_dim3A_342 : memref<20480xf32, #tpu.memory_space<vmem>>[vector<16xi32>], vector<16xf32>,
    %get3A_365 = arith.constant 48 : index
    %get3A_366 = tpu.vector_load %arg8[%get3A_365] {strides = array<i32>} : memref<160xi32, #tpu.memory_space<vmem>>, vector<16xi32>,
    %add3A_367 = arith.constant 6144 : i32
    %add3A_368 = vector.broadcast %add3A_367 : i32 to vector<16xi32>
    %add3A_369 = arith.addi %mul3A_346, %add3A_368 : vector<16xi32>
    %add3A_370 = arith.addi %add3A_369, %get3A_366 : vector<16xi32>
    tpu.vector_store_idx %arg13[%add3A_370], %broadcast_in_dim3A_342 : memref<20480xf32, #tpu.memory_space<vmem>>[vector<16xi32>], vector<16xf32>,
    %get3A_371 = arith.constant 64 : index
    %get3A_372 = tpu.vector_load %arg8[%get3A_371] {strides = array<i32>} : memref<160xi32, #tpu.memory_space<vmem>>, vector<16xi32>,
    %add3A_373 = arith.constant 8192 : i32
    %add3A_374 = vector.broadcast %add3A_373 : i32 to vector<16xi32>
    %add3A_375 = arith.addi %mul3A_346, %add3A_374 : vector<16xi32>
    %add3A_376 = arith.addi %add3A_375, %get3A_372 : vector<16xi32>
    tpu.vector_store_idx %arg13[%add3A_376], %broadcast_in_dim3A_342 : memref<20480xf32, #tpu.memory_space<vmem>>[vector<16xi32>], vector<16xf32>,
    %get3A_377 = arith.constant 80 : index
    %get3A_378 = tpu.vector_load %arg8[%get3A_377] {strides = array<i32>} : memref<160xi32, #tpu.memory_space<vmem>>, vector<16xi32>,
    %add3A_379 = arith.constant 10240 : i32
    %add3A_380 = vector.broadcast %add3A_379 : i32 to vector<16xi32>
    %add3A_381 = arith.addi %mul3A_346, %add3A_380 : vector<16xi32>
    %add3A_382 = arith.addi %add3A_381, %get3A_378 : vector<16xi32>
    tpu.vector_store_idx %arg13[%add3A_382], %broadcast_in_dim3A_342 : memref<20480xf32, #tpu.memory_space<vmem>>[vector<16xi32>], vector<16xf32>,
    %get3A_383 = arith.constant 96 : index
    %get3A_384 = tpu.vector_load %arg8[%get3A_383] {strides = array<i32>} : memref<160xi32, #tpu.memory_space<vmem>>, vector<16xi32>,
    %add3A_385 = arith.constant 12288 : i32
    %add3A_386 = vector.broadcast %add3A_385 : i32 to vector<16xi32>
    %add3A_387 = arith.addi %mul3A_346, %add3A_386 : vector<16xi32>
    %add3A_388 = arith.addi %add3A_387, %get3A_384 : vector<16xi32>
    tpu.vector_store_idx %arg13[%add3A_388], %broadcast_in_dim3A_342 : memref<20480xf32, #tpu.memory_space<vmem>>[vector<16xi32>], vector<16xf32>,
    %get3A_389 = arith.constant 112 : index
    %get3A_390 = tpu.vector_load %arg8[%get3A_389] {strides = array<i32>} : memref<160xi32, #tpu.memory_space<vmem>>, vector<16xi32>,
    %add3A_391 = arith.constant 14336 : i32
    %add3A_392 = vector.broadcast %add3A_391 : i32 to vector<16xi32>
    %add3A_393 = arith.addi %mul3A_346, %add3A_392 : vector<16xi32>
    %add3A_394 = arith.addi %add3A_393, %get3A_390 : vector<16xi32>
    tpu.vector_store_idx %arg13[%add3A_394], %broadcast_in_dim3A_342 : memref<20480xf32, #tpu.memory_space<vmem>>[vector<16xi32>], vector<16xf32>,
    %get3A_395 = arith.constant 128 : index
    %get3A_396 = tpu.vector_load %arg8[%get3A_395] {strides = array<i32>} : memref<160xi32, #tpu.memory_space<vmem>>, vector<16xi32>,
    %add3A_397 = arith.constant 16384 : i32
    %add3A_398 = vector.broadcast %add3A_397 : i32 to vector<16xi32>
    %add3A_399 = arith.addi %mul3A_346, %add3A_398 : vector<16xi32>
    %add3A_400 = arith.addi %add3A_399, %get3A_396 : vector<16xi32>
    tpu.vector_store_idx %arg13[%add3A_400], %broadcast_in_dim3A_342 : memref<20480xf32, #tpu.memory_space<vmem>>[vector<16xi32>], vector<16xf32>,
    %get3A_401 = arith.constant 144 : index
    %get3A_402 = tpu.vector_load %arg8[%get3A_401] {strides = array<i32>} : memref<160xi32, #tpu.memory_space<vmem>>, vector<16xi32>,
    %add3A_403 = arith.constant 18432 : i32
    %add3A_404 = vector.broadcast %add3A_403 : i32 to vector<16xi32>
    %add3A_405 = arith.addi %mul3A_346, %add3A_404 : vector<16xi32>
    %add3A_406 = arith.addi %add3A_405, %get3A_402 : vector<16xi32>
    tpu.vector_store_idx %arg13[%add3A_406], %broadcast_in_dim3A_342 : memref<20480xf32, #tpu.memory_space<vmem>>[vector<16xi32>], vector<16xf32>,
    %mul3A_407 = arith.constant 128 : i32
    %mul3A_408 = arith.muli %mul3A_340, %mul3A_407 : i32
    %dma_start3A_409 = tpu.memref_slice %arg3[%mul3A_408] : memref<12800000xf32, #tpu.memory_space<hbm>> -> memref<20480xf32, #tpu.memory_space<hbm>>
    %dma_start3A_410 = tpu.memref_slice %arg3[%mul3A_408] : memref<12800000xf32, #tpu.memory_space<hbm>> -> memref<20480xf32, #tpu.memory_space<hbm>>
    tpu.enqueue_dma source(%arg13 : memref<20480xf32, #tpu.memory_space<vmem>>) target(%dma_start3A_410 : memref<20480xf32, #tpu.memory_space<hbm>>) target_semaphore(%arg18 : memref<!tpu.dma_semaphore, #tpu.memory_space<semaphore_mem>>)
    %scan3A_411 = arith.constant 0 : i32
    %scan3A_412 = arith.constant 1 : i32
    %scan3A_413 = arith.constant 3 : i32
    %scan3A_414 = arith.addi %scan3A_412, %scan3A_413 : i32
    %scan3A_415 = arith.constant 1 : i32
    %scan3A_416 = scf.for %scan3A_450 = %scan3A_412 to %scan3A_414 step %scan3A_415 iter_args(%scan3A_451 = %scan3A_411) -> (i32)  : i32 {
      %dma_wait3A = arith.constant 0 : i32
      %dma_wait3A_452 = tpu.memref_slice %arg3[%dma_wait3A] : memref<12800000xf32, #tpu.memory_space<hbm>> -> memref<20480xf32, #tpu.memory_space<hbm>>
      %dma_wait3A_453 = arith.constant 0 : i32
      %dma_wait3A_454 = tpu.memref_slice %arg3[%dma_wait3A_453] : memref<12800000xf32, #tpu.memory_space<hbm>> -> memref<20480xf32, #tpu.memory_space<hbm>>
      tpu.wait_dma2 semaphore(%arg14 : memref<!tpu.dma_semaphore, #tpu.memory_space<semaphore_mem>>) src(%arg9 : memref<20480xf32, #tpu.memory_space<vmem>>) dst(%dma_wait3A_454 : memref<20480xf32, #tpu.memory_space<hbm>>)
      %broadcast_in_dim3A_455 = arith.constant 0.000000e+00 : f32
      %broadcast_in_dim3A_456 = vector.broadcast %broadcast_in_dim3A_455 : f32 to vector<16xf32>
      %iota3A_457 = tpu.iota {dimensions = array<i32: 0>} : vector<16xi32>
      %mul3A_458 = arith.constant 128 : i32
      %mul3A_459 = vector.broadcast %mul3A_458 : i32 to vector<16xi32>
      %mul3A_460 = arith.muli %iota3A_457, %mul3A_459 : vector<16xi32>
      %get3A_461 = arith.constant 0 : index
      %get3A_462 = tpu.vector_load %arg4[%get3A_461] {strides = array<i32>} : memref<160xi32, #tpu.memory_space<vmem>>, vector<16xi32>,
      %add3A_463 = arith.constant 0 : i32
      %add3A_464 = vector.broadcast %add3A_463 : i32 to vector<16xi32>
      %add3A_465 = arith.addi %mul3A_460, %add3A_464 : vector<16xi32>
      %add3A_466 = arith.addi %add3A_465, %get3A_462 : vector<16xi32>
      tpu.vector_store_idx %arg9[%add3A_466], %broadcast_in_dim3A_456 : memref<20480xf32, #tpu.memory_space<vmem>>[vector<16xi32>], vector<16xf32>,
      %get3A_467 = arith.constant 16 : index
      %get3A_468 = tpu.vector_load %arg4[%get3A_467] {strides = array<i32>} : memref<160xi32, #tpu.memory_space<vmem>>, vector<16xi32>,
      %add3A_469 = arith.constant 2048 : i32
      %add3A_470 = vector.broadcast %add3A_469 : i32 to vector<16xi32>
      %add3A_471 = arith.addi %mul3A_460, %add3A_470 : vector<16xi32>
      %add3A_472 = arith.addi %add3A_471, %get3A_468 : vector<16xi32>
      tpu.vector_store_idx %arg9[%add3A_472], %broadcast_in_dim3A_456 : memref<20480xf32, #tpu.memory_space<vmem>>[vector<16xi32>], vector<16xf32>,
      %get3A_473 = arith.constant 32 : index
      %get3A_474 = tpu.vector_load %arg4[%get3A_473] {strides = array<i32>} : memref<160xi32, #tpu.memory_space<vmem>>, vector<16xi32>,
      %add3A_475 = arith.constant 4096 : i32
      %add3A_476 = vector.broadcast %add3A_475 : i32 to vector<16xi32>
      %add3A_477 = arith.addi %mul3A_460, %add3A_476 : vector<16xi32>
      %add3A_478 = arith.addi %add3A_477, %get3A_474 : vector<16xi32>
      tpu.vector_store_idx %arg9[%add3A_478], %broadcast_in_dim3A_456 : memref<20480xf32, #tpu.memory_space<vmem>>[vector<16xi32>], vector<16xf32>,
      %get3A_479 = arith.constant 48 : index
      %get3A_480 = tpu.vector_load %arg4[%get3A_479] {strides = array<i32>} : memref<160xi32, #tpu.memory_space<vmem>>, vector<16xi32>,
      %add3A_481 = arith.constant 6144 : i32
      %add3A_482 = vector.broadcast %add3A_481 : i32 to vector<16xi32>
      %add3A_483 = arith.addi %mul3A_460, %add3A_482 : vector<16xi32>
      %add3A_484 = arith.addi %add3A_483, %get3A_480 : vector<16xi32>
      tpu.vector_store_idx %arg9[%add3A_484], %broadcast_in_dim3A_456 : memref<20480xf32, #tpu.memory_space<vmem>>[vector<16xi32>], vector<16xf32>,
      %get3A_485 = arith.constant 64 : index
      %get3A_486 = tpu.vector_load %arg4[%get3A_485] {strides = array<i32>} : memref<160xi32, #tpu.memory_space<vmem>>, vector<16xi32>,
      %add3A_487 = arith.constant 8192 : i32
      %add3A_488 = vector.broadcast %add3A_487 : i32 to vector<16xi32>
      %add3A_489 = arith.addi %mul3A_460, %add3A_488 : vector<16xi32>
      %add3A_490 = arith.addi %add3A_489, %get3A_486 : vector<16xi32>
      tpu.vector_store_idx %arg9[%add3A_490], %broadcast_in_dim3A_456 : memref<20480xf32, #tpu.memory_space<vmem>>[vector<16xi32>], vector<16xf32>,
      %get3A_491 = arith.constant 80 : index
      %get3A_492 = tpu.vector_load %arg4[%get3A_491] {strides = array<i32>} : memref<160xi32, #tpu.memory_space<vmem>>, vector<16xi32>,
      %add3A_493 = arith.constant 10240 : i32
      %add3A_494 = vector.broadcast %add3A_493 : i32 to vector<16xi32>
      %add3A_495 = arith.addi %mul3A_460, %add3A_494 : vector<16xi32>
      %add3A_496 = arith.addi %add3A_495, %get3A_492 : vector<16xi32>
      tpu.vector_store_idx %arg9[%add3A_496], %broadcast_in_dim3A_456 : memref<20480xf32, #tpu.memory_space<vmem>>[vector<16xi32>], vector<16xf32>,
      %get3A_497 = arith.constant 96 : index
      %get3A_498 = tpu.vector_load %arg4[%get3A_497] {strides = array<i32>} : memref<160xi32, #tpu.memory_space<vmem>>, vector<16xi32>,
      %add3A_499 = arith.constant 12288 : i32
      %add3A_500 = vector.broadcast %add3A_499 : i32 to vector<16xi32>
      %add3A_501 = arith.addi %mul3A_460, %add3A_500 : vector<16xi32>
      %add3A_502 = arith.addi %add3A_501, %get3A_498 : vector<16xi32>
      tpu.vector_store_idx %arg9[%add3A_502], %broadcast_in_dim3A_456 : memref<20480xf32, #tpu.memory_space<vmem>>[vector<16xi32>], vector<16xf32>,
      %get3A_503 = arith.constant 112 : index
      %get3A_504 = tpu.vector_load %arg4[%get3A_503] {strides = array<i32>} : memref<160xi32, #tpu.memory_space<vmem>>, vector<16xi32>,
      %add3A_505 = arith.constant 14336 : i32
      %add3A_506 = vector.broadcast %add3A_505 : i32 to vector<16xi32>
      %add3A_507 = arith.addi %mul3A_460, %add3A_506 : vector<16xi32>
      %add3A_508 = arith.addi %add3A_507, %get3A_504 : vector<16xi32>
      tpu.vector_store_idx %arg9[%add3A_508], %broadcast_in_dim3A_456 : memref<20480xf32, #tpu.memory_space<vmem>>[vector<16xi32>], vector<16xf32>,
      %get3A_509 = arith.constant 128 : index
      %get3A_510 = tpu.vector_load %arg4[%get3A_509] {strides = array<i32>} : memref<160xi32, #tpu.memory_space<vmem>>, vector<16xi32>,
      %add3A_511 = arith.constant 16384 : i32
      %add3A_512 = vector.broadcast %add3A_511 : i32 to vector<16xi32>
      %add3A_513 = arith.addi %mul3A_460, %add3A_512 : vector<16xi32>
      %add3A_514 = arith.addi %add3A_513, %get3A_510 : vector<16xi32>
      tpu.vector_store_idx %arg9[%add3A_514], %broadcast_in_dim3A_456 : memref<20480xf32, #tpu.memory_space<vmem>>[vector<16xi32>], vector<16xf32>,
      %get3A_515 = arith.constant 144 : index
      %get3A_516 = tpu.vector_load %arg4[%get3A_515] {strides = array<i32>} : memref<160xi32, #tpu.memory_space<vmem>>, vector<16xi32>,
      %add3A_517 = arith.constant 18432 : i32
      %add3A_518 = vector.broadcast %add3A_517 : i32 to vector<16xi32>
      %add3A_519 = arith.addi %mul3A_460, %add3A_518 : vector<16xi32>
      %add3A_520 = arith.addi %add3A_519, %get3A_516 : vector<16xi32>
      tpu.vector_store_idx %arg9[%add3A_520], %broadcast_in_dim3A_456 : memref<20480xf32, #tpu.memory_space<vmem>>[vector<16xi32>], vector<16xf32>,
      %mul3A_521 = arith.constant 5 : i32
      %mul3A_522 = arith.muli %scan3A_450, %mul3A_521 : i32
      %add3A_523 = arith.constant 0 : i32
      %add3A_524 = arith.addi %mul3A_522, %add3A_523 : i32
      %mul3A_525 = arith.constant 32 : i32
      %mul3A_526 = arith.muli %add3A_524, %mul3A_525 : i32
      %add3A_527 = arith.addi %add3A, %mul3A_526 : i32
      %lt3A_528 = arith.constant 625 : i32
      %lt3A_529 = arith.cmpi slt, %add3A_527, %lt3A_528 : i32
      %convert_element_type3A_530 = arith.extui %lt3A_529 : i1 to i32
      %cond3A_531 = arith.constant 0 : i32
      %cond3A_532 = arith.cmpi ne, %convert_element_type3A_530, %cond3A_531 : i32
      scf.if %cond3A_532 {
        %mul3A_862 = arith.constant 160 : i32
        %mul3A_863 = arith.muli %add3A_527, %mul3A_862 : i32
        "tpu.region"() ({
          %run_scoped3A = tpu.sem_alloc : memref<!tpu.dma_semaphore, #tpu.memory_space<semaphore_mem>>
          %dma_start3A_934 = tpu.memref_slice %arg2[%mul3A_863] : memref<100000xi32, #tpu.memory_space<hbm>> -> memref<160xi32, #tpu.memory_space<hbm>>
          %dma_start3A_935 = tpu.memref_slice %arg2[%mul3A_863] : memref<100000xi32, #tpu.memory_space<hbm>> -> memref<160xi32, #tpu.memory_space<hbm>>
          tpu.enqueue_dma source(%dma_start3A_935 : memref<160xi32, #tpu.memory_space<hbm>>) target(%arg4 : memref<160xi32, #tpu.memory_space<vmem>>) target_semaphore(%run_scoped3A : memref<!tpu.dma_semaphore, #tpu.memory_space<semaphore_mem>>)
          %dma_wait3A_936 = tpu.memref_slice %arg2[%mul3A_863] : memref<100000xi32, #tpu.memory_space<hbm>> -> memref<160xi32, #tpu.memory_space<hbm>>
          %dma_wait3A_937 = tpu.memref_slice %arg2[%mul3A_863] : memref<100000xi32, #tpu.memory_space<hbm>> -> memref<160xi32, #tpu.memory_space<hbm>>
          tpu.wait_dma2 semaphore(%run_scoped3A : memref<!tpu.dma_semaphore, #tpu.memory_space<semaphore_mem>>) src(%dma_wait3A_937 : memref<160xi32, #tpu.memory_space<hbm>>) dst(%arg4 : memref<160xi32, #tpu.memory_space<vmem>>)
          tpu.yield
        }) : () -> ()
        %broadcast_in_dim3A_864 = arith.constant 1.000000e+00 : f32
        %broadcast_in_dim3A_865 = vector.broadcast %broadcast_in_dim3A_864 : f32 to vector<16xf32>
        %iota3A_866 = tpu.iota {dimensions = array<i32: 0>} : vector<16xi32>
        %mul3A_867 = arith.constant 128 : i32
        %mul3A_868 = vector.broadcast %mul3A_867 : i32 to vector<16xi32>
        %mul3A_869 = arith.muli %iota3A_866, %mul3A_868 : vector<16xi32>
        %get3A_870 = arith.constant 0 : index
        %get3A_871 = tpu.vector_load %arg4[%get3A_870] {strides = array<i32>} : memref<160xi32, #tpu.memory_space<vmem>>, vector<16xi32>,
        %add3A_872 = arith.constant 0 : i32
        %add3A_873 = vector.broadcast %add3A_872 : i32 to vector<16xi32>
        %add3A_874 = arith.addi %mul3A_869, %add3A_873 : vector<16xi32>
        %add3A_875 = arith.addi %add3A_874, %get3A_871 : vector<16xi32>
        tpu.vector_store_idx %arg9[%add3A_875], %broadcast_in_dim3A_865 : memref<20480xf32, #tpu.memory_space<vmem>>[vector<16xi32>], vector<16xf32>,
        %get3A_876 = arith.constant 16 : index
        %get3A_877 = tpu.vector_load %arg4[%get3A_876] {strides = array<i32>} : memref<160xi32, #tpu.memory_space<vmem>>, vector<16xi32>,
        %add3A_878 = arith.constant 2048 : i32
        %add3A_879 = vector.broadcast %add3A_878 : i32 to vector<16xi32>
        %add3A_880 = arith.addi %mul3A_869, %add3A_879 : vector<16xi32>
        %add3A_881 = arith.addi %add3A_880, %get3A_877 : vector<16xi32>
        tpu.vector_store_idx %arg9[%add3A_881], %broadcast_in_dim3A_865 : memref<20480xf32, #tpu.memory_space<vmem>>[vector<16xi32>], vector<16xf32>,
        %get3A_882 = arith.constant 32 : index
        %get3A_883 = tpu.vector_load %arg4[%get3A_882] {strides = array<i32>} : memref<160xi32, #tpu.memory_space<vmem>>, vector<16xi32>,
        %add3A_884 = arith.constant 4096 : i32
        %add3A_885 = vector.broadcast %add3A_884 : i32 to vector<16xi32>
        %add3A_886 = arith.addi %mul3A_869, %add3A_885 : vector<16xi32>
        %add3A_887 = arith.addi %add3A_886, %get3A_883 : vector<16xi32>
        tpu.vector_store_idx %arg9[%add3A_887], %broadcast_in_dim3A_865 : memref<20480xf32, #tpu.memory_space<vmem>>[vector<16xi32>], vector<16xf32>,
        %get3A_888 = arith.constant 48 : index
        %get3A_889 = tpu.vector_load %arg4[%get3A_888] {strides = array<i32>} : memref<160xi32, #tpu.memory_space<vmem>>, vector<16xi32>,
        %add3A_890 = arith.constant 6144 : i32
        %add3A_891 = vector.broadcast %add3A_890 : i32 to vector<16xi32>
        %add3A_892 = arith.addi %mul3A_869, %add3A_891 : vector<16xi32>
        %add3A_893 = arith.addi %add3A_892, %get3A_889 : vector<16xi32>
        tpu.vector_store_idx %arg9[%add3A_893], %broadcast_in_dim3A_865 : memref<20480xf32, #tpu.memory_space<vmem>>[vector<16xi32>], vector<16xf32>,
        %get3A_894 = arith.constant 64 : index
        %get3A_895 = tpu.vector_load %arg4[%get3A_894] {strides = array<i32>} : memref<160xi32, #tpu.memory_space<vmem>>, vector<16xi32>,
        %add3A_896 = arith.constant 8192 : i32
        %add3A_897 = vector.broadcast %add3A_896 : i32 to vector<16xi32>
        %add3A_898 = arith.addi %mul3A_869, %add3A_897 : vector<16xi32>
        %add3A_899 = arith.addi %add3A_898, %get3A_895 : vector<16xi32>
        tpu.vector_store_idx %arg9[%add3A_899], %broadcast_in_dim3A_865 : memref<20480xf32, #tpu.memory_space<vmem>>[vector<16xi32>], vector<16xf32>,
        %get3A_900 = arith.constant 80 : index
        %get3A_901 = tpu.vector_load %arg4[%get3A_900] {strides = array<i32>} : memref<160xi32, #tpu.memory_space<vmem>>, vector<16xi32>,
        %add3A_902 = arith.constant 10240 : i32
        %add3A_903 = vector.broadcast %add3A_902 : i32 to vector<16xi32>
        %add3A_904 = arith.addi %mul3A_869, %add3A_903 : vector<16xi32>
        %add3A_905 = arith.addi %add3A_904, %get3A_901 : vector<16xi32>
        tpu.vector_store_idx %arg9[%add3A_905], %broadcast_in_dim3A_865 : memref<20480xf32, #tpu.memory_space<vmem>>[vector<16xi32>], vector<16xf32>,
        %get3A_906 = arith.constant 96 : index
        %get3A_907 = tpu.vector_load %arg4[%get3A_906] {strides = array<i32>} : memref<160xi32, #tpu.memory_space<vmem>>, vector<16xi32>,
        %add3A_908 = arith.constant 12288 : i32
        %add3A_909 = vector.broadcast %add3A_908 : i32 to vector<16xi32>
        %add3A_910 = arith.addi %mul3A_869, %add3A_909 : vector<16xi32>
        %add3A_911 = arith.addi %add3A_910, %get3A_907 : vector<16xi32>
        tpu.vector_store_idx %arg9[%add3A_911], %broadcast_in_dim3A_865 : memref<20480xf32, #tpu.memory_space<vmem>>[vector<16xi32>], vector<16xf32>,
        %get3A_912 = arith.constant 112 : index
        %get3A_913 = tpu.vector_load %arg4[%get3A_912] {strides = array<i32>} : memref<160xi32, #tpu.memory_space<vmem>>, vector<16xi32>,
        %add3A_914 = arith.constant 14336 : i32
        %add3A_915 = vector.broadcast %add3A_914 : i32 to vector<16xi32>
        %add3A_916 = arith.addi %mul3A_869, %add3A_915 : vector<16xi32>
        %add3A_917 = arith.addi %add3A_916, %get3A_913 : vector<16xi32>
        tpu.vector_store_idx %arg9[%add3A_917], %broadcast_in_dim3A_865 : memref<20480xf32, #tpu.memory_space<vmem>>[vector<16xi32>], vector<16xf32>,
        %get3A_918 = arith.constant 128 : index
        %get3A_919 = tpu.vector_load %arg4[%get3A_918] {strides = array<i32>} : memref<160xi32, #tpu.memory_space<vmem>>, vector<16xi32>,
        %add3A_920 = arith.constant 16384 : i32
        %add3A_921 = vector.broadcast %add3A_920 : i32 to vector<16xi32>
        %add3A_922 = arith.addi %mul3A_869, %add3A_921 : vector<16xi32>
        %add3A_923 = arith.addi %add3A_922, %get3A_919 : vector<16xi32>
        tpu.vector_store_idx %arg9[%add3A_923], %broadcast_in_dim3A_865 : memref<20480xf32, #tpu.memory_space<vmem>>[vector<16xi32>], vector<16xf32>,
        %get3A_924 = arith.constant 144 : index
        %get3A_925 = tpu.vector_load %arg4[%get3A_924] {strides = array<i32>} : memref<160xi32, #tpu.memory_space<vmem>>, vector<16xi32>,
        %add3A_926 = arith.constant 18432 : i32
        %add3A_927 = vector.broadcast %add3A_926 : i32 to vector<16xi32>
        %add3A_928 = arith.addi %mul3A_869, %add3A_927 : vector<16xi32>
        %add3A_929 = arith.addi %add3A_928, %get3A_925 : vector<16xi32>
        tpu.vector_store_idx %arg9[%add3A_929], %broadcast_in_dim3A_865 : memref<20480xf32, #tpu.memory_space<vmem>>[vector<16xi32>], vector<16xf32>,
        %mul3A_930 = arith.constant 128 : i32
        %mul3A_931 = arith.muli %mul3A_863, %mul3A_930 : i32
        %dma_start3A_932 = tpu.memref_slice %arg3[%mul3A_931] : memref<12800000xf32, #tpu.memory_space<hbm>> -> memref<20480xf32, #tpu.memory_space<hbm>>
        %dma_start3A_933 = tpu.memref_slice %arg3[%mul3A_931] : memref<12800000xf32, #tpu.memory_space<hbm>> -> memref<20480xf32, #tpu.memory_space<hbm>>
        tpu.enqueue_dma source(%arg9 : memref<20480xf32, #tpu.memory_space<vmem>>) target(%dma_start3A_933 : memref<20480xf32, #tpu.memory_space<hbm>>) target_semaphore(%arg14 : memref<!tpu.dma_semaphore, #tpu.memory_space<semaphore_mem>>)
      } else {
      }
      %dma_wait3A_533 = arith.constant 0 : i32
      %dma_wait3A_534 = tpu.memref_slice %arg3[%dma_wait3A_533] : memref<12800000xf32, #tpu.memory_space<hbm>> -> memref<20480xf32, #tpu.memory_space<hbm>>
      %dma_wait3A_535 = arith.constant 0 : i32
      %dma_wait3A_536 = tpu.memref_slice %arg3[%dma_wait3A_535] : memref<12800000xf32, #tpu.memory_space<hbm>> -> memref<20480xf32, #tpu.memory_space<hbm>>
      tpu.wait_dma2 semaphore(%arg15 : memref<!tpu.dma_semaphore, #tpu.memory_space<semaphore_mem>>) src(%arg10 : memref<20480xf32, #tpu.memory_space<vmem>>) dst(%dma_wait3A_536 : memref<20480xf32, #tpu.memory_space<hbm>>)
      %broadcast_in_dim3A_537 = arith.constant 0.000000e+00 : f32
      %broadcast_in_dim3A_538 = vector.broadcast %broadcast_in_dim3A_537 : f32 to vector<16xf32>
      %iota3A_539 = tpu.iota {dimensions = array<i32: 0>} : vector<16xi32>
      %mul3A_540 = arith.constant 128 : i32
      %mul3A_541 = vector.broadcast %mul3A_540 : i32 to vector<16xi32>
      %mul3A_542 = arith.muli %iota3A_539, %mul3A_541 : vector<16xi32>
      %get3A_543 = arith.constant 0 : index
      %get3A_544 = tpu.vector_load %arg5[%get3A_543] {strides = array<i32>} : memref<160xi32, #tpu.memory_space<vmem>>, vector<16xi32>,
      %add3A_545 = arith.constant 0 : i32
      %add3A_546 = vector.broadcast %add3A_545 : i32 to vector<16xi32>
      %add3A_547 = arith.addi %mul3A_542, %add3A_546 : vector<16xi32>
      %add3A_548 = arith.addi %add3A_547, %get3A_544 : vector<16xi32>
      tpu.vector_store_idx %arg10[%add3A_548], %broadcast_in_dim3A_538 : memref<20480xf32, #tpu.memory_space<vmem>>[vector<16xi32>], vector<16xf32>,
      %get3A_549 = arith.constant 16 : index
      %get3A_550 = tpu.vector_load %arg5[%get3A_549] {strides = array<i32>} : memref<160xi32, #tpu.memory_space<vmem>>, vector<16xi32>,
      %add3A_551 = arith.constant 2048 : i32
      %add3A_552 = vector.broadcast %add3A_551 : i32 to vector<16xi32>
      %add3A_553 = arith.addi %mul3A_542, %add3A_552 : vector<16xi32>
      %add3A_554 = arith.addi %add3A_553, %get3A_550 : vector<16xi32>
      tpu.vector_store_idx %arg10[%add3A_554], %broadcast_in_dim3A_538 : memref<20480xf32, #tpu.memory_space<vmem>>[vector<16xi32>], vector<16xf32>,
      %get3A_555 = arith.constant 32 : index
      %get3A_556 = tpu.vector_load %arg5[%get3A_555] {strides = array<i32>} : memref<160xi32, #tpu.memory_space<vmem>>, vector<16xi32>,
      %add3A_557 = arith.constant 4096 : i32
      %add3A_558 = vector.broadcast %add3A_557 : i32 to vector<16xi32>
      %add3A_559 = arith.addi %mul3A_542, %add3A_558 : vector<16xi32>
      %add3A_560 = arith.addi %add3A_559, %get3A_556 : vector<16xi32>
      tpu.vector_store_idx %arg10[%add3A_560], %broadcast_in_dim3A_538 : memref<20480xf32, #tpu.memory_space<vmem>>[vector<16xi32>], vector<16xf32>,
      %get3A_561 = arith.constant 48 : index
      %get3A_562 = tpu.vector_load %arg5[%get3A_561] {strides = array<i32>} : memref<160xi32, #tpu.memory_space<vmem>>, vector<16xi32>,
      %add3A_563 = arith.constant 6144 : i32
      %add3A_564 = vector.broadcast %add3A_563 : i32 to vector<16xi32>
      %add3A_565 = arith.addi %mul3A_542, %add3A_564 : vector<16xi32>
      %add3A_566 = arith.addi %add3A_565, %get3A_562 : vector<16xi32>
      tpu.vector_store_idx %arg10[%add3A_566], %broadcast_in_dim3A_538 : memref<20480xf32, #tpu.memory_space<vmem>>[vector<16xi32>], vector<16xf32>,
      %get3A_567 = arith.constant 64 : index
      %get3A_568 = tpu.vector_load %arg5[%get3A_567] {strides = array<i32>} : memref<160xi32, #tpu.memory_space<vmem>>, vector<16xi32>,
      %add3A_569 = arith.constant 8192 : i32
      %add3A_570 = vector.broadcast %add3A_569 : i32 to vector<16xi32>
      %add3A_571 = arith.addi %mul3A_542, %add3A_570 : vector<16xi32>
      %add3A_572 = arith.addi %add3A_571, %get3A_568 : vector<16xi32>
      tpu.vector_store_idx %arg10[%add3A_572], %broadcast_in_dim3A_538 : memref<20480xf32, #tpu.memory_space<vmem>>[vector<16xi32>], vector<16xf32>,
      %get3A_573 = arith.constant 80 : index
      %get3A_574 = tpu.vector_load %arg5[%get3A_573] {strides = array<i32>} : memref<160xi32, #tpu.memory_space<vmem>>, vector<16xi32>,
      %add3A_575 = arith.constant 10240 : i32
      %add3A_576 = vector.broadcast %add3A_575 : i32 to vector<16xi32>
      %add3A_577 = arith.addi %mul3A_542, %add3A_576 : vector<16xi32>
      %add3A_578 = arith.addi %add3A_577, %get3A_574 : vector<16xi32>
      tpu.vector_store_idx %arg10[%add3A_578], %broadcast_in_dim3A_538 : memref<20480xf32, #tpu.memory_space<vmem>>[vector<16xi32>], vector<16xf32>,
      %get3A_579 = arith.constant 96 : index
      %get3A_580 = tpu.vector_load %arg5[%get3A_579] {strides = array<i32>} : memref<160xi32, #tpu.memory_space<vmem>>, vector<16xi32>,
      %add3A_581 = arith.constant 12288 : i32
      %add3A_582 = vector.broadcast %add3A_581 : i32 to vector<16xi32>
      %add3A_583 = arith.addi %mul3A_542, %add3A_582 : vector<16xi32>
      %add3A_584 = arith.addi %add3A_583, %get3A_580 : vector<16xi32>
      tpu.vector_store_idx %arg10[%add3A_584], %broadcast_in_dim3A_538 : memref<20480xf32, #tpu.memory_space<vmem>>[vector<16xi32>], vector<16xf32>,
      %get3A_585 = arith.constant 112 : index
      %get3A_586 = tpu.vector_load %arg5[%get3A_585] {strides = array<i32>} : memref<160xi32, #tpu.memory_space<vmem>>, vector<16xi32>,
      %add3A_587 = arith.constant 14336 : i32
      %add3A_588 = vector.broadcast %add3A_587 : i32 to vector<16xi32>
      %add3A_589 = arith.addi %mul3A_542, %add3A_588 : vector<16xi32>
      %add3A_590 = arith.addi %add3A_589, %get3A_586 : vector<16xi32>
      tpu.vector_store_idx %arg10[%add3A_590], %broadcast_in_dim3A_538 : memref<20480xf32, #tpu.memory_space<vmem>>[vector<16xi32>], vector<16xf32>,
      %get3A_591 = arith.constant 128 : index
      %get3A_592 = tpu.vector_load %arg5[%get3A_591] {strides = array<i32>} : memref<160xi32, #tpu.memory_space<vmem>>, vector<16xi32>,
      %add3A_593 = arith.constant 16384 : i32
      %add3A_594 = vector.broadcast %add3A_593 : i32 to vector<16xi32>
      %add3A_595 = arith.addi %mul3A_542, %add3A_594 : vector<16xi32>
      %add3A_596 = arith.addi %add3A_595, %get3A_592 : vector<16xi32>
      tpu.vector_store_idx %arg10[%add3A_596], %broadcast_in_dim3A_538 : memref<20480xf32, #tpu.memory_space<vmem>>[vector<16xi32>], vector<16xf32>,
      %get3A_597 = arith.constant 144 : index
      %get3A_598 = tpu.vector_load %arg5[%get3A_597] {strides = array<i32>} : memref<160xi32, #tpu.memory_space<vmem>>, vector<16xi32>,
      %add3A_599 = arith.constant 18432 : i32
      %add3A_600 = vector.broadcast %add3A_599 : i32 to vector<16xi32>
      %add3A_601 = arith.addi %mul3A_542, %add3A_600 : vector<16xi32>
      %add3A_602 = arith.addi %add3A_601, %get3A_598 : vector<16xi32>
      tpu.vector_store_idx %arg10[%add3A_602], %broadcast_in_dim3A_538 : memref<20480xf32, #tpu.memory_space<vmem>>[vector<16xi32>], vector<16xf32>,
      %mul3A_603 = arith.constant 5 : i32
      %mul3A_604 = arith.muli %scan3A_450, %mul3A_603 : i32
      %add3A_605 = arith.constant 1 : i32
      %add3A_606 = arith.addi %mul3A_604, %add3A_605 : i32
      %mul3A_607 = arith.constant 32 : i32
      %mul3A_608 = arith.muli %add3A_606, %mul3A_607 : i32
      %add3A_609 = arith.addi %add3A, %mul3A_608 : i32
      %lt3A_610 = arith.constant 625 : i32
      %lt3A_611 = arith.cmpi slt, %add3A_609, %lt3A_610 : i32
      %convert_element_type3A_612 = arith.extui %lt3A_611 : i1 to i32
      %cond3A_613 = arith.constant 0 : i32
      %cond3A_614 = arith.cmpi ne, %convert_element_type3A_612, %cond3A_613 : i32
      scf.if %cond3A_614 {
        %mul3A_862 = arith.constant 160 : i32
        %mul3A_863 = arith.muli %add3A_609, %mul3A_862 : i32
        "tpu.region"() ({
          %run_scoped3A = tpu.sem_alloc : memref<!tpu.dma_semaphore, #tpu.memory_space<semaphore_mem>>
          %dma_start3A_934 = tpu.memref_slice %arg2[%mul3A_863] : memref<100000xi32, #tpu.memory_space<hbm>> -> memref<160xi32, #tpu.memory_space<hbm>>
          %dma_start3A_935 = tpu.memref_slice %arg2[%mul3A_863] : memref<100000xi32, #tpu.memory_space<hbm>> -> memref<160xi32, #tpu.memory_space<hbm>>
          tpu.enqueue_dma source(%dma_start3A_935 : memref<160xi32, #tpu.memory_space<hbm>>) target(%arg5 : memref<160xi32, #tpu.memory_space<vmem>>) target_semaphore(%run_scoped3A : memref<!tpu.dma_semaphore, #tpu.memory_space<semaphore_mem>>)
          %dma_wait3A_936 = tpu.memref_slice %arg2[%mul3A_863] : memref<100000xi32, #tpu.memory_space<hbm>> -> memref<160xi32, #tpu.memory_space<hbm>>
          %dma_wait3A_937 = tpu.memref_slice %arg2[%mul3A_863] : memref<100000xi32, #tpu.memory_space<hbm>> -> memref<160xi32, #tpu.memory_space<hbm>>
          tpu.wait_dma2 semaphore(%run_scoped3A : memref<!tpu.dma_semaphore, #tpu.memory_space<semaphore_mem>>) src(%dma_wait3A_937 : memref<160xi32, #tpu.memory_space<hbm>>) dst(%arg5 : memref<160xi32, #tpu.memory_space<vmem>>)
          tpu.yield
        }) : () -> ()
        %broadcast_in_dim3A_864 = arith.constant 1.000000e+00 : f32
        %broadcast_in_dim3A_865 = vector.broadcast %broadcast_in_dim3A_864 : f32 to vector<16xf32>
        %iota3A_866 = tpu.iota {dimensions = array<i32: 0>} : vector<16xi32>
        %mul3A_867 = arith.constant 128 : i32
        %mul3A_868 = vector.broadcast %mul3A_867 : i32 to vector<16xi32>
        %mul3A_869 = arith.muli %iota3A_866, %mul3A_868 : vector<16xi32>
        %get3A_870 = arith.constant 0 : index
        %get3A_871 = tpu.vector_load %arg5[%get3A_870] {strides = array<i32>} : memref<160xi32, #tpu.memory_space<vmem>>, vector<16xi32>,
        %add3A_872 = arith.constant 0 : i32
        %add3A_873 = vector.broadcast %add3A_872 : i32 to vector<16xi32>
        %add3A_874 = arith.addi %mul3A_869, %add3A_873 : vector<16xi32>
        %add3A_875 = arith.addi %add3A_874, %get3A_871 : vector<16xi32>
        tpu.vector_store_idx %arg10[%add3A_875], %broadcast_in_dim3A_865 : memref<20480xf32, #tpu.memory_space<vmem>>[vector<16xi32>], vector<16xf32>,
        %get3A_876 = arith.constant 16 : index
        %get3A_877 = tpu.vector_load %arg5[%get3A_876] {strides = array<i32>} : memref<160xi32, #tpu.memory_space<vmem>>, vector<16xi32>,
        %add3A_878 = arith.constant 2048 : i32
        %add3A_879 = vector.broadcast %add3A_878 : i32 to vector<16xi32>
        %add3A_880 = arith.addi %mul3A_869, %add3A_879 : vector<16xi32>
        %add3A_881 = arith.addi %add3A_880, %get3A_877 : vector<16xi32>
        tpu.vector_store_idx %arg10[%add3A_881], %broadcast_in_dim3A_865 : memref<20480xf32, #tpu.memory_space<vmem>>[vector<16xi32>], vector<16xf32>,
        %get3A_882 = arith.constant 32 : index
        %get3A_883 = tpu.vector_load %arg5[%get3A_882] {strides = array<i32>} : memref<160xi32, #tpu.memory_space<vmem>>, vector<16xi32>,
        %add3A_884 = arith.constant 4096 : i32
        %add3A_885 = vector.broadcast %add3A_884 : i32 to vector<16xi32>
        %add3A_886 = arith.addi %mul3A_869, %add3A_885 : vector<16xi32>
        %add3A_887 = arith.addi %add3A_886, %get3A_883 : vector<16xi32>
        tpu.vector_store_idx %arg10[%add3A_887], %broadcast_in_dim3A_865 : memref<20480xf32, #tpu.memory_space<vmem>>[vector<16xi32>], vector<16xf32>,
        %get3A_888 = arith.constant 48 : index
        %get3A_889 = tpu.vector_load %arg5[%get3A_888] {strides = array<i32>} : memref<160xi32, #tpu.memory_space<vmem>>, vector<16xi32>,
        %add3A_890 = arith.constant 6144 : i32
        %add3A_891 = vector.broadcast %add3A_890 : i32 to vector<16xi32>
        %add3A_892 = arith.addi %mul3A_869, %add3A_891 : vector<16xi32>
        %add3A_893 = arith.addi %add3A_892, %get3A_889 : vector<16xi32>
        tpu.vector_store_idx %arg10[%add3A_893], %broadcast_in_dim3A_865 : memref<20480xf32, #tpu.memory_space<vmem>>[vector<16xi32>], vector<16xf32>,
        %get3A_894 = arith.constant 64 : index
        %get3A_895 = tpu.vector_load %arg5[%get3A_894] {strides = array<i32>} : memref<160xi32, #tpu.memory_space<vmem>>, vector<16xi32>,
        %add3A_896 = arith.constant 8192 : i32
        %add3A_897 = vector.broadcast %add3A_896 : i32 to vector<16xi32>
        %add3A_898 = arith.addi %mul3A_869, %add3A_897 : vector<16xi32>
        %add3A_899 = arith.addi %add3A_898, %get3A_895 : vector<16xi32>
        tpu.vector_store_idx %arg10[%add3A_899], %broadcast_in_dim3A_865 : memref<20480xf32, #tpu.memory_space<vmem>>[vector<16xi32>], vector<16xf32>,
        %get3A_900 = arith.constant 80 : index
        %get3A_901 = tpu.vector_load %arg5[%get3A_900] {strides = array<i32>} : memref<160xi32, #tpu.memory_space<vmem>>, vector<16xi32>,
        %add3A_902 = arith.constant 10240 : i32
        %add3A_903 = vector.broadcast %add3A_902 : i32 to vector<16xi32>
        %add3A_904 = arith.addi %mul3A_869, %add3A_903 : vector<16xi32>
        %add3A_905 = arith.addi %add3A_904, %get3A_901 : vector<16xi32>
        tpu.vector_store_idx %arg10[%add3A_905], %broadcast_in_dim3A_865 : memref<20480xf32, #tpu.memory_space<vmem>>[vector<16xi32>], vector<16xf32>,
        %get3A_906 = arith.constant 96 : index
        %get3A_907 = tpu.vector_load %arg5[%get3A_906] {strides = array<i32>} : memref<160xi32, #tpu.memory_space<vmem>>, vector<16xi32>,
        %add3A_908 = arith.constant 12288 : i32
        %add3A_909 = vector.broadcast %add3A_908 : i32 to vector<16xi32>
        %add3A_910 = arith.addi %mul3A_869, %add3A_909 : vector<16xi32>
        %add3A_911 = arith.addi %add3A_910, %get3A_907 : vector<16xi32>
        tpu.vector_store_idx %arg10[%add3A_911], %broadcast_in_dim3A_865 : memref<20480xf32, #tpu.memory_space<vmem>>[vector<16xi32>], vector<16xf32>,
        %get3A_912 = arith.constant 112 : index
        %get3A_913 = tpu.vector_load %arg5[%get3A_912] {strides = array<i32>} : memref<160xi32, #tpu.memory_space<vmem>>, vector<16xi32>,
        %add3A_914 = arith.constant 14336 : i32
        %add3A_915 = vector.broadcast %add3A_914 : i32 to vector<16xi32>
        %add3A_916 = arith.addi %mul3A_869, %add3A_915 : vector<16xi32>
        %add3A_917 = arith.addi %add3A_916, %get3A_913 : vector<16xi32>
        tpu.vector_store_idx %arg10[%add3A_917], %broadcast_in_dim3A_865 : memref<20480xf32, #tpu.memory_space<vmem>>[vector<16xi32>], vector<16xf32>,
        %get3A_918 = arith.constant 128 : index
        %get3A_919 = tpu.vector_load %arg5[%get3A_918] {strides = array<i32>} : memref<160xi32, #tpu.memory_space<vmem>>, vector<16xi32>,
        %add3A_920 = arith.constant 16384 : i32
        %add3A_921 = vector.broadcast %add3A_920 : i32 to vector<16xi32>
        %add3A_922 = arith.addi %mul3A_869, %add3A_921 : vector<16xi32>
        %add3A_923 = arith.addi %add3A_922, %get3A_919 : vector<16xi32>
        tpu.vector_store_idx %arg10[%add3A_923], %broadcast_in_dim3A_865 : memref<20480xf32, #tpu.memory_space<vmem>>[vector<16xi32>], vector<16xf32>,
        %get3A_924 = arith.constant 144 : index
        %get3A_925 = tpu.vector_load %arg5[%get3A_924] {strides = array<i32>} : memref<160xi32, #tpu.memory_space<vmem>>, vector<16xi32>,
        %add3A_926 = arith.constant 18432 : i32
        %add3A_927 = vector.broadcast %add3A_926 : i32 to vector<16xi32>
        %add3A_928 = arith.addi %mul3A_869, %add3A_927 : vector<16xi32>
        %add3A_929 = arith.addi %add3A_928, %get3A_925 : vector<16xi32>
        tpu.vector_store_idx %arg10[%add3A_929], %broadcast_in_dim3A_865 : memref<20480xf32, #tpu.memory_space<vmem>>[vector<16xi32>], vector<16xf32>,
        %mul3A_930 = arith.constant 128 : i32
        %mul3A_931 = arith.muli %mul3A_863, %mul3A_930 : i32
        %dma_start3A_932 = tpu.memref_slice %arg3[%mul3A_931] : memref<12800000xf32, #tpu.memory_space<hbm>> -> memref<20480xf32, #tpu.memory_space<hbm>>
        %dma_start3A_933 = tpu.memref_slice %arg3[%mul3A_931] : memref<12800000xf32, #tpu.memory_space<hbm>> -> memref<20480xf32, #tpu.memory_space<hbm>>
        tpu.enqueue_dma source(%arg10 : memref<20480xf32, #tpu.memory_space<vmem>>) target(%dma_start3A_933 : memref<20480xf32, #tpu.memory_space<hbm>>) target_semaphore(%arg15 : memref<!tpu.dma_semaphore, #tpu.memory_space<semaphore_mem>>)
      } else {
      }
      %dma_wait3A_615 = arith.constant 0 : i32
      %dma_wait3A_616 = tpu.memref_slice %arg3[%dma_wait3A_615] : memref<12800000xf32, #tpu.memory_space<hbm>> -> memref<20480xf32, #tpu.memory_space<hbm>>
      %dma_wait3A_617 = arith.constant 0 : i32
      %dma_wait3A_618 = tpu.memref_slice %arg3[%dma_wait3A_617] : memref<12800000xf32, #tpu.memory_space<hbm>> -> memref<20480xf32, #tpu.memory_space<hbm>>
      tpu.wait_dma2 semaphore(%arg16 : memref<!tpu.dma_semaphore, #tpu.memory_space<semaphore_mem>>) src(%arg11 : memref<20480xf32, #tpu.memory_space<vmem>>) dst(%dma_wait3A_618 : memref<20480xf32, #tpu.memory_space<hbm>>)
      %broadcast_in_dim3A_619 = arith.constant 0.000000e+00 : f32
      %broadcast_in_dim3A_620 = vector.broadcast %broadcast_in_dim3A_619 : f32 to vector<16xf32>
      %iota3A_621 = tpu.iota {dimensions = array<i32: 0>} : vector<16xi32>
      %mul3A_622 = arith.constant 128 : i32
      %mul3A_623 = vector.broadcast %mul3A_622 : i32 to vector<16xi32>
      %mul3A_624 = arith.muli %iota3A_621, %mul3A_623 : vector<16xi32>
      %get3A_625 = arith.constant 0 : index
      %get3A_626 = tpu.vector_load %arg6[%get3A_625] {strides = array<i32>} : memref<160xi32, #tpu.memory_space<vmem>>, vector<16xi32>,
      %add3A_627 = arith.constant 0 : i32
      %add3A_628 = vector.broadcast %add3A_627 : i32 to vector<16xi32>
      %add3A_629 = arith.addi %mul3A_624, %add3A_628 : vector<16xi32>
      %add3A_630 = arith.addi %add3A_629, %get3A_626 : vector<16xi32>
      tpu.vector_store_idx %arg11[%add3A_630], %broadcast_in_dim3A_620 : memref<20480xf32, #tpu.memory_space<vmem>>[vector<16xi32>], vector<16xf32>,
      %get3A_631 = arith.constant 16 : index
      %get3A_632 = tpu.vector_load %arg6[%get3A_631] {strides = array<i32>} : memref<160xi32, #tpu.memory_space<vmem>>, vector<16xi32>,
      %add3A_633 = arith.constant 2048 : i32
      %add3A_634 = vector.broadcast %add3A_633 : i32 to vector<16xi32>
      %add3A_635 = arith.addi %mul3A_624, %add3A_634 : vector<16xi32>
      %add3A_636 = arith.addi %add3A_635, %get3A_632 : vector<16xi32>
      tpu.vector_store_idx %arg11[%add3A_636], %broadcast_in_dim3A_620 : memref<20480xf32, #tpu.memory_space<vmem>>[vector<16xi32>], vector<16xf32>,
      %get3A_637 = arith.constant 32 : index
      %get3A_638 = tpu.vector_load %arg6[%get3A_637] {strides = array<i32>} : memref<160xi32, #tpu.memory_space<vmem>>, vector<16xi32>,
      %add3A_639 = arith.constant 4096 : i32
      %add3A_640 = vector.broadcast %add3A_639 : i32 to vector<16xi32>
      %add3A_641 = arith.addi %mul3A_624, %add3A_640 : vector<16xi32>
      %add3A_642 = arith.addi %add3A_641, %get3A_638 : vector<16xi32>
      tpu.vector_store_idx %arg11[%add3A_642], %broadcast_in_dim3A_620 : memref<20480xf32, #tpu.memory_space<vmem>>[vector<16xi32>], vector<16xf32>,
      %get3A_643 = arith.constant 48 : index
      %get3A_644 = tpu.vector_load %arg6[%get3A_643] {strides = array<i32>} : memref<160xi32, #tpu.memory_space<vmem>>, vector<16xi32>,
      %add3A_645 = arith.constant 6144 : i32
      %add3A_646 = vector.broadcast %add3A_645 : i32 to vector<16xi32>
      %add3A_647 = arith.addi %mul3A_624, %add3A_646 : vector<16xi32>
      %add3A_648 = arith.addi %add3A_647, %get3A_644 : vector<16xi32>
      tpu.vector_store_idx %arg11[%add3A_648], %broadcast_in_dim3A_620 : memref<20480xf32, #tpu.memory_space<vmem>>[vector<16xi32>], vector<16xf32>,
      %get3A_649 = arith.constant 64 : index
      %get3A_650 = tpu.vector_load %arg6[%get3A_649] {strides = array<i32>} : memref<160xi32, #tpu.memory_space<vmem>>, vector<16xi32>,
      %add3A_651 = arith.constant 8192 : i32
      %add3A_652 = vector.broadcast %add3A_651 : i32 to vector<16xi32>
      %add3A_653 = arith.addi %mul3A_624, %add3A_652 : vector<16xi32>
      %add3A_654 = arith.addi %add3A_653, %get3A_650 : vector<16xi32>
      tpu.vector_store_idx %arg11[%add3A_654], %broadcast_in_dim3A_620 : memref<20480xf32, #tpu.memory_space<vmem>>[vector<16xi32>], vector<16xf32>,
      %get3A_655 = arith.constant 80 : index
      %get3A_656 = tpu.vector_load %arg6[%get3A_655] {strides = array<i32>} : memref<160xi32, #tpu.memory_space<vmem>>, vector<16xi32>,
      %add3A_657 = arith.constant 10240 : i32
      %add3A_658 = vector.broadcast %add3A_657 : i32 to vector<16xi32>
      %add3A_659 = arith.addi %mul3A_624, %add3A_658 : vector<16xi32>
      %add3A_660 = arith.addi %add3A_659, %get3A_656 : vector<16xi32>
      tpu.vector_store_idx %arg11[%add3A_660], %broadcast_in_dim3A_620 : memref<20480xf32, #tpu.memory_space<vmem>>[vector<16xi32>], vector<16xf32>,
      %get3A_661 = arith.constant 96 : index
      %get3A_662 = tpu.vector_load %arg6[%get3A_661] {strides = array<i32>} : memref<160xi32, #tpu.memory_space<vmem>>, vector<16xi32>,
      %add3A_663 = arith.constant 12288 : i32
      %add3A_664 = vector.broadcast %add3A_663 : i32 to vector<16xi32>
      %add3A_665 = arith.addi %mul3A_624, %add3A_664 : vector<16xi32>
      %add3A_666 = arith.addi %add3A_665, %get3A_662 : vector<16xi32>
      tpu.vector_store_idx %arg11[%add3A_666], %broadcast_in_dim3A_620 : memref<20480xf32, #tpu.memory_space<vmem>>[vector<16xi32>], vector<16xf32>,
      %get3A_667 = arith.constant 112 : index
      %get3A_668 = tpu.vector_load %arg6[%get3A_667] {strides = array<i32>} : memref<160xi32, #tpu.memory_space<vmem>>, vector<16xi32>,
      %add3A_669 = arith.constant 14336 : i32
      %add3A_670 = vector.broadcast %add3A_669 : i32 to vector<16xi32>
      %add3A_671 = arith.addi %mul3A_624, %add3A_670 : vector<16xi32>
      %add3A_672 = arith.addi %add3A_671, %get3A_668 : vector<16xi32>
      tpu.vector_store_idx %arg11[%add3A_672], %broadcast_in_dim3A_620 : memref<20480xf32, #tpu.memory_space<vmem>>[vector<16xi32>], vector<16xf32>,
      %get3A_673 = arith.constant 128 : index
      %get3A_674 = tpu.vector_load %arg6[%get3A_673] {strides = array<i32>} : memref<160xi32, #tpu.memory_space<vmem>>, vector<16xi32>,
      %add3A_675 = arith.constant 16384 : i32
      %add3A_676 = vector.broadcast %add3A_675 : i32 to vector<16xi32>
      %add3A_677 = arith.addi %mul3A_624, %add3A_676 : vector<16xi32>
      %add3A_678 = arith.addi %add3A_677, %get3A_674 : vector<16xi32>
      tpu.vector_store_idx %arg11[%add3A_678], %broadcast_in_dim3A_620 : memref<20480xf32, #tpu.memory_space<vmem>>[vector<16xi32>], vector<16xf32>,
      %get3A_679 = arith.constant 144 : index
      %get3A_680 = tpu.vector_load %arg6[%get3A_679] {strides = array<i32>} : memref<160xi32, #tpu.memory_space<vmem>>, vector<16xi32>,
      %add3A_681 = arith.constant 18432 : i32
      %add3A_682 = vector.broadcast %add3A_681 : i32 to vector<16xi32>
      %add3A_683 = arith.addi %mul3A_624, %add3A_682 : vector<16xi32>
      %add3A_684 = arith.addi %add3A_683, %get3A_680 : vector<16xi32>
      tpu.vector_store_idx %arg11[%add3A_684], %broadcast_in_dim3A_620 : memref<20480xf32, #tpu.memory_space<vmem>>[vector<16xi32>], vector<16xf32>,
      %mul3A_685 = arith.constant 5 : i32
      %mul3A_686 = arith.muli %scan3A_450, %mul3A_685 : i32
      %add3A_687 = arith.constant 2 : i32
      %add3A_688 = arith.addi %mul3A_686, %add3A_687 : i32
      %mul3A_689 = arith.constant 32 : i32
      %mul3A_690 = arith.muli %add3A_688, %mul3A_689 : i32
      %add3A_691 = arith.addi %add3A, %mul3A_690 : i32
      %lt3A_692 = arith.constant 625 : i32
      %lt3A_693 = arith.cmpi slt, %add3A_691, %lt3A_692 : i32
      %convert_element_type3A_694 = arith.extui %lt3A_693 : i1 to i32
      %cond3A_695 = arith.constant 0 : i32
      %cond3A_696 = arith.cmpi ne, %convert_element_type3A_694, %cond3A_695 : i32
      scf.if %cond3A_696 {
        %mul3A_862 = arith.constant 160 : i32
        %mul3A_863 = arith.muli %add3A_691, %mul3A_862 : i32
        "tpu.region"() ({
          %run_scoped3A = tpu.sem_alloc : memref<!tpu.dma_semaphore, #tpu.memory_space<semaphore_mem>>
          %dma_start3A_934 = tpu.memref_slice %arg2[%mul3A_863] : memref<100000xi32, #tpu.memory_space<hbm>> -> memref<160xi32, #tpu.memory_space<hbm>>
          %dma_start3A_935 = tpu.memref_slice %arg2[%mul3A_863] : memref<100000xi32, #tpu.memory_space<hbm>> -> memref<160xi32, #tpu.memory_space<hbm>>
          tpu.enqueue_dma source(%dma_start3A_935 : memref<160xi32, #tpu.memory_space<hbm>>) target(%arg6 : memref<160xi32, #tpu.memory_space<vmem>>) target_semaphore(%run_scoped3A : memref<!tpu.dma_semaphore, #tpu.memory_space<semaphore_mem>>)
          %dma_wait3A_936 = tpu.memref_slice %arg2[%mul3A_863] : memref<100000xi32, #tpu.memory_space<hbm>> -> memref<160xi32, #tpu.memory_space<hbm>>
          %dma_wait3A_937 = tpu.memref_slice %arg2[%mul3A_863] : memref<100000xi32, #tpu.memory_space<hbm>> -> memref<160xi32, #tpu.memory_space<hbm>>
          tpu.wait_dma2 semaphore(%run_scoped3A : memref<!tpu.dma_semaphore, #tpu.memory_space<semaphore_mem>>) src(%dma_wait3A_937 : memref<160xi32, #tpu.memory_space<hbm>>) dst(%arg6 : memref<160xi32, #tpu.memory_space<vmem>>)
          tpu.yield
        }) : () -> ()
        %broadcast_in_dim3A_864 = arith.constant 1.000000e+00 : f32
        %broadcast_in_dim3A_865 = vector.broadcast %broadcast_in_dim3A_864 : f32 to vector<16xf32>
        %iota3A_866 = tpu.iota {dimensions = array<i32: 0>} : vector<16xi32>
        %mul3A_867 = arith.constant 128 : i32
        %mul3A_868 = vector.broadcast %mul3A_867 : i32 to vector<16xi32>
        %mul3A_869 = arith.muli %iota3A_866, %mul3A_868 : vector<16xi32>
        %get3A_870 = arith.constant 0 : index
        %get3A_871 = tpu.vector_load %arg6[%get3A_870] {strides = array<i32>} : memref<160xi32, #tpu.memory_space<vmem>>, vector<16xi32>,
        %add3A_872 = arith.constant 0 : i32
        %add3A_873 = vector.broadcast %add3A_872 : i32 to vector<16xi32>
        %add3A_874 = arith.addi %mul3A_869, %add3A_873 : vector<16xi32>
        %add3A_875 = arith.addi %add3A_874, %get3A_871 : vector<16xi32>
        tpu.vector_store_idx %arg11[%add3A_875], %broadcast_in_dim3A_865 : memref<20480xf32, #tpu.memory_space<vmem>>[vector<16xi32>], vector<16xf32>,
        %get3A_876 = arith.constant 16 : index
        %get3A_877 = tpu.vector_load %arg6[%get3A_876] {strides = array<i32>} : memref<160xi32, #tpu.memory_space<vmem>>, vector<16xi32>,
        %add3A_878 = arith.constant 2048 : i32
        %add3A_879 = vector.broadcast %add3A_878 : i32 to vector<16xi32>
        %add3A_880 = arith.addi %mul3A_869, %add3A_879 : vector<16xi32>
        %add3A_881 = arith.addi %add3A_880, %get3A_877 : vector<16xi32>
        tpu.vector_store_idx %arg11[%add3A_881], %broadcast_in_dim3A_865 : memref<20480xf32, #tpu.memory_space<vmem>>[vector<16xi32>], vector<16xf32>,
        %get3A_882 = arith.constant 32 : index
        %get3A_883 = tpu.vector_load %arg6[%get3A_882] {strides = array<i32>} : memref<160xi32, #tpu.memory_space<vmem>>, vector<16xi32>,
        %add3A_884 = arith.constant 4096 : i32
        %add3A_885 = vector.broadcast %add3A_884 : i32 to vector<16xi32>
        %add3A_886 = arith.addi %mul3A_869, %add3A_885 : vector<16xi32>
        %add3A_887 = arith.addi %add3A_886, %get3A_883 : vector<16xi32>
        tpu.vector_store_idx %arg11[%add3A_887], %broadcast_in_dim3A_865 : memref<20480xf32, #tpu.memory_space<vmem>>[vector<16xi32>], vector<16xf32>,
        %get3A_888 = arith.constant 48 : index
        %get3A_889 = tpu.vector_load %arg6[%get3A_888] {strides = array<i32>} : memref<160xi32, #tpu.memory_space<vmem>>, vector<16xi32>,
        %add3A_890 = arith.constant 6144 : i32
        %add3A_891 = vector.broadcast %add3A_890 : i32 to vector<16xi32>
        %add3A_892 = arith.addi %mul3A_869, %add3A_891 : vector<16xi32>
        %add3A_893 = arith.addi %add3A_892, %get3A_889 : vector<16xi32>
        tpu.vector_store_idx %arg11[%add3A_893], %broadcast_in_dim3A_865 : memref<20480xf32, #tpu.memory_space<vmem>>[vector<16xi32>], vector<16xf32>,
        %get3A_894 = arith.constant 64 : index
        %get3A_895 = tpu.vector_load %arg6[%get3A_894] {strides = array<i32>} : memref<160xi32, #tpu.memory_space<vmem>>, vector<16xi32>,
        %add3A_896 = arith.constant 8192 : i32
        %add3A_897 = vector.broadcast %add3A_896 : i32 to vector<16xi32>
        %add3A_898 = arith.addi %mul3A_869, %add3A_897 : vector<16xi32>
        %add3A_899 = arith.addi %add3A_898, %get3A_895 : vector<16xi32>
        tpu.vector_store_idx %arg11[%add3A_899], %broadcast_in_dim3A_865 : memref<20480xf32, #tpu.memory_space<vmem>>[vector<16xi32>], vector<16xf32>,
        %get3A_900 = arith.constant 80 : index
        %get3A_901 = tpu.vector_load %arg6[%get3A_900] {strides = array<i32>} : memref<160xi32, #tpu.memory_space<vmem>>, vector<16xi32>,
        %add3A_902 = arith.constant 10240 : i32
        %add3A_903 = vector.broadcast %add3A_902 : i32 to vector<16xi32>
        %add3A_904 = arith.addi %mul3A_869, %add3A_903 : vector<16xi32>
        %add3A_905 = arith.addi %add3A_904, %get3A_901 : vector<16xi32>
        tpu.vector_store_idx %arg11[%add3A_905], %broadcast_in_dim3A_865 : memref<20480xf32, #tpu.memory_space<vmem>>[vector<16xi32>], vector<16xf32>,
        %get3A_906 = arith.constant 96 : index
        %get3A_907 = tpu.vector_load %arg6[%get3A_906] {strides = array<i32>} : memref<160xi32, #tpu.memory_space<vmem>>, vector<16xi32>,
        %add3A_908 = arith.constant 12288 : i32
        %add3A_909 = vector.broadcast %add3A_908 : i32 to vector<16xi32>
        %add3A_910 = arith.addi %mul3A_869, %add3A_909 : vector<16xi32>
        %add3A_911 = arith.addi %add3A_910, %get3A_907 : vector<16xi32>
        tpu.vector_store_idx %arg11[%add3A_911], %broadcast_in_dim3A_865 : memref<20480xf32, #tpu.memory_space<vmem>>[vector<16xi32>], vector<16xf32>,
        %get3A_912 = arith.constant 112 : index
        %get3A_913 = tpu.vector_load %arg6[%get3A_912] {strides = array<i32>} : memref<160xi32, #tpu.memory_space<vmem>>, vector<16xi32>,
        %add3A_914 = arith.constant 14336 : i32
        %add3A_915 = vector.broadcast %add3A_914 : i32 to vector<16xi32>
        %add3A_916 = arith.addi %mul3A_869, %add3A_915 : vector<16xi32>
        %add3A_917 = arith.addi %add3A_916, %get3A_913 : vector<16xi32>
        tpu.vector_store_idx %arg11[%add3A_917], %broadcast_in_dim3A_865 : memref<20480xf32, #tpu.memory_space<vmem>>[vector<16xi32>], vector<16xf32>,
        %get3A_918 = arith.constant 128 : index
        %get3A_919 = tpu.vector_load %arg6[%get3A_918] {strides = array<i32>} : memref<160xi32, #tpu.memory_space<vmem>>, vector<16xi32>,
        %add3A_920 = arith.constant 16384 : i32
        %add3A_921 = vector.broadcast %add3A_920 : i32 to vector<16xi32>
        %add3A_922 = arith.addi %mul3A_869, %add3A_921 : vector<16xi32>
        %add3A_923 = arith.addi %add3A_922, %get3A_919 : vector<16xi32>
        tpu.vector_store_idx %arg11[%add3A_923], %broadcast_in_dim3A_865 : memref<20480xf32, #tpu.memory_space<vmem>>[vector<16xi32>], vector<16xf32>,
        %get3A_924 = arith.constant 144 : index
        %get3A_925 = tpu.vector_load %arg6[%get3A_924] {strides = array<i32>} : memref<160xi32, #tpu.memory_space<vmem>>, vector<16xi32>,
        %add3A_926 = arith.constant 18432 : i32
        %add3A_927 = vector.broadcast %add3A_926 : i32 to vector<16xi32>
        %add3A_928 = arith.addi %mul3A_869, %add3A_927 : vector<16xi32>
        %add3A_929 = arith.addi %add3A_928, %get3A_925 : vector<16xi32>
        tpu.vector_store_idx %arg11[%add3A_929], %broadcast_in_dim3A_865 : memref<20480xf32, #tpu.memory_space<vmem>>[vector<16xi32>], vector<16xf32>,
        %mul3A_930 = arith.constant 128 : i32
        %mul3A_931 = arith.muli %mul3A_863, %mul3A_930 : i32
        %dma_start3A_932 = tpu.memref_slice %arg3[%mul3A_931] : memref<12800000xf32, #tpu.memory_space<hbm>> -> memref<20480xf32, #tpu.memory_space<hbm>>
        %dma_start3A_933 = tpu.memref_slice %arg3[%mul3A_931] : memref<12800000xf32, #tpu.memory_space<hbm>> -> memref<20480xf32, #tpu.memory_space<hbm>>
        tpu.enqueue_dma source(%arg11 : memref<20480xf32, #tpu.memory_space<vmem>>) target(%dma_start3A_933 : memref<20480xf32, #tpu.memory_space<hbm>>) target_semaphore(%arg16 : memref<!tpu.dma_semaphore, #tpu.memory_space<semaphore_mem>>)
      } else {
      }
      %dma_wait3A_697 = arith.constant 0 : i32
      %dma_wait3A_698 = tpu.memref_slice %arg3[%dma_wait3A_697] : memref<12800000xf32, #tpu.memory_space<hbm>> -> memref<20480xf32, #tpu.memory_space<hbm>>
      %dma_wait3A_699 = arith.constant 0 : i32
      %dma_wait3A_700 = tpu.memref_slice %arg3[%dma_wait3A_699] : memref<12800000xf32, #tpu.memory_space<hbm>> -> memref<20480xf32, #tpu.memory_space<hbm>>
      tpu.wait_dma2 semaphore(%arg17 : memref<!tpu.dma_semaphore, #tpu.memory_space<semaphore_mem>>) src(%arg12 : memref<20480xf32, #tpu.memory_space<vmem>>) dst(%dma_wait3A_700 : memref<20480xf32, #tpu.memory_space<hbm>>)
      %broadcast_in_dim3A_701 = arith.constant 0.000000e+00 : f32
      %broadcast_in_dim3A_702 = vector.broadcast %broadcast_in_dim3A_701 : f32 to vector<16xf32>
      %iota3A_703 = tpu.iota {dimensions = array<i32: 0>} : vector<16xi32>
      %mul3A_704 = arith.constant 128 : i32
      %mul3A_705 = vector.broadcast %mul3A_704 : i32 to vector<16xi32>
      %mul3A_706 = arith.muli %iota3A_703, %mul3A_705 : vector<16xi32>
      %get3A_707 = arith.constant 0 : index
      %get3A_708 = tpu.vector_load %arg7[%get3A_707] {strides = array<i32>} : memref<160xi32, #tpu.memory_space<vmem>>, vector<16xi32>,
      %add3A_709 = arith.constant 0 : i32
      %add3A_710 = vector.broadcast %add3A_709 : i32 to vector<16xi32>
      %add3A_711 = arith.addi %mul3A_706, %add3A_710 : vector<16xi32>
      %add3A_712 = arith.addi %add3A_711, %get3A_708 : vector<16xi32>
      tpu.vector_store_idx %arg12[%add3A_712], %broadcast_in_dim3A_702 : memref<20480xf32, #tpu.memory_space<vmem>>[vector<16xi32>], vector<16xf32>,
      %get3A_713 = arith.constant 16 : index
      %get3A_714 = tpu.vector_load %arg7[%get3A_713] {strides = array<i32>} : memref<160xi32, #tpu.memory_space<vmem>>, vector<16xi32>,
      %add3A_715 = arith.constant 2048 : i32
      %add3A_716 = vector.broadcast %add3A_715 : i32 to vector<16xi32>
      %add3A_717 = arith.addi %mul3A_706, %add3A_716 : vector<16xi32>
      %add3A_718 = arith.addi %add3A_717, %get3A_714 : vector<16xi32>
      tpu.vector_store_idx %arg12[%add3A_718], %broadcast_in_dim3A_702 : memref<20480xf32, #tpu.memory_space<vmem>>[vector<16xi32>], vector<16xf32>,
      %get3A_719 = arith.constant 32 : index
      %get3A_720 = tpu.vector_load %arg7[%get3A_719] {strides = array<i32>} : memref<160xi32, #tpu.memory_space<vmem>>, vector<16xi32>,
      %add3A_721 = arith.constant 4096 : i32
      %add3A_722 = vector.broadcast %add3A_721 : i32 to vector<16xi32>
      %add3A_723 = arith.addi %mul3A_706, %add3A_722 : vector<16xi32>
      %add3A_724 = arith.addi %add3A_723, %get3A_720 : vector<16xi32>
      tpu.vector_store_idx %arg12[%add3A_724], %broadcast_in_dim3A_702 : memref<20480xf32, #tpu.memory_space<vmem>>[vector<16xi32>], vector<16xf32>,
      %get3A_725 = arith.constant 48 : index
      %get3A_726 = tpu.vector_load %arg7[%get3A_725] {strides = array<i32>} : memref<160xi32, #tpu.memory_space<vmem>>, vector<16xi32>,
      %add3A_727 = arith.constant 6144 : i32
      %add3A_728 = vector.broadcast %add3A_727 : i32 to vector<16xi32>
      %add3A_729 = arith.addi %mul3A_706, %add3A_728 : vector<16xi32>
      %add3A_730 = arith.addi %add3A_729, %get3A_726 : vector<16xi32>
      tpu.vector_store_idx %arg12[%add3A_730], %broadcast_in_dim3A_702 : memref<20480xf32, #tpu.memory_space<vmem>>[vector<16xi32>], vector<16xf32>,
      %get3A_731 = arith.constant 64 : index
      %get3A_732 = tpu.vector_load %arg7[%get3A_731] {strides = array<i32>} : memref<160xi32, #tpu.memory_space<vmem>>, vector<16xi32>,
      %add3A_733 = arith.constant 8192 : i32
      %add3A_734 = vector.broadcast %add3A_733 : i32 to vector<16xi32>
      %add3A_735 = arith.addi %mul3A_706, %add3A_734 : vector<16xi32>
      %add3A_736 = arith.addi %add3A_735, %get3A_732 : vector<16xi32>
      tpu.vector_store_idx %arg12[%add3A_736], %broadcast_in_dim3A_702 : memref<20480xf32, #tpu.memory_space<vmem>>[vector<16xi32>], vector<16xf32>,
      %get3A_737 = arith.constant 80 : index
      %get3A_738 = tpu.vector_load %arg7[%get3A_737] {strides = array<i32>} : memref<160xi32, #tpu.memory_space<vmem>>, vector<16xi32>,
      %add3A_739 = arith.constant 10240 : i32
      %add3A_740 = vector.broadcast %add3A_739 : i32 to vector<16xi32>
      %add3A_741 = arith.addi %mul3A_706, %add3A_740 : vector<16xi32>
      %add3A_742 = arith.addi %add3A_741, %get3A_738 : vector<16xi32>
      tpu.vector_store_idx %arg12[%add3A_742], %broadcast_in_dim3A_702 : memref<20480xf32, #tpu.memory_space<vmem>>[vector<16xi32>], vector<16xf32>,
      %get3A_743 = arith.constant 96 : index
      %get3A_744 = tpu.vector_load %arg7[%get3A_743] {strides = array<i32>} : memref<160xi32, #tpu.memory_space<vmem>>, vector<16xi32>,
      %add3A_745 = arith.constant 12288 : i32
      %add3A_746 = vector.broadcast %add3A_745 : i32 to vector<16xi32>
      %add3A_747 = arith.addi %mul3A_706, %add3A_746 : vector<16xi32>
      %add3A_748 = arith.addi %add3A_747, %get3A_744 : vector<16xi32>
      tpu.vector_store_idx %arg12[%add3A_748], %broadcast_in_dim3A_702 : memref<20480xf32, #tpu.memory_space<vmem>>[vector<16xi32>], vector<16xf32>,
      %get3A_749 = arith.constant 112 : index
      %get3A_750 = tpu.vector_load %arg7[%get3A_749] {strides = array<i32>} : memref<160xi32, #tpu.memory_space<vmem>>, vector<16xi32>,
      %add3A_751 = arith.constant 14336 : i32
      %add3A_752 = vector.broadcast %add3A_751 : i32 to vector<16xi32>
      %add3A_753 = arith.addi %mul3A_706, %add3A_752 : vector<16xi32>
      %add3A_754 = arith.addi %add3A_753, %get3A_750 : vector<16xi32>
      tpu.vector_store_idx %arg12[%add3A_754], %broadcast_in_dim3A_702 : memref<20480xf32, #tpu.memory_space<vmem>>[vector<16xi32>], vector<16xf32>,
      %get3A_755 = arith.constant 128 : index
      %get3A_756 = tpu.vector_load %arg7[%get3A_755] {strides = array<i32>} : memref<160xi32, #tpu.memory_space<vmem>>, vector<16xi32>,
      %add3A_757 = arith.constant 16384 : i32
      %add3A_758 = vector.broadcast %add3A_757 : i32 to vector<16xi32>
      %add3A_759 = arith.addi %mul3A_706, %add3A_758 : vector<16xi32>
      %add3A_760 = arith.addi %add3A_759, %get3A_756 : vector<16xi32>
      tpu.vector_store_idx %arg12[%add3A_760], %broadcast_in_dim3A_702 : memref<20480xf32, #tpu.memory_space<vmem>>[vector<16xi32>], vector<16xf32>,
      %get3A_761 = arith.constant 144 : index
      %get3A_762 = tpu.vector_load %arg7[%get3A_761] {strides = array<i32>} : memref<160xi32, #tpu.memory_space<vmem>>, vector<16xi32>,
      %add3A_763 = arith.constant 18432 : i32
      %add3A_764 = vector.broadcast %add3A_763 : i32 to vector<16xi32>
      %add3A_765 = arith.addi %mul3A_706, %add3A_764 : vector<16xi32>
      %add3A_766 = arith.addi %add3A_765, %get3A_762 : vector<16xi32>
      tpu.vector_store_idx %arg12[%add3A_766], %broadcast_in_dim3A_702 : memref<20480xf32, #tpu.memory_space<vmem>>[vector<16xi32>], vector<16xf32>,
      %mul3A_767 = arith.constant 5 : i32
      %mul3A_768 = arith.muli %scan3A_450, %mul3A_767 : i32
      %add3A_769 = arith.constant 3 : i32
      %add3A_770 = arith.addi %mul3A_768, %add3A_769 : i32
      %mul3A_771 = arith.constant 32 : i32
      %mul3A_772 = arith.muli %add3A_770, %mul3A_771 : i32
      %add3A_773 = arith.addi %add3A, %mul3A_772 : i32
      %lt3A_774 = arith.constant 625 : i32
      %lt3A_775 = arith.cmpi slt, %add3A_773, %lt3A_774 : i32
      %convert_element_type3A_776 = arith.extui %lt3A_775 : i1 to i32
      %cond3A_777 = arith.constant 0 : i32
      %cond3A_778 = arith.cmpi ne, %convert_element_type3A_776, %cond3A_777 : i32
      scf.if %cond3A_778 {
        %mul3A_862 = arith.constant 160 : i32
        %mul3A_863 = arith.muli %add3A_773, %mul3A_862 : i32
        "tpu.region"() ({
          %run_scoped3A = tpu.sem_alloc : memref<!tpu.dma_semaphore, #tpu.memory_space<semaphore_mem>>
          %dma_start3A_934 = tpu.memref_slice %arg2[%mul3A_863] : memref<100000xi32, #tpu.memory_space<hbm>> -> memref<160xi32, #tpu.memory_space<hbm>>
          %dma_start3A_935 = tpu.memref_slice %arg2[%mul3A_863] : memref<100000xi32, #tpu.memory_space<hbm>> -> memref<160xi32, #tpu.memory_space<hbm>>
          tpu.enqueue_dma source(%dma_start3A_935 : memref<160xi32, #tpu.memory_space<hbm>>) target(%arg7 : memref<160xi32, #tpu.memory_space<vmem>>) target_semaphore(%run_scoped3A : memref<!tpu.dma_semaphore, #tpu.memory_space<semaphore_mem>>)
          %dma_wait3A_936 = tpu.memref_slice %arg2[%mul3A_863] : memref<100000xi32, #tpu.memory_space<hbm>> -> memref<160xi32, #tpu.memory_space<hbm>>
          %dma_wait3A_937 = tpu.memref_slice %arg2[%mul3A_863] : memref<100000xi32, #tpu.memory_space<hbm>> -> memref<160xi32, #tpu.memory_space<hbm>>
          tpu.wait_dma2 semaphore(%run_scoped3A : memref<!tpu.dma_semaphore, #tpu.memory_space<semaphore_mem>>) src(%dma_wait3A_937 : memref<160xi32, #tpu.memory_space<hbm>>) dst(%arg7 : memref<160xi32, #tpu.memory_space<vmem>>)
          tpu.yield
        }) : () -> ()
        %broadcast_in_dim3A_864 = arith.constant 1.000000e+00 : f32
        %broadcast_in_dim3A_865 = vector.broadcast %broadcast_in_dim3A_864 : f32 to vector<16xf32>
        %iota3A_866 = tpu.iota {dimensions = array<i32: 0>} : vector<16xi32>
        %mul3A_867 = arith.constant 128 : i32
        %mul3A_868 = vector.broadcast %mul3A_867 : i32 to vector<16xi32>
        %mul3A_869 = arith.muli %iota3A_866, %mul3A_868 : vector<16xi32>
        %get3A_870 = arith.constant 0 : index
        %get3A_871 = tpu.vector_load %arg7[%get3A_870] {strides = array<i32>} : memref<160xi32, #tpu.memory_space<vmem>>, vector<16xi32>,
        %add3A_872 = arith.constant 0 : i32
        %add3A_873 = vector.broadcast %add3A_872 : i32 to vector<16xi32>
        %add3A_874 = arith.addi %mul3A_869, %add3A_873 : vector<16xi32>
        %add3A_875 = arith.addi %add3A_874, %get3A_871 : vector<16xi32>
        tpu.vector_store_idx %arg12[%add3A_875], %broadcast_in_dim3A_865 : memref<20480xf32, #tpu.memory_space<vmem>>[vector<16xi32>], vector<16xf32>,
        %get3A_876 = arith.constant 16 : index
        %get3A_877 = tpu.vector_load %arg7[%get3A_876] {strides = array<i32>} : memref<160xi32, #tpu.memory_space<vmem>>, vector<16xi32>,
        %add3A_878 = arith.constant 2048 : i32
        %add3A_879 = vector.broadcast %add3A_878 : i32 to vector<16xi32>
        %add3A_880 = arith.addi %mul3A_869, %add3A_879 : vector<16xi32>
        %add3A_881 = arith.addi %add3A_880, %get3A_877 : vector<16xi32>
        tpu.vector_store_idx %arg12[%add3A_881], %broadcast_in_dim3A_865 : memref<20480xf32, #tpu.memory_space<vmem>>[vector<16xi32>], vector<16xf32>,
        %get3A_882 = arith.constant 32 : index
        %get3A_883 = tpu.vector_load %arg7[%get3A_882] {strides = array<i32>} : memref<160xi32, #tpu.memory_space<vmem>>, vector<16xi32>,
        %add3A_884 = arith.constant 4096 : i32
        %add3A_885 = vector.broadcast %add3A_884 : i32 to vector<16xi32>
        %add3A_886 = arith.addi %mul3A_869, %add3A_885 : vector<16xi32>
        %add3A_887 = arith.addi %add3A_886, %get3A_883 : vector<16xi32>
        tpu.vector_store_idx %arg12[%add3A_887], %broadcast_in_dim3A_865 : memref<20480xf32, #tpu.memory_space<vmem>>[vector<16xi32>], vector<16xf32>,
        %get3A_888 = arith.constant 48 : index
        %get3A_889 = tpu.vector_load %arg7[%get3A_888] {strides = array<i32>} : memref<160xi32, #tpu.memory_space<vmem>>, vector<16xi32>,
        %add3A_890 = arith.constant 6144 : i32
        %add3A_891 = vector.broadcast %add3A_890 : i32 to vector<16xi32>
        %add3A_892 = arith.addi %mul3A_869, %add3A_891 : vector<16xi32>
        %add3A_893 = arith.addi %add3A_892, %get3A_889 : vector<16xi32>
        tpu.vector_store_idx %arg12[%add3A_893], %broadcast_in_dim3A_865 : memref<20480xf32, #tpu.memory_space<vmem>>[vector<16xi32>], vector<16xf32>,
        %get3A_894 = arith.constant 64 : index
        %get3A_895 = tpu.vector_load %arg7[%get3A_894] {strides = array<i32>} : memref<160xi32, #tpu.memory_space<vmem>>, vector<16xi32>,
        %add3A_896 = arith.constant 8192 : i32
        %add3A_897 = vector.broadcast %add3A_896 : i32 to vector<16xi32>
        %add3A_898 = arith.addi %mul3A_869, %add3A_897 : vector<16xi32>
        %add3A_899 = arith.addi %add3A_898, %get3A_895 : vector<16xi32>
        tpu.vector_store_idx %arg12[%add3A_899], %broadcast_in_dim3A_865 : memref<20480xf32, #tpu.memory_space<vmem>>[vector<16xi32>], vector<16xf32>,
        %get3A_900 = arith.constant 80 : index
        %get3A_901 = tpu.vector_load %arg7[%get3A_900] {strides = array<i32>} : memref<160xi32, #tpu.memory_space<vmem>>, vector<16xi32>,
        %add3A_902 = arith.constant 10240 : i32
        %add3A_903 = vector.broadcast %add3A_902 : i32 to vector<16xi32>
        %add3A_904 = arith.addi %mul3A_869, %add3A_903 : vector<16xi32>
        %add3A_905 = arith.addi %add3A_904, %get3A_901 : vector<16xi32>
        tpu.vector_store_idx %arg12[%add3A_905], %broadcast_in_dim3A_865 : memref<20480xf32, #tpu.memory_space<vmem>>[vector<16xi32>], vector<16xf32>,
        %get3A_906 = arith.constant 96 : index
        %get3A_907 = tpu.vector_load %arg7[%get3A_906] {strides = array<i32>} : memref<160xi32, #tpu.memory_space<vmem>>, vector<16xi32>,
        %add3A_908 = arith.constant 12288 : i32
        %add3A_909 = vector.broadcast %add3A_908 : i32 to vector<16xi32>
        %add3A_910 = arith.addi %mul3A_869, %add3A_909 : vector<16xi32>
        %add3A_911 = arith.addi %add3A_910, %get3A_907 : vector<16xi32>
        tpu.vector_store_idx %arg12[%add3A_911], %broadcast_in_dim3A_865 : memref<20480xf32, #tpu.memory_space<vmem>>[vector<16xi32>], vector<16xf32>,
        %get3A_912 = arith.constant 112 : index
        %get3A_913 = tpu.vector_load %arg7[%get3A_912] {strides = array<i32>} : memref<160xi32, #tpu.memory_space<vmem>>, vector<16xi32>,
        %add3A_914 = arith.constant 14336 : i32
        %add3A_915 = vector.broadcast %add3A_914 : i32 to vector<16xi32>
        %add3A_916 = arith.addi %mul3A_869, %add3A_915 : vector<16xi32>
        %add3A_917 = arith.addi %add3A_916, %get3A_913 : vector<16xi32>
        tpu.vector_store_idx %arg12[%add3A_917], %broadcast_in_dim3A_865 : memref<20480xf32, #tpu.memory_space<vmem>>[vector<16xi32>], vector<16xf32>,
        %get3A_918 = arith.constant 128 : index
        %get3A_919 = tpu.vector_load %arg7[%get3A_918] {strides = array<i32>} : memref<160xi32, #tpu.memory_space<vmem>>, vector<16xi32>,
        %add3A_920 = arith.constant 16384 : i32
        %add3A_921 = vector.broadcast %add3A_920 : i32 to vector<16xi32>
        %add3A_922 = arith.addi %mul3A_869, %add3A_921 : vector<16xi32>
        %add3A_923 = arith.addi %add3A_922, %get3A_919 : vector<16xi32>
        tpu.vector_store_idx %arg12[%add3A_923], %broadcast_in_dim3A_865 : memref<20480xf32, #tpu.memory_space<vmem>>[vector<16xi32>], vector<16xf32>,
        %get3A_924 = arith.constant 144 : index
        %get3A_925 = tpu.vector_load %arg7[%get3A_924] {strides = array<i32>} : memref<160xi32, #tpu.memory_space<vmem>>, vector<16xi32>,
        %add3A_926 = arith.constant 18432 : i32
        %add3A_927 = vector.broadcast %add3A_926 : i32 to vector<16xi32>
        %add3A_928 = arith.addi %mul3A_869, %add3A_927 : vector<16xi32>
        %add3A_929 = arith.addi %add3A_928, %get3A_925 : vector<16xi32>
        tpu.vector_store_idx %arg12[%add3A_929], %broadcast_in_dim3A_865 : memref<20480xf32, #tpu.memory_space<vmem>>[vector<16xi32>], vector<16xf32>,
        %mul3A_930 = arith.constant 128 : i32
        %mul3A_931 = arith.muli %mul3A_863, %mul3A_930 : i32
        %dma_start3A_932 = tpu.memref_slice %arg3[%mul3A_931] : memref<12800000xf32, #tpu.memory_space<hbm>> -> memref<20480xf32, #tpu.memory_space<hbm>>
        %dma_start3A_933 = tpu.memref_slice %arg3[%mul3A_931] : memref<12800000xf32, #tpu.memory_space<hbm>> -> memref<20480xf32, #tpu.memory_space<hbm>>
        tpu.enqueue_dma source(%arg12 : memref<20480xf32, #tpu.memory_space<vmem>>) target(%dma_start3A_933 : memref<20480xf32, #tpu.memory_space<hbm>>) target_semaphore(%arg17 : memref<!tpu.dma_semaphore, #tpu.memory_space<semaphore_mem>>)
      } else {
      }
      %dma_wait3A_779 = arith.constant 0 : i32
      %dma_wait3A_780 = tpu.memref_slice %arg3[%dma_wait3A_779] : memref<12800000xf32, #tpu.memory_space<hbm>> -> memref<20480xf32, #tpu.memory_space<hbm>>
      %dma_wait3A_781 = arith.constant 0 : i32
      %dma_wait3A_782 = tpu.memref_slice %arg3[%dma_wait3A_781] : memref<12800000xf32, #tpu.memory_space<hbm>> -> memref<20480xf32, #tpu.memory_space<hbm>>
      tpu.wait_dma2 semaphore(%arg18 : memref<!tpu.dma_semaphore, #tpu.memory_space<semaphore_mem>>) src(%arg13 : memref<20480xf32, #tpu.memory_space<vmem>>) dst(%dma_wait3A_782 : memref<20480xf32, #tpu.memory_space<hbm>>)
      %broadcast_in_dim3A_783 = arith.constant 0.000000e+00 : f32
      %broadcast_in_dim3A_784 = vector.broadcast %broadcast_in_dim3A_783 : f32 to vector<16xf32>
      %iota3A_785 = tpu.iota {dimensions = array<i32: 0>} : vector<16xi32>
      %mul3A_786 = arith.constant 128 : i32
      %mul3A_787 = vector.broadcast %mul3A_786 : i32 to vector<16xi32>
      %mul3A_788 = arith.muli %iota3A_785, %mul3A_787 : vector<16xi32>
      %get3A_789 = arith.constant 0 : index
      %get3A_790 = tpu.vector_load %arg8[%get3A_789] {strides = array<i32>} : memref<160xi32, #tpu.memory_space<vmem>>, vector<16xi32>,
      %add3A_791 = arith.constant 0 : i32
      %add3A_792 = vector.broadcast %add3A_791 : i32 to vector<16xi32>
      %add3A_793 = arith.addi %mul3A_788, %add3A_792 : vector<16xi32>
      %add3A_794 = arith.addi %add3A_793, %get3A_790 : vector<16xi32>
      tpu.vector_store_idx %arg13[%add3A_794], %broadcast_in_dim3A_784 : memref<20480xf32, #tpu.memory_space<vmem>>[vector<16xi32>], vector<16xf32>,
      %get3A_795 = arith.constant 16 : index
      %get3A_796 = tpu.vector_load %arg8[%get3A_795] {strides = array<i32>} : memref<160xi32, #tpu.memory_space<vmem>>, vector<16xi32>,
      %add3A_797 = arith.constant 2048 : i32
      %add3A_798 = vector.broadcast %add3A_797 : i32 to vector<16xi32>
      %add3A_799 = arith.addi %mul3A_788, %add3A_798 : vector<16xi32>
      %add3A_800 = arith.addi %add3A_799, %get3A_796 : vector<16xi32>
      tpu.vector_store_idx %arg13[%add3A_800], %broadcast_in_dim3A_784 : memref<20480xf32, #tpu.memory_space<vmem>>[vector<16xi32>], vector<16xf32>,
      %get3A_801 = arith.constant 32 : index
      %get3A_802 = tpu.vector_load %arg8[%get3A_801] {strides = array<i32>} : memref<160xi32, #tpu.memory_space<vmem>>, vector<16xi32>,
      %add3A_803 = arith.constant 4096 : i32
      %add3A_804 = vector.broadcast %add3A_803 : i32 to vector<16xi32>
      %add3A_805 = arith.addi %mul3A_788, %add3A_804 : vector<16xi32>
      %add3A_806 = arith.addi %add3A_805, %get3A_802 : vector<16xi32>
      tpu.vector_store_idx %arg13[%add3A_806], %broadcast_in_dim3A_784 : memref<20480xf32, #tpu.memory_space<vmem>>[vector<16xi32>], vector<16xf32>,
      %get3A_807 = arith.constant 48 : index
      %get3A_808 = tpu.vector_load %arg8[%get3A_807] {strides = array<i32>} : memref<160xi32, #tpu.memory_space<vmem>>, vector<16xi32>,
      %add3A_809 = arith.constant 6144 : i32
      %add3A_810 = vector.broadcast %add3A_809 : i32 to vector<16xi32>
      %add3A_811 = arith.addi %mul3A_788, %add3A_810 : vector<16xi32>
      %add3A_812 = arith.addi %add3A_811, %get3A_808 : vector<16xi32>
      tpu.vector_store_idx %arg13[%add3A_812], %broadcast_in_dim3A_784 : memref<20480xf32, #tpu.memory_space<vmem>>[vector<16xi32>], vector<16xf32>,
      %get3A_813 = arith.constant 64 : index
      %get3A_814 = tpu.vector_load %arg8[%get3A_813] {strides = array<i32>} : memref<160xi32, #tpu.memory_space<vmem>>, vector<16xi32>,
      %add3A_815 = arith.constant 8192 : i32
      %add3A_816 = vector.broadcast %add3A_815 : i32 to vector<16xi32>
      %add3A_817 = arith.addi %mul3A_788, %add3A_816 : vector<16xi32>
      %add3A_818 = arith.addi %add3A_817, %get3A_814 : vector<16xi32>
      tpu.vector_store_idx %arg13[%add3A_818], %broadcast_in_dim3A_784 : memref<20480xf32, #tpu.memory_space<vmem>>[vector<16xi32>], vector<16xf32>,
      %get3A_819 = arith.constant 80 : index
      %get3A_820 = tpu.vector_load %arg8[%get3A_819] {strides = array<i32>} : memref<160xi32, #tpu.memory_space<vmem>>, vector<16xi32>,
      %add3A_821 = arith.constant 10240 : i32
      %add3A_822 = vector.broadcast %add3A_821 : i32 to vector<16xi32>
      %add3A_823 = arith.addi %mul3A_788, %add3A_822 : vector<16xi32>
      %add3A_824 = arith.addi %add3A_823, %get3A_820 : vector<16xi32>
      tpu.vector_store_idx %arg13[%add3A_824], %broadcast_in_dim3A_784 : memref<20480xf32, #tpu.memory_space<vmem>>[vector<16xi32>], vector<16xf32>,
      %get3A_825 = arith.constant 96 : index
      %get3A_826 = tpu.vector_load %arg8[%get3A_825] {strides = array<i32>} : memref<160xi32, #tpu.memory_space<vmem>>, vector<16xi32>,
      %add3A_827 = arith.constant 12288 : i32
      %add3A_828 = vector.broadcast %add3A_827 : i32 to vector<16xi32>
      %add3A_829 = arith.addi %mul3A_788, %add3A_828 : vector<16xi32>
      %add3A_830 = arith.addi %add3A_829, %get3A_826 : vector<16xi32>
      tpu.vector_store_idx %arg13[%add3A_830], %broadcast_in_dim3A_784 : memref<20480xf32, #tpu.memory_space<vmem>>[vector<16xi32>], vector<16xf32>,
      %get3A_831 = arith.constant 112 : index
      %get3A_832 = tpu.vector_load %arg8[%get3A_831] {strides = array<i32>} : memref<160xi32, #tpu.memory_space<vmem>>, vector<16xi32>,
      %add3A_833 = arith.constant 14336 : i32
      %add3A_834 = vector.broadcast %add3A_833 : i32 to vector<16xi32>
      %add3A_835 = arith.addi %mul3A_788, %add3A_834 : vector<16xi32>
      %add3A_836 = arith.addi %add3A_835, %get3A_832 : vector<16xi32>
      tpu.vector_store_idx %arg13[%add3A_836], %broadcast_in_dim3A_784 : memref<20480xf32, #tpu.memory_space<vmem>>[vector<16xi32>], vector<16xf32>,
      %get3A_837 = arith.constant 128 : index
      %get3A_838 = tpu.vector_load %arg8[%get3A_837] {strides = array<i32>} : memref<160xi32, #tpu.memory_space<vmem>>, vector<16xi32>,
      %add3A_839 = arith.constant 16384 : i32
      %add3A_840 = vector.broadcast %add3A_839 : i32 to vector<16xi32>
      %add3A_841 = arith.addi %mul3A_788, %add3A_840 : vector<16xi32>
      %add3A_842 = arith.addi %add3A_841, %get3A_838 : vector<16xi32>
      tpu.vector_store_idx %arg13[%add3A_842], %broadcast_in_dim3A_784 : memref<20480xf32, #tpu.memory_space<vmem>>[vector<16xi32>], vector<16xf32>,
      %get3A_843 = arith.constant 144 : index
      %get3A_844 = tpu.vector_load %arg8[%get3A_843] {strides = array<i32>} : memref<160xi32, #tpu.memory_space<vmem>>, vector<16xi32>,
      %add3A_845 = arith.constant 18432 : i32
      %add3A_846 = vector.broadcast %add3A_845 : i32 to vector<16xi32>
      %add3A_847 = arith.addi %mul3A_788, %add3A_846 : vector<16xi32>
      %add3A_848 = arith.addi %add3A_847, %get3A_844 : vector<16xi32>
      tpu.vector_store_idx %arg13[%add3A_848], %broadcast_in_dim3A_784 : memref<20480xf32, #tpu.memory_space<vmem>>[vector<16xi32>], vector<16xf32>,
      %mul3A_849 = arith.constant 5 : i32
      %mul3A_850 = arith.muli %scan3A_450, %mul3A_849 : i32
      %add3A_851 = arith.constant 4 : i32
      %add3A_852 = arith.addi %mul3A_850, %add3A_851 : i32
      %mul3A_853 = arith.constant 32 : i32
      %mul3A_854 = arith.muli %add3A_852, %mul3A_853 : i32
      %add3A_855 = arith.addi %add3A, %mul3A_854 : i32
      %lt3A_856 = arith.constant 625 : i32
      %lt3A_857 = arith.cmpi slt, %add3A_855, %lt3A_856 : i32
      %convert_element_type3A_858 = arith.extui %lt3A_857 : i1 to i32
      %cond3A_859 = arith.constant 0 : i32
      %cond3A_860 = arith.cmpi ne, %convert_element_type3A_858, %cond3A_859 : i32
      scf.if %cond3A_860 {
        %mul3A_862 = arith.constant 160 : i32
        %mul3A_863 = arith.muli %add3A_855, %mul3A_862 : i32
        "tpu.region"() ({
          %run_scoped3A = tpu.sem_alloc : memref<!tpu.dma_semaphore, #tpu.memory_space<semaphore_mem>>
          %dma_start3A_934 = tpu.memref_slice %arg2[%mul3A_863] : memref<100000xi32, #tpu.memory_space<hbm>> -> memref<160xi32, #tpu.memory_space<hbm>>
          %dma_start3A_935 = tpu.memref_slice %arg2[%mul3A_863] : memref<100000xi32, #tpu.memory_space<hbm>> -> memref<160xi32, #tpu.memory_space<hbm>>
          tpu.enqueue_dma source(%dma_start3A_935 : memref<160xi32, #tpu.memory_space<hbm>>) target(%arg8 : memref<160xi32, #tpu.memory_space<vmem>>) target_semaphore(%run_scoped3A : memref<!tpu.dma_semaphore, #tpu.memory_space<semaphore_mem>>)
          %dma_wait3A_936 = tpu.memref_slice %arg2[%mul3A_863] : memref<100000xi32, #tpu.memory_space<hbm>> -> memref<160xi32, #tpu.memory_space<hbm>>
          %dma_wait3A_937 = tpu.memref_slice %arg2[%mul3A_863] : memref<100000xi32, #tpu.memory_space<hbm>> -> memref<160xi32, #tpu.memory_space<hbm>>
          tpu.wait_dma2 semaphore(%run_scoped3A : memref<!tpu.dma_semaphore, #tpu.memory_space<semaphore_mem>>) src(%dma_wait3A_937 : memref<160xi32, #tpu.memory_space<hbm>>) dst(%arg8 : memref<160xi32, #tpu.memory_space<vmem>>)
          tpu.yield
        }) : () -> ()
        %broadcast_in_dim3A_864 = arith.constant 1.000000e+00 : f32
        %broadcast_in_dim3A_865 = vector.broadcast %broadcast_in_dim3A_864 : f32 to vector<16xf32>
        %iota3A_866 = tpu.iota {dimensions = array<i32: 0>} : vector<16xi32>
        %mul3A_867 = arith.constant 128 : i32
        %mul3A_868 = vector.broadcast %mul3A_867 : i32 to vector<16xi32>
        %mul3A_869 = arith.muli %iota3A_866, %mul3A_868 : vector<16xi32>
        %get3A_870 = arith.constant 0 : index
        %get3A_871 = tpu.vector_load %arg8[%get3A_870] {strides = array<i32>} : memref<160xi32, #tpu.memory_space<vmem>>, vector<16xi32>,
        %add3A_872 = arith.constant 0 : i32
        %add3A_873 = vector.broadcast %add3A_872 : i32 to vector<16xi32>
        %add3A_874 = arith.addi %mul3A_869, %add3A_873 : vector<16xi32>
        %add3A_875 = arith.addi %add3A_874, %get3A_871 : vector<16xi32>
        tpu.vector_store_idx %arg13[%add3A_875], %broadcast_in_dim3A_865 : memref<20480xf32, #tpu.memory_space<vmem>>[vector<16xi32>], vector<16xf32>,
        %get3A_876 = arith.constant 16 : index
        %get3A_877 = tpu.vector_load %arg8[%get3A_876] {strides = array<i32>} : memref<160xi32, #tpu.memory_space<vmem>>, vector<16xi32>,
        %add3A_878 = arith.constant 2048 : i32
        %add3A_879 = vector.broadcast %add3A_878 : i32 to vector<16xi32>
        %add3A_880 = arith.addi %mul3A_869, %add3A_879 : vector<16xi32>
        %add3A_881 = arith.addi %add3A_880, %get3A_877 : vector<16xi32>
        tpu.vector_store_idx %arg13[%add3A_881], %broadcast_in_dim3A_865 : memref<20480xf32, #tpu.memory_space<vmem>>[vector<16xi32>], vector<16xf32>,
        %get3A_882 = arith.constant 32 : index
        %get3A_883 = tpu.vector_load %arg8[%get3A_882] {strides = array<i32>} : memref<160xi32, #tpu.memory_space<vmem>>, vector<16xi32>,
        %add3A_884 = arith.constant 4096 : i32
        %add3A_885 = vector.broadcast %add3A_884 : i32 to vector<16xi32>
        %add3A_886 = arith.addi %mul3A_869, %add3A_885 : vector<16xi32>
        %add3A_887 = arith.addi %add3A_886, %get3A_883 : vector<16xi32>
        tpu.vector_store_idx %arg13[%add3A_887], %broadcast_in_dim3A_865 : memref<20480xf32, #tpu.memory_space<vmem>>[vector<16xi32>], vector<16xf32>,
        %get3A_888 = arith.constant 48 : index
        %get3A_889 = tpu.vector_load %arg8[%get3A_888] {strides = array<i32>} : memref<160xi32, #tpu.memory_space<vmem>>, vector<16xi32>,
        %add3A_890 = arith.constant 6144 : i32
        %add3A_891 = vector.broadcast %add3A_890 : i32 to vector<16xi32>
        %add3A_892 = arith.addi %mul3A_869, %add3A_891 : vector<16xi32>
        %add3A_893 = arith.addi %add3A_892, %get3A_889 : vector<16xi32>
        tpu.vector_store_idx %arg13[%add3A_893], %broadcast_in_dim3A_865 : memref<20480xf32, #tpu.memory_space<vmem>>[vector<16xi32>], vector<16xf32>,
        %get3A_894 = arith.constant 64 : index
        %get3A_895 = tpu.vector_load %arg8[%get3A_894] {strides = array<i32>} : memref<160xi32, #tpu.memory_space<vmem>>, vector<16xi32>,
        %add3A_896 = arith.constant 8192 : i32
        %add3A_897 = vector.broadcast %add3A_896 : i32 to vector<16xi32>
        %add3A_898 = arith.addi %mul3A_869, %add3A_897 : vector<16xi32>
        %add3A_899 = arith.addi %add3A_898, %get3A_895 : vector<16xi32>
        tpu.vector_store_idx %arg13[%add3A_899], %broadcast_in_dim3A_865 : memref<20480xf32, #tpu.memory_space<vmem>>[vector<16xi32>], vector<16xf32>,
        %get3A_900 = arith.constant 80 : index
        %get3A_901 = tpu.vector_load %arg8[%get3A_900] {strides = array<i32>} : memref<160xi32, #tpu.memory_space<vmem>>, vector<16xi32>,
        %add3A_902 = arith.constant 10240 : i32
        %add3A_903 = vector.broadcast %add3A_902 : i32 to vector<16xi32>
        %add3A_904 = arith.addi %mul3A_869, %add3A_903 : vector<16xi32>
        %add3A_905 = arith.addi %add3A_904, %get3A_901 : vector<16xi32>
        tpu.vector_store_idx %arg13[%add3A_905], %broadcast_in_dim3A_865 : memref<20480xf32, #tpu.memory_space<vmem>>[vector<16xi32>], vector<16xf32>,
        %get3A_906 = arith.constant 96 : index
        %get3A_907 = tpu.vector_load %arg8[%get3A_906] {strides = array<i32>} : memref<160xi32, #tpu.memory_space<vmem>>, vector<16xi32>,
        %add3A_908 = arith.constant 12288 : i32
        %add3A_909 = vector.broadcast %add3A_908 : i32 to vector<16xi32>
        %add3A_910 = arith.addi %mul3A_869, %add3A_909 : vector<16xi32>
        %add3A_911 = arith.addi %add3A_910, %get3A_907 : vector<16xi32>
        tpu.vector_store_idx %arg13[%add3A_911], %broadcast_in_dim3A_865 : memref<20480xf32, #tpu.memory_space<vmem>>[vector<16xi32>], vector<16xf32>,
        %get3A_912 = arith.constant 112 : index
        %get3A_913 = tpu.vector_load %arg8[%get3A_912] {strides = array<i32>} : memref<160xi32, #tpu.memory_space<vmem>>, vector<16xi32>,
        %add3A_914 = arith.constant 14336 : i32
        %add3A_915 = vector.broadcast %add3A_914 : i32 to vector<16xi32>
        %add3A_916 = arith.addi %mul3A_869, %add3A_915 : vector<16xi32>
        %add3A_917 = arith.addi %add3A_916, %get3A_913 : vector<16xi32>
        tpu.vector_store_idx %arg13[%add3A_917], %broadcast_in_dim3A_865 : memref<20480xf32, #tpu.memory_space<vmem>>[vector<16xi32>], vector<16xf32>,
        %get3A_918 = arith.constant 128 : index
        %get3A_919 = tpu.vector_load %arg8[%get3A_918] {strides = array<i32>} : memref<160xi32, #tpu.memory_space<vmem>>, vector<16xi32>,
        %add3A_920 = arith.constant 16384 : i32
        %add3A_921 = vector.broadcast %add3A_920 : i32 to vector<16xi32>
        %add3A_922 = arith.addi %mul3A_869, %add3A_921 : vector<16xi32>
        %add3A_923 = arith.addi %add3A_922, %get3A_919 : vector<16xi32>
        tpu.vector_store_idx %arg13[%add3A_923], %broadcast_in_dim3A_865 : memref<20480xf32, #tpu.memory_space<vmem>>[vector<16xi32>], vector<16xf32>,
        %get3A_924 = arith.constant 144 : index
        %get3A_925 = tpu.vector_load %arg8[%get3A_924] {strides = array<i32>} : memref<160xi32, #tpu.memory_space<vmem>>, vector<16xi32>,
        %add3A_926 = arith.constant 18432 : i32
        %add3A_927 = vector.broadcast %add3A_926 : i32 to vector<16xi32>
        %add3A_928 = arith.addi %mul3A_869, %add3A_927 : vector<16xi32>
        %add3A_929 = arith.addi %add3A_928, %get3A_925 : vector<16xi32>
        tpu.vector_store_idx %arg13[%add3A_929], %broadcast_in_dim3A_865 : memref<20480xf32, #tpu.memory_space<vmem>>[vector<16xi32>], vector<16xf32>,
        %mul3A_930 = arith.constant 128 : i32
        %mul3A_931 = arith.muli %mul3A_863, %mul3A_930 : i32
        %dma_start3A_932 = tpu.memref_slice %arg3[%mul3A_931] : memref<12800000xf32, #tpu.memory_space<hbm>> -> memref<20480xf32, #tpu.memory_space<hbm>>
        %dma_start3A_933 = tpu.memref_slice %arg3[%mul3A_931] : memref<12800000xf32, #tpu.memory_space<hbm>> -> memref<20480xf32, #tpu.memory_space<hbm>>
        tpu.enqueue_dma source(%arg13 : memref<20480xf32, #tpu.memory_space<vmem>>) target(%dma_start3A_933 : memref<20480xf32, #tpu.memory_space<hbm>>) target_semaphore(%arg18 : memref<!tpu.dma_semaphore, #tpu.memory_space<semaphore_mem>>)
      } else {
      }
      %scan3A_861 = arith.constant 0 : i32
      scf.yield %scan3A_861 : i32
    }
    %scan3A_417 = arith.constant 3 : i32
    %add3A_418 = arith.constant 480 : i32
    %add3A_419 = arith.addi %add3A, %add3A_418 : i32
    %lt3A = arith.constant 625 : i32
    %lt3A_420 = arith.cmpi slt, %add3A_419, %lt3A : i32
    %convert_element_type3A = arith.extui %lt3A_420 : i1 to i32
    %cond3A = arith.constant 0 : i32
    %cond3A_421 = arith.cmpi ne, %convert_element_type3A, %cond3A : i32
    scf.if %cond3A_421 {
      %dma_wait3A = arith.constant 0 : i32
      %dma_wait3A_450 = tpu.memref_slice %arg3[%dma_wait3A] : memref<12800000xf32, #tpu.memory_space<hbm>> -> memref<20480xf32, #tpu.memory_space<hbm>>
      %dma_wait3A_451 = arith.constant 0 : i32
      %dma_wait3A_452 = tpu.memref_slice %arg3[%dma_wait3A_451] : memref<12800000xf32, #tpu.memory_space<hbm>> -> memref<20480xf32, #tpu.memory_space<hbm>>
      tpu.wait_dma2 semaphore(%arg14 : memref<!tpu.dma_semaphore, #tpu.memory_space<semaphore_mem>>) src(%arg9 : memref<20480xf32, #tpu.memory_space<vmem>>) dst(%dma_wait3A_452 : memref<20480xf32, #tpu.memory_space<hbm>>)
    } else {
    }
    %add3A_422 = arith.constant 512 : i32
    %add3A_423 = arith.addi %add3A, %add3A_422 : i32
    %lt3A_424 = arith.constant 625 : i32
    %lt3A_425 = arith.cmpi slt, %add3A_423, %lt3A_424 : i32
    %convert_element_type3A_426 = arith.extui %lt3A_425 : i1 to i32
    %cond3A_427 = arith.constant 0 : i32
    %cond3A_428 = arith.cmpi ne, %convert_element_type3A_426, %cond3A_427 : i32
    scf.if %cond3A_428 {
      %dma_wait3A = arith.constant 0 : i32
      %dma_wait3A_450 = tpu.memref_slice %arg3[%dma_wait3A] : memref<12800000xf32, #tpu.memory_space<hbm>> -> memref<20480xf32, #tpu.memory_space<hbm>>
      %dma_wait3A_451 = arith.constant 0 : i32
      %dma_wait3A_452 = tpu.memref_slice %arg3[%dma_wait3A_451] : memref<12800000xf32, #tpu.memory_space<hbm>> -> memref<20480xf32, #tpu.memory_space<hbm>>
      tpu.wait_dma2 semaphore(%arg15 : memref<!tpu.dma_semaphore, #tpu.memory_space<semaphore_mem>>) src(%arg10 : memref<20480xf32, #tpu.memory_space<vmem>>) dst(%dma_wait3A_452 : memref<20480xf32, #tpu.memory_space<hbm>>)
    } else {
    }
    %add3A_429 = arith.constant 544 : i32
    %add3A_430 = arith.addi %add3A, %add3A_429 : i32
    %lt3A_431 = arith.constant 625 : i32
    %lt3A_432 = arith.cmpi slt, %add3A_430, %lt3A_431 : i32
    %convert_element_type3A_433 = arith.extui %lt3A_432 : i1 to i32
    %cond3A_434 = arith.constant 0 : i32
    %cond3A_435 = arith.cmpi ne, %convert_element_type3A_433, %cond3A_434 : i32
    scf.if %cond3A_435 {
      %dma_wait3A = arith.constant 0 : i32
      %dma_wait3A_450 = tpu.memref_slice %arg3[%dma_wait3A] : memref<12800000xf32, #tpu.memory_space<hbm>> -> memref<20480xf32, #tpu.memory_space<hbm>>
      %dma_wait3A_451 = arith.constant 0 : i32
      %dma_wait3A_452 = tpu.memref_slice %arg3[%dma_wait3A_451] : memref<12800000xf32, #tpu.memory_space<hbm>> -> memref<20480xf32, #tpu.memory_space<hbm>>
      tpu.wait_dma2 semaphore(%arg16 : memref<!tpu.dma_semaphore, #tpu.memory_space<semaphore_mem>>) src(%arg11 : memref<20480xf32, #tpu.memory_space<vmem>>) dst(%dma_wait3A_452 : memref<20480xf32, #tpu.memory_space<hbm>>)
    } else {
    }
    %add3A_436 = arith.constant 576 : i32
    %add3A_437 = arith.addi %add3A, %add3A_436 : i32
    %lt3A_438 = arith.constant 625 : i32
    %lt3A_439 = arith.cmpi slt, %add3A_437, %lt3A_438 : i32
    %convert_element_type3A_440 = arith.extui %lt3A_439 : i1 to i32
    %cond3A_441 = arith.constant 0 : i32
    %cond3A_442 = arith.cmpi ne, %convert_element_type3A_440, %cond3A_441 : i32
    scf.if %cond3A_442 {
      %dma_wait3A = arith.constant 0 : i32
      %dma_wait3A_450 = tpu.memref_slice %arg3[%dma_wait3A] : memref<12800000xf32, #tpu.memory_space<hbm>> -> memref<20480xf32, #tpu.memory_space<hbm>>
      %dma_wait3A_451 = arith.constant 0 : i32
      %dma_wait3A_452 = tpu.memref_slice %arg3[%dma_wait3A_451] : memref<12800000xf32, #tpu.memory_space<hbm>> -> memref<20480xf32, #tpu.memory_space<hbm>>
      tpu.wait_dma2 semaphore(%arg17 : memref<!tpu.dma_semaphore, #tpu.memory_space<semaphore_mem>>) src(%arg12 : memref<20480xf32, #tpu.memory_space<vmem>>) dst(%dma_wait3A_452 : memref<20480xf32, #tpu.memory_space<hbm>>)
    } else {
    }
    %add3A_443 = arith.constant 608 : i32
    %add3A_444 = arith.addi %add3A, %add3A_443 : i32
    %lt3A_445 = arith.constant 625 : i32
    %lt3A_446 = arith.cmpi slt, %add3A_444, %lt3A_445 : i32
    %convert_element_type3A_447 = arith.extui %lt3A_446 : i1 to i32
    %cond3A_448 = arith.constant 0 : i32
    %cond3A_449 = arith.cmpi ne, %convert_element_type3A_447, %cond3A_448 : i32
    scf.if %cond3A_449 {
      %dma_wait3A = arith.constant 0 : i32
      %dma_wait3A_450 = tpu.memref_slice %arg3[%dma_wait3A] : memref<12800000xf32, #tpu.memory_space<hbm>> -> memref<20480xf32, #tpu.memory_space<hbm>>
      %dma_wait3A_451 = arith.constant 0 : i32
      %dma_wait3A_452 = tpu.memref_slice %arg3[%dma_wait3A_451] : memref<12800000xf32, #tpu.memory_space<hbm>> -> memref<20480xf32, #tpu.memory_space<hbm>>
      tpu.wait_dma2 semaphore(%arg18 : memref<!tpu.dma_semaphore, #tpu.memory_space<semaphore_mem>>) src(%arg13 : memref<20480xf32, #tpu.memory_space<vmem>>) dst(%dma_wait3A_452 : memref<20480xf32, #tpu.memory_space<hbm>>)
    } else {
    }
    return
  }
}

module attributes {stable_mosaic.version = 14 : i64} {
  func.func @_tc_body(%arg0: i32, %arg1: memref<1x1x10000xi32, #tpu.memory_space<vmem>>, %arg2: memref<10000x128xf32, #tpu.memory_space<vmem>>) attributes {dimension_semantics = [#tpu.dimension_semantics<arbitrary>], iteration_bounds = array<i64: 10>, scalar_prefetch = 0 : i64, scratch_operands = 0 : i64, tpu.core_type = #tpu.core_type<tc>, window_params = [{transform_indices = @transform_0, window_bounds = array<i64: 1, 1, 10000>}, {transform_indices = @transform_1, window_bounds = array<i64: 10000, 128>}]} {
    %get3A = arith.constant 0 : index
    %get3A_0 = arith.constant 0 : index
    %get3A_1 = arith.constant 0 : index
    %get3A_2 = vector.load %arg1[%get3A, %get3A_0, %get3A_1] : memref<1x1x10000xi32, #tpu.memory_space<vmem>>, vector<1x1x10000xi32>
    %reshape3A = vector.shape_cast %get3A_2 : vector<1x1x10000xi32> to vector<10000x1xi32>
    %iota3A = tpu.iota {dimensions = array<i32: 1>} : vector<1x128xi32>
    %eq3A = vector.broadcast %reshape3A : vector<10000x1xi32> to vector<10000x128xi32>
    %eq3A_3 = vector.broadcast %iota3A : vector<1x128xi32> to vector<10000x128xi32>
    %eq3A_4 = arith.cmpi eq, %eq3A, %eq3A_3 : vector<10000x128xi32>
    %jit3A = arith.constant 1.000000e+00 : f32
    %jit3A_5 = arith.constant 0.000000e+00 : f32
    %broadcast_in_dim3A = vector.broadcast %jit3A : f32 to vector<10000x128xf32>
    %broadcast_in_dim3A_6 = vector.broadcast %jit3A_5 : f32 to vector<10000x128xf32>
    %select_n3A = arith.select %eq3A_4, %broadcast_in_dim3A, %broadcast_in_dim3A_6 : vector<10000x128xi1>, vector<10000x128xf32>
    %swap3A = arith.constant 0 : index
    %swap3A_7 = arith.constant 0 : index
    %swap3A_8 = vector.load %arg2[%swap3A, %swap3A_7] : memref<10000x128xf32, #tpu.memory_space<vmem>>, vector<10000x128xf32>
    tpu.vector_store %arg2[%swap3A, %swap3A_7], %select_n3A {strides = array<i32>} : memref<10000x128xf32, #tpu.memory_space<vmem>>, vector<10000x128xf32>,
    return
  }
  func.func @transform_0(%arg0: i32) -> (i32, i32, i32) {
    %c0_i32 = arith.constant 0 : i32
    %c0_i32_0 = arith.constant 0 : i32
    %c0_i32_1 = arith.constant 0 : i32
    return %arg0, %c0_i32, %c0_i32_0 : i32, i32, i32
  }
  func.func @transform_1(%arg0: i32) -> (i32, i32) {
    %c0_i32 = arith.constant 0 : i32
    %c0_i32_0 = arith.constant 0 : i32
    return %arg0, %c0_i32 : i32, i32
  }
}

</mosaic_0001>

<sc_bundles>
// kernel: kernel.4.cloned.1.call-start
scs
__scs_entry_jumppad:
0x0: {  	(pc) =	sbr.rel $0x88, $3  }
0x1: {  	(tag) =	ssettag $0x0;
	lr =	simm.s32 $0x1  }
0x2: {  	[smem:$0x3FA0] =	sst lr;
	_ =	strace $0xD0000000  }
0x3: {  	_ = 	snop  }
0x4: {  	_ = 	snop  }
0x5: {  	_ = 	snop  }
0x6: {  	_ = 	snop  }
0x7: {  	_ = 	snop  }
__scs_overlays_trampoline_lowered:
0x8: {  	[smem:$0x3FAF] =	sst s0  }
0x9: {  	[smem:$0x3FB0] =	sst s1  }
0xa: {  	[smem:$0x3FB1] =	sst s2  }
0xb: {  	[smem:$0x3FB2] =	sst s3  }
0xc: {  	[smem:$0x3FB3] =	sst s4  }
0xd: {  	[smem:$0x3FB4] =	sst s5  }
0xe: {  	[smem:$0x3FB5] =	sst s6  }
0xf: {  	[smem:$0x3FB6] =	sst s7  }
0x10: {  	[smem:$0x3FB7] =	sst s8  }
0x11: {  	[smem:$0x3FB8] =	sst s9;
	s0 =	simm.s32 @!p0 $0x0  }
0x12: {  	s1 =	sld [smem:$0x3F9E];
	s0 =	simm.s32 @p0 $0x1  }
0x13: {  	[smem:$0x3FB9] =	sst s0;
	s0 =	simm.s32 @!p1 $0x0  }
0x14: {  	s2 =	sld [smem:$0x3F9D];
	s0 =	simm.s32 @p1 $0x1  }
0x15: {  	[smem:$0x3FBA] =	sst s0;
	s0 =	simm.s32 @!p2 $0x0  }
0x16: {  	s3 =	sld [smem:$0x3FDB];
	s0 =	simm.s32 @p2 $0x1  }
0x17: {  	s4 =	simm.s32 $0x1BF5;
	[smem:$0x3FBC] =	sst s0  }
0x18: {  	s0 =	sld [smem:$0x3F9F];
	_ =	swait.ge [sflag:s4], $0x0  }
0x19: {  	s7 =	sld [smem:$0x3FA0]  }
0x1a: {  	s8 =	sadd.s32 $0xFFFFE003, lr  }
0x1b: {  	s9 =	sadd.s32 $0xFFFFFEF7, lr;
	s5 =	simm.s32 $0xFFFFFFFF;
	p2 =	slt.u32 s8, $0xFFFFF086  }
0x1c: {  	p1 =	slt.u32 s9, $0xF7A;
	s5 =	simm.s32 @!p2 $0x0  }
0x1d: {  	s5 =	simm.s32 @p1 $0x1;
	p0 =	seq.s32 s7, s2  }
0x1e: {  	s7 =	smul.u32 @!p0 $0xF7A, s2;
	p2 =	seq.s32 @!p0 s5, $0x0  }
0x1f: {  	s9 =	smul.u32 $0xF7A, s1;
	s8 =	simm.s32 @!p0 $0x1BF5;
	p2 =	por !p2, p0  }
0x20: {  	[sflag:s8] =	ssyncset.s32 @!p0 $0xFFFFF086;
	s6 =	sadd.s32 @!p0 s3, s7;
	s7 =	simm.s32 @!p0 $0x108  }
0x21: {  	s3 =	sadd.s32 s3, s9;
	s6 =	sadd.s32 @!p0 $0x88, s6;
	s7 =	simm.s32 @p2 $0x1082  }
0x22: {  	[simem:s7], [sflag:s8] =	dma.local @!p0 [hbm:s6], $0xF7A  }
0x23: {  	s9 =	sor.u32 $0xD0000000, s2;
	s6 =	simm.s32 $0x108;
	_ =	swait.ge @!p0 [sflag:s8], $0x0  }
0x24: {  	s3 =	sadd.s32 $0x88, s3;
	s6 =	simm.s32 @!p1 $0x1082;
	[sflag:s4] =	ssyncset.s32 $0xFFFFF086  }
0x25: {  	[simem:s6], [sflag:s4] =	dma.local [hbm:s3], $0xF7A  }
0x26: {  	[smem:$0x3FA0] =	sst s1;
	(tag) =	ssettag s2;
	_ =	strace s9  }
0x27: {  	s1 =	sld [smem:$0x3FB0]  }
0x28: {  	s2 =	sld [smem:$0x3FB1]  }
0x29: {  	s4 =	sld [smem:$0x3FB3]  }
0x2a: {  	p0 =	seq.s32 s5, $0x0;
	s5 =	sld [smem:$0x3FB4]  }
0x2b: {  	s6 =	sld [smem:$0x3FB5]  }
0x2c: {  	s7 =	sld [smem:$0x3FB6]  }
0x2d: {  	s3 =	simm.s32 $0x108;
	s8 =	sld [smem:$0x3FB7]  }
0x2e: {  	s3 =	simm.s32 @!p0 $0x1082;
	s9 =	sld [smem:$0x3FB8]  }
0x2f: {  	lr =	sadd.s32 s0, s3;
	s0 =	sld [smem:$0x3FAF]  }
0x30: {  	s3 =	sld [smem:$0x3FB2]  }
0x31: {  	[smem:$0x3FBB] =	sst s10  }
0x32: {  	s10 =	sld [smem:$0x3FB9];
	_ =	sdelay $0x3  }
0x33: {  	p0 =	seq.s32 s10, $0x1;
	s10 =	sld [smem:$0x3FBB];
	_ =	sdelay $0x3  }
0x34: {  	[smem:$0x3FBB] =	sst s10  }
0x35: {  	s10 =	sld [smem:$0x3FBA];
	_ =	sdelay $0x3  }
0x36: {  	p1 =	seq.s32 s10, $0x1;
	s10 =	sld [smem:$0x3FBB];
	_ =	sdelay $0x3  }
0x37: {  	[smem:$0x3FBB] =	sst s10  }
0x38: {  	s10 =	sld [smem:$0x3FBC]  }
0x39: {  	_ = 	snop;
	(pc) =	sbr.ind lr, $3  }
0x3a: {  	_ = 	snop  }
0x3b: {  	_ = 	snop  }
0x3c: {  	p2 =	seq.s32 s10, $0x1;
	s10 =	sld [smem:$0x3FBB]  }
0x3d: {  	_ =	shalt  }
0x3e: {  	_ =	shalt  }
0x3f: {  	_ =	shalt  }
0x40: {  	_ =	shalt  }
0x41: {  	_ =	shalt  }
0x42: {  	_ =	shalt  }
0x43: {  	_ =	shalt  }
0x44: {  	_ =	shalt  }
0x45: {  	_ =	shalt  }
0x46: {  	_ =	shalt  }
0x47: {  	_ =	shalt  }
0x48: {  	_ =	shalt  }
0x49: {  	_ =	shalt  }
0x4a: {  	_ =	shalt  }
0x4b: {  	_ =	shalt  }
0x4c: {  	_ =	shalt  }
0x4d: {  	_ =	shalt  }
0x4e: {  	_ =	shalt  }
0x4f: {  	_ =	shalt  }
0x50: {  	_ =	shalt  }
0x51: {  	_ =	shalt  }
0x52: {  	_ =	shalt  }
0x53: {  	_ =	shalt  }
0x54: {  	_ =	shalt  }
0x55: {  	_ =	shalt  }
0x56: {  	_ =	shalt  }
0x57: {  	_ =	shalt  }
0x58: {  	_ =	shalt  }
0x59: {  	_ =	shalt  }
0x5a: {  	_ =	shalt  }
0x5b: {  	_ =	shalt  }
0x5c: {  	_ =	shalt  }
0x5d: {  	_ =	shalt  }
0x5e: {  	_ =	shalt  }
0x5f: {  	_ =	shalt  }
0x60: {  	_ =	shalt  }
0x61: {  	_ =	shalt  }
0x62: {  	_ =	shalt  }
0x63: {  	_ =	shalt  }
0x64: {  	_ =	shalt  }
0x65: {  	_ =	shalt  }
0x66: {  	_ =	shalt  }
0x67: {  	_ =	shalt  }
0x68: {  	_ =	shalt  }
0x69: {  	_ =	shalt  }
0x6a: {  	_ =	shalt  }
0x6b: {  	_ =	shalt  }
0x6c: {  	_ =	shalt  }
0x6d: {  	_ =	shalt  }
0x6e: {  	_ =	shalt  }
0x6f: {  	_ =	shalt  }
0x70: {  	_ =	shalt  }
0x71: {  	_ =	shalt  }
0x72: {  	_ =	shalt  }
0x73: {  	_ =	shalt  }
0x74: {  	_ =	shalt  }
0x75: {  	_ =	shalt  }
0x76: {  	_ =	shalt  }
0x77: {  	_ =	shalt  }
0x78: {  	_ =	shalt  }
0x79: {  	_ =	shalt  }
0x7a: {  	_ =	shalt  }
0x7b: {  	_ =	shalt  }
0x7c: {  	_ =	shalt  }
0x7d: {  	_ =	shalt  }
0x7e: {  	_ =	shalt  }
0x7f: {  	_ =	shalt  }
0x80: {  	_ =	shalt  }
0x81: {  	_ =	shalt  }
0x82: {  	_ =	shalt  }
0x83: {  	_ =	shalt  }
0x84: {  	_ =	shalt  }
0x85: {  	_ =	shalt  }
0x86: {  	_ =	shalt  }
0x87: {  	_ =	shalt  }
.Lfunc_end0:
.L_simem_size_0:
called_computation_lowered:
.L_overlay_start_0:
0x88: {  	s2 =	sld [smem:$0x3FD9]  }
0x89: {  	s3 =	sld [smem:$0x3FFE];
	_ =	sdelay $0x1  }
0x8a: {  	s1 =	srdreg.scid  }
0x8b: {  	s0 =	sand.u32 $0x1, s1  }
0x8c: {  	s14 =	sshll.u32 s0, $0xA;
	s2 =	sadd.s32 s3, s2  }
0x8d: {  	s2 =	sadd.s32 s2, s14  }
0x8e: {  	[smem:$0x3FC7] =	sst s2  }
0x8f: {  	_ = 	snop  }
0x90: {  	s2 =	sld [smem:$0x3FD0];
	_ =	sdelay $0x2  }
0x91: {  	s15 =	simm.s32 $0xA;
	s4 =	simm.s32 $0x10  }
0x92: {  	[smem:s4], [sflag:s15] =	dma.local [hbm:s2], $0x1  }
0x93: {  	_ =	swait.eq [sflag:s15], $0x1  }
0x94: {  	[sflag:s15] =	ssyncset.done $0x0  }
0x95: {  	[sflag:s15] =	ssyncadd.s32 $0xFFFFFFFF  }
0x96: {  	s16 =	sld [smem:$0x11];
	(tm) =	ssettm $0x1  }
0x97: {  	s17 =	sld [smem:$0x3FFB];
	_ =	sdelay $0x3  }
0x98: {  	_ =	strace s17  }
0x99: {  	s3 =	sld [smem:$0x3FFC];
	_ =	sdelay $0x3  }
0x9a: {  	_ =	strace s3  }
0x9b: {  	s3 =	sld [smem:$0x3FFD];
	_ =	sdelay $0x3  }
0x9c: {  	_ =	strace s3  }
0x9d: {  	_ =	strace $0x8FFFFFFF  }
0x9e: {  	s18 =	sld [smem:$0x3FDB];
	_ =	sdelay $0x1  }
0x9f: {  	s19 =	simm.s32 $_scs_section_size  }
0xa0: {  	s5 =	simm.s32 $_size__tile_overlayer_lowered;
	s6 =	simm.s32 $_tile_overlayer_lowered  }
0xa1: {  	s22 =	simm.s32 $0x1BFF;
	s21 =	sshll.u32 s6, $0x1;
	s3 =	sadd.s32 s19, s18  }
0xa2: {  	s7 =	simm.s32 $0x0;
	s20 =	sshll.u32 s5, $0x1;
	s5 =	sadd.s32 s21, s3  }
0xa3: {  	[timem:s7], [sflag:s22] =	dma.local [hbm:s5], s20  }
0xa4: {  	_ =	swait.ge [sflag:s22], s20  }
0xa5: {  	s4 =	ssub.s32 $0x0, s20;
	[sflag:s22] =	ssyncset.done $0x0  }
0xa6: {  	[sflag:s22] =	ssyncadd.s32 s4;
	_ =	sdelay $0x1  }
0xa7: {  	s23 =	simm.s32 $0x1B8B  }
0xa8: {  	_ =	swait.ge [sflag:s23], $0x1  }
0xa9: {  	[sflag:s23] =	ssyncset.done $0x0  }
0xaa: {  	s25 =	simm.s32 $0x1B8E;
	s24 =	sld [smem:$0x3FFE];
	[sflag:s23] =	ssyncadd.s32 $0xFFFFFFFF  }
0xab: {  	s26 =	simm.s32 $execute0_lowered;
	[smem:$0x3FD2] =	sst s25  }
0xac: {  	s5 =	sshll.u32 s26, $0x1;
	_ =	strace $0x80000046;
	[dreg:$0x1] =	wrdreg $0xFFFFFFFF  }
0xad: {  	s28 =	simm.s32 $_size_execute0_lowered;
	s3 =	sadd.s32 s3, s5;
	[dreg:$0x0] =	wrdreg $0x0  }
0xae: {  	s5 =	sshll.u32 s28, $0x1;
	[dreg:$0x2] =	wrdreg s3  }
0xaf: {  	[dreg:$0x3] =	wrdreg s5  }
0xb0: {  	[dreg:$0x4] =	wrdreg $0xC0  }
0xb1: {  	_ =	task [dreg:s7], $0x5FFFF  }
0xb2: {  	[dreg:$0x1] =	wrdreg $0xFFFFFFFF  }
0xb3: {  	[dreg:$0x0] =	wrdreg $0x60  }
0xb4: {  	[dreg:$0x2] =	wrdreg s24  }
0xb5: {  	[dreg:$0x3] =	wrdreg s16  }
0xb6: {  	[dreg:$0x4] =	wrdreg $0x9  }
0xb7: {  	_ =	task.clear_ibuf [dreg:s7], $0x5FFFF;
	_ =	strace $0x90000046  }
0xb8: {  	s29 =	simm.s32 $0x9;
	_ =	strace $0x80000048  }
0xb9: {  	_ =	swait.ge [sflag:s29], $0x1  }
0xba: {  	[sflag:s29] =	ssyncadd.s32 $0xFFFFFFFF  }
0xbb: {  	_ =	strace $0x90000048  }
0xbc: {  	_ =	sfence  }
0xbd: {  	s30 =	sld [smem:$0x0];
	_ =	sdelay $0x2  }
0xbe: {  	s31 =	sshll.u32 s1, $0xD;
	s1 =	sshrl.u32 s1, $0x2  }
0xbf: {  	s3 =	sand.u32 $0x4000, s31;
	s1 =	sadd.s32 s1, s30  }
0xc0: {  	s0 =	sor.u32 s3, s0;
	s1 =	sshll.u32 s1, $0x11  }
0xc1: {  	s0 =	sor.u32 s1, s0  }
0xc2: {  	s0 =	sadd.s32 $0x8F2B, s0  }
0xc3: {  	[sflag:s0] =	ssyncadd.remote.s32 $0x1  }
0xc4: {  	_ =	sfence.sel $0xFFFF  }
0xc5: {  	[dreg:$0x0] =	wrdreg $0xFFFFFFFF;
	(pc) =	sbr.abs _section_cstart, $3  }
0xc6: {  	[dreg:$0x1] =	wrdreg $0xFFFFFFFF  }
0xc7: {  	_ =	task.clear_ibuf [dreg:s7], $0x2FFFF;
	_ =	strace $0x9FFFFFFF  }
0xc8: {  	(tm) =	ssettm $0x7FFFFFFF  }
0xc9: {  	_ =	shalt  }
tec
execute0_lowered:
.L_overlay_start_1:
0x0: {  	(tag) =	ssettag $0x1  }
0x1: {  	s16 =	stileid.u32  }
0x2: {  	s0 =	srdreg.scid;
	s21 =	smul.u32 $0x28, s16  }
0x3: {  	s0 =	sand.u32 $0x1, s0;
	s23 =	smul.u32 $0x1400, s16  }
0x4: {  	s1 =	sshll.u32 s16, $0x1;
	s24 =	smul.u32 $0xA00, s0  }
0x5: {  	s1 =	sor.u32 s0, s1;
	s11 =	ssub.s32 $0x2, s0;
	s0 =	smul.u32 $0x14, s0  }
0x6: {  	s3 =	smul.u32 $0x14, s1  }
0x7: {  	s5 =	rddreg [dreg:$0x0];
	s4 =	smul.u32 $0xA00, s1;
	s2 =	sor.u32 $0x20, s1  }
0x8: {  	s12 =	rddreg [dreg:$0x1];
	s6 =	smul.u32 $0x14, s2  }
0x9: {  	s28 =	simm.s32 $0x1;
	s8 =	sor.u32 $0x40, s1;
	s7 =	smul.u32 $0xA00, s2  }
0xa: {  	s29 =	simm.s32 $0x2;
	s30 =	simm.s32 $0x3;
	s9 =	smul.u32 $0x14, s8  }
0xb: {  	s31 =	simm.s32 $0x4;
	s10 =	sor.u32 $0x60, s1;
	s8 =	smul.u32 $0xA00, s8  }
0xc: {  	s5 =	sadd.s32 $0x200, s5;
	s14 =	sshrl.u32 s11, $0x1;
	s13 =	smul.u32 $0x14, s10  }
0xd: {  	s15 =	sor.u32 $0x80, s1;
	s25 =	sadd.s32 s21, s5;
	s10 =	smul.u32 $0xA00, s10  }
0xe: {  	s21 =	simm.s32 $0x200;
	p0 =	sgt.u32 s1, $0x10;
	s26 =	smul.u32 $0x14, s15  }
0xf: {  	s2 =	simm.s32 $0x0;
	s14 =	ssub.s32 s11, s14;
	s18 =	smul.u32 $0xA00, s15  }
0x10: {  	s15 =	sadd.s32 s23, s12;
	[smem:$0x7FF] =	sst s2;
	s3 =	sadd.s32 s5, s3  }
0x11: {  	s17 =	sadd.s32 s12, s4;
	_ =	strace $0x80000047;
	[dreg:$0x3] =	wrdreg s3  }
0x12: {  	s23 =	simm.s32 $0x300;
	[dreg:$0x4] =	wrdreg s17;
	s19 =	sadd.s32 s5, s6  }
0x13: {  	s20 =	sadd.s32 s12, s7;
	s22 =	sadd.s32 s5, s9;
	s8 =	sadd.s32 s12, s8  }
0x14: {  	s9 =	sadd.s32 s5, s13;
	s10 =	sadd.s32 s12, s10;
	s11 =	sadd.s32 s5, s26  }
0x15: {  	v0 =	vlaneseq.u32;
	s12 =	sadd.s32 s12, s18;
	s26 =	sadd.s32 s24, s15;
	s13 =	smax.u32 s14, $0x1  }
0x16: {  	v0 =	vmul.u32 $0x80, v0;
	s14 =	sadd.s32 s0, s25;
	s3 =	sor.u32 $0x120, s1;
	s17 =	simm.s32 $0x6  }
0x17: {  	v1 =	vimm.f32 $0.0e+00;
	v2 =	vimm.f32 $1.000000000e+00;
	s18 =	simm.s32 $0x500;
	s24 =	simm.s32 $0xF500;
	[dreg:$0x5] =	wrdreg s19  }
0x18: {  	v3 =	vor.u32 $0x800, v0;
	v4 =	vor.u32 $0x1000, v0;
	v5 =	vor.u32 $0x1800, v0;
	s1 =	simm.s32 $0x5;
	s0 =	simm.s32 $0x0;
	[dreg:$0x6] =	wrdreg s20  }
0x19: {  	v6 =	vor.u32 $0x2000, v0;
	v7 =	vor.u32 $0x2800, v0;
	v8 =	vor.u32 $0x3000, v0;
	[dreg:$0x7] =	wrdreg s22;
	s4 =	sadd.s32 $0xB4000, s26;
	s19 =	simm.s32 $0x100  }
0x1a: {  	v9 =	vor.u32 $0x3800, v0;
	v10 =	vor.u32 $0x4000, v0;
	v11 =	vor.u32 $0x4800, v0;
	s20 =	simm.s32 $0x5500;
	s22 =	simm.s32 $0xA500;
	s26 =	simm.s32 $0x14500  }
.LBB2_1:
0x1b: {  	s5 =	simm.s32 $0x0;
	s15 =	simm.s32 $0x200  }
.LBB2_2:
0x1c: {  	p1 =	sne.s32 s15, $0x13E00;
	[tilespmem:s5+$0x570] =	vst v1  }
0x1d: {  	[tilespmem:s5+$0x500] =	vst v1  }
0x1e: {  	[tilespmem:s5+$0x510] =	vst v1  }
.Ltmp0:
0x1f: {  	[tilespmem:s5+$0x520] =	vst v1;
	(pc) =	sbr.rel @p1 .LBB2_2-.Ltmp0, $4  }
0x20: {  	[tilespmem:s5+$0x530] =	vst v1  }
0x21: {  	[tilespmem:s5+$0x540] =	vst v1  }
0x22: {  	[tilespmem:s5+$0x550] =	vst v1  }
0x23: {  	[tilespmem:s5+$0x560] =	vst v1;
	s5 =	sshra.s32 s15, $0x2;
	s15 =	sadd.s32 $0x200, s15  }
0x24: {  	[tilespmem:s5+$0x570] =	vst v1  }
0x25: {  	[tilespmem:s5+$0x500] =	vst v1  }
0x26: {  	[tilespmem:s5+$0x510] =	vst v1  }
0x27: {  	[tilespmem:s5+$0x520] =	vst v1  }
0x28: {  	[tilespmem:s5+$0x530] =	vst v1  }
0x29: {  	[tilespmem:s5+$0x540] =	vst v1  }
0x2a: {  	[tilespmem:s5+$0x550] =	vst v1  }
0x2b: {  	[tilespmem:s5+$0x560] =	vst v1;
	s16 =	simm.s32 $0x0;
	s6 =	rddreg [dreg:$0x3]  }
0x2c: {  	[tilespmem:s16], [sflag:$0x6] =	stream.linear.gather [hbm4b:s6+s16], $0xA0, $0x38;
	[tilespmem:$0x19500] =	vst v63  }
0x2d: {  	_ =	swait.ge [sflag:s17], $0xA0  }
0x2e: {  	[sflag:s17] =	ssyncset.done $0x0  }
0x2f: {  	[sflag:s17] =	ssyncadd.s32 $0xFFFFFF60  }
0x30: {  	v12 =	vld [tilespmem:$0x0];
	_ =	sdelay $0x4  }
0x31: {  	v12 =	vadd.s32 v0, v12;
	_ =	sdelay $0x4  }
0x32: {  	[tilespmem:v12+s18+$0x0] =	vst.idx.msk $0xffff, v2  }
0x33: {  	v12 =	vld [tilespmem:$0x10];
	_ =	sdelay $0x4  }
0x34: {  	v12 =	vadd.s32 v3, v12;
	_ =	sdelay $0x4  }
0x35: {  	[tilespmem:v12+s18+$0x0] =	vst.idx.msk $0xffff, v2  }
0x36: {  	v12 =	vld [tilespmem:$0x20];
	_ =	sdelay $0x4  }
0x37: {  	v12 =	vadd.s32 v4, v12;
	_ =	sdelay $0x4  }
0x38: {  	[tilespmem:v12+s18+$0x0] =	vst.idx.msk $0xffff, v2  }
0x39: {  	v12 =	vld [tilespmem:$0x30];
	_ =	sdelay $0x4  }
0x3a: {  	v12 =	vadd.s32 v5, v12;
	_ =	sdelay $0x4  }
0x3b: {  	[tilespmem:v12+s18+$0x0] =	vst.idx.msk $0xffff, v2  }
0x3c: {  	v12 =	vld [tilespmem:$0x40];
	_ =	sdelay $0x4  }
0x3d: {  	v12 =	vadd.s32 v6, v12;
	_ =	sdelay $0x4  }
0x3e: {  	[tilespmem:v12+s18+$0x0] =	vst.idx.msk $0xffff, v2  }
0x3f: {  	v12 =	vld [tilespmem:$0x50];
	_ =	sdelay $0x4  }
0x40: {  	v12 =	vadd.s32 v7, v12;
	_ =	sdelay $0x4  }
0x41: {  	[tilespmem:v12+s18+$0x0] =	vst.idx.msk $0xffff, v2  }
0x42: {  	v12 =	vld [tilespmem:$0x60];
	_ =	sdelay $0x4  }
0x43: {  	v12 =	vadd.s32 v8, v12;
	_ =	sdelay $0x4  }
0x44: {  	[tilespmem:v12+s18+$0x0] =	vst.idx.msk $0xffff, v2  }
0x45: {  	v12 =	vld [tilespmem:$0x70];
	_ =	sdelay $0x4  }
0x46: {  	v12 =	vadd.s32 v9, v12;
	_ =	sdelay $0x4  }
0x47: {  	[tilespmem:v12+s18+$0x0] =	vst.idx.msk $0xffff, v2  }
0x48: {  	v12 =	vld [tilespmem:$0x80];
	_ =	sdelay $0x4  }
0x49: {  	v12 =	vadd.s32 v10, v12;
	_ =	sdelay $0x4  }
0x4a: {  	[tilespmem:v12+s18+$0x0] =	vst.idx.msk $0xffff, v2  }
0x4b: {  	v12 =	vld [tilespmem:$0x90];
	_ =	sdelay $0x4  }
0x4c: {  	v12 =	vadd.s32 v11, v12;
	_ =	sdelay $0x4  }
0x4d: {  	s5 =	simm.s32 $0x0;
	s15 =	simm.s32 $0x200;
	s25 =	rddreg [dreg:$0x4];
	[tilespmem:v12+s18+$0x0] =	vst.idx.msk $0xffff, v2  }
0x4e: {  	[hbm4b:s25+s16] =	stream.linear.scatter [tilespmem:s18], [sflag:$0x1], $0x5000, $0x38;
	[tilespmem:$0x19500] =	vst v63  }
.LBB2_4:
0x4f: {  	p1 =	sne.s32 s15, $0x13E00;
	[tilespmem:s5+$0x5570] =	vst v1  }
0x50: {  	[tilespmem:s5+$0x5500] =	vst v1  }
0x51: {  	[tilespmem:s5+$0x5510] =	vst v1  }
.Ltmp1:
0x52: {  	[tilespmem:s5+$0x5520] =	vst v1;
	(pc) =	sbr.rel @p1 .LBB2_4-.Ltmp1, $4  }
0x53: {  	[tilespmem:s5+$0x5530] =	vst v1  }
0x54: {  	[tilespmem:s5+$0x5540] =	vst v1  }
0x55: {  	[tilespmem:s5+$0x5550] =	vst v1  }
0x56: {  	[tilespmem:s5+$0x5560] =	vst v1;
	s5 =	sshra.s32 s15, $0x2;
	s15 =	sadd.s32 $0x200, s15  }
0x57: {  	[tilespmem:s5+$0x5570] =	vst v1  }
0x58: {  	[tilespmem:s5+$0x5500] =	vst v1  }
0x59: {  	[tilespmem:s5+$0x5510] =	vst v1  }
0x5a: {  	[tilespmem:s5+$0x5520] =	vst v1  }
0x5b: {  	[tilespmem:s5+$0x5530] =	vst v1  }
0x5c: {  	[tilespmem:s5+$0x5540] =	vst v1  }
0x5d: {  	[tilespmem:s5+$0x5550] =	vst v1  }
0x5e: {  	[tilespmem:s5+$0x5560] =	vst v1;
	s16 =	simm.s32 $0x0;
	s6 =	rddreg [dreg:$0x5]  }
0x5f: {  	[tilespmem:s19], [sflag:$0x6] =	stream.linear.gather [hbm4b:s6+s16], $0xA0, $0x38;
	[tilespmem:$0x19500] =	vst v63  }
0x60: {  	_ =	swait.ge [sflag:s17], $0xA0  }
0x61: {  	[sflag:s17] =	ssyncset.done $0x0  }
0x62: {  	[sflag:s17] =	ssyncadd.s32 $0xFFFFFF60  }
0x63: {  	v12 =	vld [tilespmem:$0x100];
	_ =	sdelay $0x4  }
0x64: {  	v12 =	vadd.s32 v0, v12;
	_ =	sdelay $0x4  }
0x65: {  	[tilespmem:v12+s20+$0x0] =	vst.idx.msk $0xffff, v2  }
0x66: {  	v12 =	vld [tilespmem:$0x110];
	_ =	sdelay $0x4  }
0x67: {  	v12 =	vadd.s32 v3, v12;
	_ =	sdelay $0x4  }
0x68: {  	[tilespmem:v12+s20+$0x0] =	vst.idx.msk $0xffff, v2  }
0x69: {  	v12 =	vld [tilespmem:$0x120];
	_ =	sdelay $0x4  }
0x6a: {  	v12 =	vadd.s32 v4, v12;
	_ =	sdelay $0x4  }
0x6b: {  	[tilespmem:v12+s20+$0x0] =	vst.idx.msk $0xffff, v2  }
0x6c: {  	v12 =	vld [tilespmem:$0x130];
	_ =	sdelay $0x4  }
0x6d: {  	v12 =	vadd.s32 v5, v12;
	_ =	sdelay $0x4  }
0x6e: {  	[tilespmem:v12+s20+$0x0] =	vst.idx.msk $0xffff, v2  }
0x6f: {  	v12 =	vld [tilespmem:$0x140];
	_ =	sdelay $0x4  }
0x70: {  	v12 =	vadd.s32 v6, v12;
	_ =	sdelay $0x4  }
0x71: {  	[tilespmem:v12+s20+$0x0] =	vst.idx.msk $0xffff, v2  }
0x72: {  	v12 =	vld [tilespmem:$0x150];
	_ =	sdelay $0x4  }
0x73: {  	v12 =	vadd.s32 v7, v12;
	_ =	sdelay $0x4  }
0x74: {  	[tilespmem:v12+s20+$0x0] =	vst.idx.msk $0xffff, v2  }
0x75: {  	v12 =	vld [tilespmem:$0x160];
	_ =	sdelay $0x4  }
0x76: {  	v12 =	vadd.s32 v8, v12;
	_ =	sdelay $0x4  }
0x77: {  	[tilespmem:v12+s20+$0x0] =	vst.idx.msk $0xffff, v2  }
0x78: {  	v12 =	vld [tilespmem:$0x170];
	_ =	sdelay $0x4  }
0x79: {  	v12 =	vadd.s32 v9, v12;
	_ =	sdelay $0x4  }
0x7a: {  	[tilespmem:v12+s20+$0x0] =	vst.idx.msk $0xffff, v2  }
0x7b: {  	v12 =	vld [tilespmem:$0x180];
	_ =	sdelay $0x4  }
0x7c: {  	v12 =	vadd.s32 v10, v12;
	_ =	sdelay $0x4  }
0x7d: {  	[tilespmem:v12+s20+$0x0] =	vst.idx.msk $0xffff, v2  }
0x7e: {  	v12 =	vld [tilespmem:$0x190];
	_ =	sdelay $0x4  }
0x7f: {  	v12 =	vadd.s32 v11, v12;
	_ =	sdelay $0x4  }
0x80: {  	s5 =	simm.s32 $0x0;
	s15 =	simm.s32 $0x200;
	s25 =	rddreg [dreg:$0x6];
	[tilespmem:v12+s20+$0x0] =	vst.idx.msk $0xffff, v2  }
0x81: {  	[hbm4b:s25+s16] =	stream.linear.scatter [tilespmem:s20], [sflag:$0x2], $0x5000, $0x38;
	[tilespmem:$0x19500] =	vst v63  }
.LBB2_6:
0x82: {  	p1 =	sne.s32 s15, $0x13E00;
	[tilespmem:s5+$0xA570] =	vst v1  }
0x83: {  	[tilespmem:s5+$0xA500] =	vst v1  }
0x84: {  	[tilespmem:s5+$0xA510] =	vst v1  }
.Ltmp2:
0x85: {  	[tilespmem:s5+$0xA520] =	vst v1;
	(pc) =	sbr.rel @p1 .LBB2_6-.Ltmp2, $4  }
0x86: {  	[tilespmem:s5+$0xA530] =	vst v1  }
0x87: {  	[tilespmem:s5+$0xA540] =	vst v1  }
0x88: {  	[tilespmem:s5+$0xA550] =	vst v1  }
0x89: {  	[tilespmem:s5+$0xA560] =	vst v1;
	s5 =	sshra.s32 s15, $0x2;
	s15 =	sadd.s32 $0x200, s15  }
0x8a: {  	[tilespmem:s5+$0xA570] =	vst v1  }
0x8b: {  	[tilespmem:s5+$0xA500] =	vst v1  }
0x8c: {  	[tilespmem:s5+$0xA510] =	vst v1  }
0x8d: {  	[tilespmem:s5+$0xA520] =	vst v1  }
0x8e: {  	[tilespmem:s5+$0xA530] =	vst v1  }
0x8f: {  	[tilespmem:s5+$0xA540] =	vst v1  }
0x90: {  	[tilespmem:s5+$0xA550] =	vst v1  }
0x91: {  	[tilespmem:s5+$0xA560] =	vst v1;
	s25 =	simm.s32 $0x0;
	s6 =	rddreg [dreg:$0x7]  }
0x92: {  	[tilespmem:s21], [sflag:$0x6] =	stream.linear.gather [hbm4b:s6+s25], $0xA0, $0x38;
	[tilespmem:$0x19500] =	vst v63  }
0x93: {  	_ =	swait.ge [sflag:s17], $0xA0  }
0x94: {  	[sflag:s17] =	ssyncset.done $0x0  }
0x95: {  	[sflag:s17] =	ssyncadd.s32 $0xFFFFFF60  }
0x96: {  	v12 =	vld [tilespmem:$0x200];
	_ =	sdelay $0x4  }
0x97: {  	v12 =	vadd.s32 v0, v12;
	_ =	sdelay $0x4  }
0x98: {  	[tilespmem:v12+s22+$0x0] =	vst.idx.msk $0xffff, v2  }
0x99: {  	v12 =	vld [tilespmem:$0x210];
	_ =	sdelay $0x4  }
0x9a: {  	v12 =	vadd.s32 v3, v12;
	_ =	sdelay $0x4  }
0x9b: {  	[tilespmem:v12+s22+$0x0] =	vst.idx.msk $0xffff, v2  }
0x9c: {  	v12 =	vld [tilespmem:$0x220];
	_ =	sdelay $0x4  }
0x9d: {  	v12 =	vadd.s32 v4, v12;
	_ =	sdelay $0x4  }
0x9e: {  	[tilespmem:v12+s22+$0x0] =	vst.idx.msk $0xffff, v2  }
0x9f: {  	v12 =	vld [tilespmem:$0x230];
	_ =	sdelay $0x4  }
0xa0: {  	v12 =	vadd.s32 v5, v12;
	_ =	sdelay $0x4  }
0xa1: {  	[tilespmem:v12+s22+$0x0] =	vst.idx.msk $0xffff, v2  }
0xa2: {  	v12 =	vld [tilespmem:$0x240];
	_ =	sdelay $0x4  }
0xa3: {  	v12 =	vadd.s32 v6, v12;
	_ =	sdelay $0x4  }
0xa4: {  	[tilespmem:v12+s22+$0x0] =	vst.idx.msk $0xffff, v2  }
0xa5: {  	v12 =	vld [tilespmem:$0x250];
	_ =	sdelay $0x4  }
0xa6: {  	v12 =	vadd.s32 v7, v12;
	_ =	sdelay $0x4  }
0xa7: {  	[tilespmem:v12+s22+$0x0] =	vst.idx.msk $0xffff, v2  }
0xa8: {  	v12 =	vld [tilespmem:$0x260];
	_ =	sdelay $0x4  }
0xa9: {  	v12 =	vadd.s32 v8, v12;
	_ =	sdelay $0x4  }
0xaa: {  	[tilespmem:v12+s22+$0x0] =	vst.idx.msk $0xffff, v2  }
0xab: {  	v12 =	vld [tilespmem:$0x270];
	_ =	sdelay $0x4  }
0xac: {  	v12 =	vadd.s32 v9, v12;
	_ =	sdelay $0x4  }
0xad: {  	[tilespmem:v12+s22+$0x0] =	vst.idx.msk $0xffff, v2  }
0xae: {  	v12 =	vld [tilespmem:$0x280];
	_ =	sdelay $0x4  }
0xaf: {  	v12 =	vadd.s32 v10, v12;
	_ =	sdelay $0x4  }
0xb0: {  	[tilespmem:v12+s22+$0x0] =	vst.idx.msk $0xffff, v2  }
0xb1: {  	v12 =	vld [tilespmem:$0x290];
	_ =	sdelay $0x4  }
0xb2: {  	v12 =	vadd.s32 v11, v12;
	_ =	sdelay $0x4  }
0xb3: {  	s5 =	simm.s32 $0x0;
	s15 =	simm.s32 $0x200;
	[tilespmem:v12+s22+$0x0] =	vst.idx.msk $0xffff, v2  }
0xb4: {  	[hbm4b:s8+s25] =	stream.linear.scatter [tilespmem:s22], [sflag:$0x3], $0x5000, $0x38;
	[tilespmem:$0x19500] =	vst v63  }
.LBB2_8:
0xb5: {  	p1 =	sne.s32 s15, $0x13E00;
	[tilespmem:s5+$0xF570] =	vst v1  }
0xb6: {  	[tilespmem:s5+$0xF500] =	vst v1  }
0xb7: {  	[tilespmem:s5+$0xF510] =	vst v1  }
.Ltmp3:
0xb8: {  	[tilespmem:s5+$0xF520] =	vst v1;
	(pc) =	sbr.rel @p1 .LBB2_8-.Ltmp3, $4  }
0xb9: {  	[tilespmem:s5+$0xF530] =	vst v1  }
0xba: {  	[tilespmem:s5+$0xF540] =	vst v1  }
0xbb: {  	[tilespmem:s5+$0xF550] =	vst v1  }
0xbc: {  	[tilespmem:s5+$0xF560] =	vst v1;
	s5 =	sshra.s32 s15, $0x2;
	s15 =	sadd.s32 $0x200, s15  }
0xbd: {  	[tilespmem:s5+$0xF570] =	vst v1  }
0xbe: {  	[tilespmem:s5+$0xF500] =	vst v1  }
0xbf: {  	[tilespmem:s5+$0xF510] =	vst v1  }
0xc0: {  	[tilespmem:s5+$0xF520] =	vst v1  }
0xc1: {  	[tilespmem:s5+$0xF530] =	vst v1  }
0xc2: {  	[tilespmem:s5+$0xF540] =	vst v1  }
0xc3: {  	[tilespmem:s5+$0xF550] =	vst v1  }
0xc4: {  	[tilespmem:s5+$0xF560] =	vst v1;
	s25 =	simm.s32 $0x0  }
0xc5: {  	[tilespmem:s23], [sflag:$0x6] =	stream.linear.gather [hbm4b:s9+s25], $0xA0, $0x38;
	[tilespmem:$0x19500] =	vst v63  }
0xc6: {  	_ =	swait.ge [sflag:s17], $0xA0  }
0xc7: {  	[sflag:s17] =	ssyncset.done $0x0  }
0xc8: {  	[sflag:s17] =	ssyncadd.s32 $0xFFFFFF60  }
0xc9: {  	v12 =	vld [tilespmem:$0x300];
	_ =	sdelay $0x4  }
0xca: {  	v12 =	vadd.s32 v0, v12;
	_ =	sdelay $0x4  }
0xcb: {  	[tilespmem:v12+s24+$0x0] =	vst.idx.msk $0xffff, v2  }
0xcc: {  	v12 =	vld [tilespmem:$0x310];
	_ =	sdelay $0x4  }
0xcd: {  	v12 =	vadd.s32 v3, v12;
	_ =	sdelay $0x4  }
0xce: {  	[tilespmem:v12+s24+$0x0] =	vst.idx.msk $0xffff, v2  }
0xcf: {  	v12 =	vld [tilespmem:$0x320];
	_ =	sdelay $0x4  }
0xd0: {  	v12 =	vadd.s32 v4, v12;
	_ =	sdelay $0x4  }
0xd1: {  	[tilespmem:v12+s24+$0x0] =	vst.idx.msk $0xffff, v2  }
0xd2: {  	v12 =	vld [tilespmem:$0x330];
	_ =	sdelay $0x4  }
0xd3: {  	v12 =	vadd.s32 v5, v12;
	_ =	sdelay $0x4  }
0xd4: {  	[tilespmem:v12+s24+$0x0] =	vst.idx.msk $0xffff, v2  }
0xd5: {  	v12 =	vld [tilespmem:$0x340];
	_ =	sdelay $0x4  }
0xd6: {  	v12 =	vadd.s32 v6, v12;
	_ =	sdelay $0x4  }
0xd7: {  	[tilespmem:v12+s24+$0x0] =	vst.idx.msk $0xffff, v2  }
0xd8: {  	v12 =	vld [tilespmem:$0x350];
	_ =	sdelay $0x4  }
0xd9: {  	v12 =	vadd.s32 v7, v12;
	_ =	sdelay $0x4  }
0xda: {  	[tilespmem:v12+s24+$0x0] =	vst.idx.msk $0xffff, v2  }
0xdb: {  	v12 =	vld [tilespmem:$0x360];
	_ =	sdelay $0x4  }
0xdc: {  	v12 =	vadd.s32 v8, v12;
	_ =	sdelay $0x4  }
0xdd: {  	[tilespmem:v12+s24+$0x0] =	vst.idx.msk $0xffff, v2  }
0xde: {  	v12 =	vld [tilespmem:$0x370];
	_ =	sdelay $0x4  }
0xdf: {  	v12 =	vadd.s32 v9, v12;
	_ =	sdelay $0x4  }
0xe0: {  	[tilespmem:v12+s24+$0x0] =	vst.idx.msk $0xffff, v2  }
0xe1: {  	v12 =	vld [tilespmem:$0x380];
	_ =	sdelay $0x4  }
0xe2: {  	v12 =	vadd.s32 v10, v12;
	_ =	sdelay $0x4  }
0xe3: {  	[tilespmem:v12+s24+$0x0] =	vst.idx.msk $0xffff, v2  }
0xe4: {  	v12 =	vld [tilespmem:$0x390];
	_ =	sdelay $0x4  }
0xe5: {  	v12 =	vadd.s32 v11, v12;
	_ =	sdelay $0x4  }
0xe6: {  	s5 =	simm.s32 $0x0;
	s15 =	simm.s32 $0x200;
	[tilespmem:v12+s24+$0x0] =	vst.idx.msk $0xffff, v2  }
0xe7: {  	[hbm4b:s10+s25] =	stream.linear.scatter [tilespmem:s24], [sflag:$0x4], $0x5000, $0x38;
	[tilespmem:$0x19500] =	vst v63  }
.LBB2_10:
0xe8: {  	p1 =	sne.s32 s15, $0x13E00;
	[tilespmem:s5+$0x14570] =	vst v1  }
0xe9: {  	[tilespmem:s5+$0x14500] =	vst v1  }
0xea: {  	[tilespmem:s5+$0x14510] =	vst v1  }
.Ltmp4:
0xeb: {  	[tilespmem:s5+$0x14520] =	vst v1;
	(pc) =	sbr.rel @p1 .LBB2_10-.Ltmp4, $4  }
0xec: {  	[tilespmem:s5+$0x14530] =	vst v1  }
0xed: {  	[tilespmem:s5+$0x14540] =	vst v1  }
0xee: {  	[tilespmem:s5+$0x14550] =	vst v1  }
0xef: {  	[tilespmem:s5+$0x14560] =	vst v1;
	s5 =	sshra.s32 s15, $0x2;
	s15 =	sadd.s32 $0x200, s15  }
0xf0: {  	[tilespmem:s5+$0x14570] =	vst v1  }
0xf1: {  	[tilespmem:s5+$0x14500] =	vst v1  }
0xf2: {  	[tilespmem:s5+$0x14510] =	vst v1  }
0xf3: {  	[tilespmem:s5+$0x14520] =	vst v1  }
0xf4: {  	[tilespmem:s5+$0x14530] =	vst v1  }
0xf5: {  	[tilespmem:s5+$0x14540] =	vst v1  }
0xf6: {  	[tilespmem:s5+$0x14550] =	vst v1  }
0xf7: {  	[tilespmem:s5+$0x14560] =	vst v1;
	s25 =	simm.s32 $0x0;
	s16 =	simm.s32 $0x400  }
0xf8: {  	[tilespmem:s16], [sflag:$0x6] =	stream.linear.gather [hbm4b:s11+s25], $0xA0, $0x38;
	[tilespmem:$0x19500] =	vst v63  }
0xf9: {  	_ =	swait.ge [sflag:s17], $0xA0  }
0xfa: {  	[sflag:s17] =	ssyncset.done $0x0  }
0xfb: {  	[sflag:s17] =	ssyncadd.s32 $0xFFFFFF60  }
0xfc: {  	v12 =	vld [tilespmem:$0x400];
	_ =	sdelay $0x4  }
0xfd: {  	v12 =	vadd.s32 v0, v12;
	_ =	sdelay $0x4  }
0xfe: {  	[tilespmem:v12+s26+$0x0] =	vst.idx.msk $0xffff, v2  }
0xff: {  	v12 =	vld [tilespmem:$0x410];
	_ =	sdelay $0x4  }
0x100: {  	v12 =	vadd.s32 v3, v12;
	_ =	sdelay $0x4  }
0x101: {  	[tilespmem:v12+s26+$0x0] =	vst.idx.msk $0xffff, v2  }
0x102: {  	v12 =	vld [tilespmem:$0x420];
	_ =	sdelay $0x4  }
0x103: {  	v12 =	vadd.s32 v4, v12;
	_ =	sdelay $0x4  }
0x104: {  	[tilespmem:v12+s26+$0x0] =	vst.idx.msk $0xffff, v2  }
0x105: {  	v12 =	vld [tilespmem:$0x430];
	_ =	sdelay $0x4  }
0x106: {  	v12 =	vadd.s32 v5, v12;
	_ =	sdelay $0x4  }
0x107: {  	[tilespmem:v12+s26+$0x0] =	vst.idx.msk $0xffff, v2  }
0x108: {  	v12 =	vld [tilespmem:$0x440];
	_ =	sdelay $0x4  }
0x109: {  	v12 =	vadd.s32 v6, v12;
	_ =	sdelay $0x4  }
0x10a: {  	[tilespmem:v12+s26+$0x0] =	vst.idx.msk $0xffff, v2  }
0x10b: {  	v12 =	vld [tilespmem:$0x450];
	_ =	sdelay $0x4  }
0x10c: {  	v12 =	vadd.s32 v7, v12;
	_ =	sdelay $0x4  }
0x10d: {  	[tilespmem:v12+s26+$0x0] =	vst.idx.msk $0xffff, v2  }
0x10e: {  	v12 =	vld [tilespmem:$0x460];
	_ =	sdelay $0x4  }
0x10f: {  	v12 =	vadd.s32 v8, v12;
	_ =	sdelay $0x4  }
0x110: {  	[tilespmem:v12+s26+$0x0] =	vst.idx.msk $0xffff, v2  }
0x111: {  	v12 =	vld [tilespmem:$0x470];
	_ =	sdelay $0x4  }
0x112: {  	v12 =	vadd.s32 v9, v12;
	_ =	sdelay $0x4  }
0x113: {  	[tilespmem:v12+s26+$0x0] =	vst.idx.msk $0xffff, v2  }
0x114: {  	v12 =	vld [tilespmem:$0x480];
	_ =	sdelay $0x4  }
0x115: {  	v12 =	vadd.s32 v10, v12;
	_ =	sdelay $0x4  }
0x116: {  	[tilespmem:v12+s26+$0x0] =	vst.idx.msk $0xffff, v2  }
0x117: {  	v12 =	vld [tilespmem:$0x490];
	_ =	sdelay $0x4  }
0x118: {  	v12 =	vadd.s32 v11, v12;
	_ =	sdelay $0x4  }
0x119: {  	s15 =	smov.u32 s4;
	s16 =	smov.u32 s3;
	[tilespmem:v12+s26+$0x0] =	vst.idx.msk $0xffff, v2  }
0x11a: {  	[hbm4b:s12+s25] =	stream.linear.scatter [tilespmem:s26], [sflag:$0x5], $0x5000, $0x38;
	[tilespmem:$0x19500] =	vst v63  }
.LBB2_12:
0x11b: {  	_ =	swait.ge [sflag:s28], $0x5000  }
0x11c: {  	[sflag:s28] =	ssyncset.done $0x0  }
0x11d: {  	[sflag:s28] =	ssyncadd.s32 $0xFFFFB000  }
0x11e: {  	v12 =	vld [tilespmem:$0x0];
	_ =	sdelay $0x4  }
0x11f: {  	v12 =	vadd.s32 v0, v12;
	_ =	sdelay $0x4  }
0x120: {  	[tilespmem:v12+s18+$0x0] =	vst.idx.msk $0xffff, v1  }
0x121: {  	v12 =	vld [tilespmem:$0x10];
	_ =	sdelay $0x4  }
0x122: {  	v12 =	vadd.s32 v3, v12;
	_ =	sdelay $0x4  }
0x123: {  	[tilespmem:v12+s18+$0x0] =	vst.idx.msk $0xffff, v1  }
0x124: {  	v12 =	vld [tilespmem:$0x20];
	_ =	sdelay $0x4  }
0x125: {  	v12 =	vadd.s32 v4, v12;
	_ =	sdelay $0x4  }
0x126: {  	[tilespmem:v12+s18+$0x0] =	vst.idx.msk $0xffff, v1  }
0x127: {  	v12 =	vld [tilespmem:$0x30];
	_ =	sdelay $0x4  }
0x128: {  	v12 =	vadd.s32 v5, v12;
	_ =	sdelay $0x4  }
0x129: {  	[tilespmem:v12+s18+$0x0] =	vst.idx.msk $0xffff, v1  }
0x12a: {  	v12 =	vld [tilespmem:$0x40];
	_ =	sdelay $0x4  }
0x12b: {  	v12 =	vadd.s32 v6, v12;
	_ =	sdelay $0x4  }
0x12c: {  	[tilespmem:v12+s18+$0x0] =	vst.idx.msk $0xffff, v1  }
0x12d: {  	v12 =	vld [tilespmem:$0x50];
	_ =	sdelay $0x4  }
0x12e: {  	v12 =	vadd.s32 v7, v12;
	_ =	sdelay $0x4  }
0x12f: {  	[tilespmem:v12+s18+$0x0] =	vst.idx.msk $0xffff, v1  }
0x130: {  	v12 =	vld [tilespmem:$0x60];
	_ =	sdelay $0x4  }
0x131: {  	v12 =	vadd.s32 v8, v12;
	_ =	sdelay $0x4  }
0x132: {  	[tilespmem:v12+s18+$0x0] =	vst.idx.msk $0xffff, v1  }
0x133: {  	v12 =	vld [tilespmem:$0x70];
	_ =	sdelay $0x4  }
0x134: {  	v12 =	vadd.s32 v9, v12;
	_ =	sdelay $0x4  }
0x135: {  	[tilespmem:v12+s18+$0x0] =	vst.idx.msk $0xffff, v1  }
0x136: {  	v12 =	vld [tilespmem:$0x80];
	_ =	sdelay $0x4  }
0x137: {  	v12 =	vadd.s32 v10, v12;
	_ =	sdelay $0x4  }
0x138: {  	[tilespmem:v12+s18+$0x0] =	vst.idx.msk $0xffff, v1  }
0x139: {  	v12 =	vld [tilespmem:$0x90];
	_ =	sdelay $0x4  }
0x13a: {  	v12 =	vadd.s32 v11, v12;
	_ =	sdelay $0x3  }
0x13b: {  	s5 =	sadd.s32 s25, s14  }
0x13c: {  	s6 =	sadd.s32 $0xC80, s5;
	[tilespmem:v12+s18+$0x0] =	vst.idx.msk $0xffff, v1  }
0x13d: {  	[tilespmem:s2], [sflag:$0x6] =	stream.linear.gather [hbm4b:s6+s2], $0xA0, $0x38;
	[tilespmem:$0x19500] =	vst v63  }
0x13e: {  	_ =	swait.ge [sflag:s17], $0xA0  }
0x13f: {  	[sflag:s17] =	ssyncset.done $0x0  }
0x140: {  	[sflag:s17] =	ssyncadd.s32 $0xFFFFFF60  }
0x141: {  	v56 =	vld [tilespmem:$0x0];
	_ =	sdelay $0x4  }
0x142: {  	v12 =	vadd.s32 v0, v56;
	_ =	sdelay $0x4  }
0x143: {  	[tilespmem:v12+s18+$0x0] =	vst.idx.msk $0xffff, v2  }
0x144: {  	v12 =	vld [tilespmem:$0x10];
	_ =	sdelay $0x4  }
0x145: {  	v12 =	vadd.s32 v3, v12;
	_ =	sdelay $0x4  }
0x146: {  	[tilespmem:v12+s18+$0x0] =	vst.idx.msk $0xffff, v2  }
0x147: {  	v12 =	vld [tilespmem:$0x20];
	_ =	sdelay $0x4  }
0x148: {  	v12 =	vadd.s32 v4, v12;
	_ =	sdelay $0x4  }
0x149: {  	[tilespmem:v12+s18+$0x0] =	vst.idx.msk $0xffff, v2  }
0x14a: {  	v12 =	vld [tilespmem:$0x30];
	_ =	sdelay $0x4  }
0x14b: {  	v12 =	vadd.s32 v5, v12;
	_ =	sdelay $0x4  }
0x14c: {  	[tilespmem:v12+s18+$0x0] =	vst.idx.msk $0xffff, v2  }
0x14d: {  	v12 =	vld [tilespmem:$0x40];
	_ =	sdelay $0x4  }
0x14e: {  	v12 =	vadd.s32 v6, v12;
	_ =	sdelay $0x4  }
0x14f: {  	[tilespmem:v12+s18+$0x0] =	vst.idx.msk $0xffff, v2  }
0x150: {  	v12 =	vld [tilespmem:$0x50];
	_ =	sdelay $0x4  }
0x151: {  	v12 =	vadd.s32 v7, v12;
	_ =	sdelay $0x4  }
0x152: {  	[tilespmem:v12+s18+$0x0] =	vst.idx.msk $0xffff, v2  }
0x153: {  	v12 =	vld [tilespmem:$0x60];
	_ =	sdelay $0x4  }
0x154: {  	v12 =	vadd.s32 v8, v12;
	_ =	sdelay $0x4  }
0x155: {  	[tilespmem:v12+s18+$0x0] =	vst.idx.msk $0xffff, v2  }
0x156: {  	v12 =	vld [tilespmem:$0x70];
	_ =	sdelay $0x4  }
0x157: {  	v12 =	vadd.s32 v9, v12;
	_ =	sdelay $0x4  }
0x158: {  	[tilespmem:v12+s18+$0x0] =	vst.idx.msk $0xffff, v2  }
0x159: {  	v12 =	vld [tilespmem:$0x80];
	_ =	sdelay $0x4  }
0x15a: {  	v12 =	vadd.s32 v10, v12;
	_ =	sdelay $0x4  }
0x15b: {  	[tilespmem:v12+s18+$0x0] =	vst.idx.msk $0xffff, v2  }
0x15c: {  	v12 =	vld [tilespmem:$0x90];
	_ =	sdelay $0x4  }
0x15d: {  	v12 =	vadd.s32 v11, v12;
	_ =	sdelay $0x4  }
0x15e: {  	s7 =	sadd.s32 $0xFFFB0000, s15;
	[tilespmem:v12+s18+$0x0] =	vst.idx.msk $0xffff, v2  }
0x15f: {  	[hbm4b:s7+s2] =	stream.linear.scatter [tilespmem:s18], [sflag:$0x1], $0x5000, $0x38;
	[tilespmem:$0x19500] =	vst v63  }
0x160: {  	_ =	swait.ge [sflag:s29], $0x5000  }
0x161: {  	[sflag:s29] =	ssyncset.done $0x0  }
0x162: {  	[sflag:s29] =	ssyncadd.s32 $0xFFFFB000  }
0x163: {  	v57 =	vld [tilespmem:$0x100];
	_ =	sdelay $0x4  }
0x164: {  	v12 =	vadd.s32 v0, v57;
	_ =	sdelay $0x4  }
0x165: {  	[tilespmem:v12+s20+$0x0] =	vst.idx.msk $0xffff, v1  }
0x166: {  	v12 =	vld [tilespmem:$0x110];
	_ =	sdelay $0x4  }
0x167: {  	v12 =	vadd.s32 v3, v12;
	_ =	sdelay $0x4  }
0x168: {  	[tilespmem:v12+s20+$0x0] =	vst.idx.msk $0xffff, v1  }
0x169: {  	v12 =	vld [tilespmem:$0x120];
	_ =	sdelay $0x4  }
0x16a: {  	v12 =	vadd.s32 v4, v12;
	_ =	sdelay $0x4  }
0x16b: {  	[tilespmem:v12+s20+$0x0] =	vst.idx.msk $0xffff, v1  }
0x16c: {  	v12 =	vld [tilespmem:$0x130];
	_ =	sdelay $0x4  }
0x16d: {  	v12 =	vadd.s32 v5, v12;
	_ =	sdelay $0x4  }
0x16e: {  	[tilespmem:v12+s20+$0x0] =	vst.idx.msk $0xffff, v1  }
0x16f: {  	v12 =	vld [tilespmem:$0x140];
	_ =	sdelay $0x4  }
0x170: {  	v12 =	vadd.s32 v6, v12;
	_ =	sdelay $0x4  }
0x171: {  	[tilespmem:v12+s20+$0x0] =	vst.idx.msk $0xffff, v1  }
0x172: {  	v12 =	vld [tilespmem:$0x150];
	_ =	sdelay $0x4  }
0x173: {  	v12 =	vadd.s32 v7, v12;
	_ =	sdelay $0x4  }
0x174: {  	[tilespmem:v12+s20+$0x0] =	vst.idx.msk $0xffff, v1  }
0x175: {  	v12 =	vld [tilespmem:$0x160];
	_ =	sdelay $0x4  }
0x176: {  	v12 =	vadd.s32 v8, v12;
	_ =	sdelay $0x4  }
0x177: {  	[tilespmem:v12+s20+$0x0] =	vst.idx.msk $0xffff, v1  }
0x178: {  	v12 =	vld [tilespmem:$0x170];
	_ =	sdelay $0x4  }
0x179: {  	v12 =	vadd.s32 v9, v12;
	_ =	sdelay $0x4  }
0x17a: {  	[tilespmem:v12+s20+$0x0] =	vst.idx.msk $0xffff, v1  }
0x17b: {  	v12 =	vld [tilespmem:$0x180];
	_ =	sdelay $0x4  }
0x17c: {  	v12 =	vadd.s32 v10, v12;
	_ =	sdelay $0x4  }
0x17d: {  	[tilespmem:v12+s20+$0x0] =	vst.idx.msk $0xffff, v1  }
0x17e: {  	v12 =	vld [tilespmem:$0x190];
	_ =	sdelay $0x4  }
0x17f: {  	v12 =	vadd.s32 v11, v12;
	_ =	sdelay $0x4  }
0x180: {  	s7 =	sadd.s32 $0xF00, s5;
	[tilespmem:v12+s20+$0x0] =	vst.idx.msk $0xffff, v1  }
0x181: {  	[tilespmem:s19], [sflag:$0x6] =	stream.linear.gather [hbm4b:s7+s2], $0xA0, $0x38;
	[tilespmem:$0x19500] =	vst v63  }
0x182: {  	_ =	swait.ge [sflag:s17], $0xA0  }
0x183: {  	[sflag:s17] =	ssyncset.done $0x0  }
0x184: {  	[sflag:s17] =	ssyncadd.s32 $0xFFFFFF60  }
0x185: {  	v58 =	vld [tilespmem:$0x100];
	_ =	sdelay $0x4  }
0x186: {  	v12 =	vadd.s32 v0, v58;
	_ =	sdelay $0x4  }
0x187: {  	[tilespmem:v12+s20+$0x0] =	vst.idx.msk $0xffff, v2  }
0x188: {  	v12 =	vld [tilespmem:$0x110];
	_ =	sdelay $0x4  }
0x189: {  	v12 =	vadd.s32 v3, v12;
	_ =	sdelay $0x4  }
0x18a: {  	[tilespmem:v12+s20+$0x0] =	vst.idx.msk $0xffff, v2  }
0x18b: {  	v12 =	vld [tilespmem:$0x120];
	_ =	sdelay $0x4  }
0x18c: {  	v12 =	vadd.s32 v4, v12;
	_ =	sdelay $0x4  }
0x18d: {  	[tilespmem:v12+s20+$0x0] =	vst.idx.msk $0xffff, v2  }
0x18e: {  	v12 =	vld [tilespmem:$0x130];
	_ =	sdelay $0x4  }
0x18f: {  	v12 =	vadd.s32 v5, v12;
	_ =	sdelay $0x4  }
0x190: {  	[tilespmem:v12+s20+$0x0] =	vst.idx.msk $0xffff, v2  }
0x191: {  	v12 =	vld [tilespmem:$0x140];
	_ =	sdelay $0x4  }
0x192: {  	v12 =	vadd.s32 v6, v12;
	_ =	sdelay $0x4  }
0x193: {  	[tilespmem:v12+s20+$0x0] =	vst.idx.msk $0xffff, v2  }
0x194: {  	v12 =	vld [tilespmem:$0x150];
	_ =	sdelay $0x4  }
0x195: {  	v12 =	vadd.s32 v7, v12;
	_ =	sdelay $0x4  }
0x196: {  	[tilespmem:v12+s20+$0x0] =	vst.idx.msk $0xffff, v2  }
0x197: {  	v12 =	vld [tilespmem:$0x160];
	_ =	sdelay $0x4  }
0x198: {  	v12 =	vadd.s32 v8, v12;
	_ =	sdelay $0x4  }
0x199: {  	[tilespmem:v12+s20+$0x0] =	vst.idx.msk $0xffff, v2  }
0x19a: {  	v12 =	vld [tilespmem:$0x170];
	_ =	sdelay $0x4  }
0x19b: {  	v12 =	vadd.s32 v9, v12;
	_ =	sdelay $0x4  }
0x19c: {  	[tilespmem:v12+s20+$0x0] =	vst.idx.msk $0xffff, v2  }
0x19d: {  	v12 =	vld [tilespmem:$0x180];
	_ =	sdelay $0x4  }
0x19e: {  	v12 =	vadd.s32 v10, v12;
	_ =	sdelay $0x4  }
0x19f: {  	[tilespmem:v12+s20+$0x0] =	vst.idx.msk $0xffff, v2  }
0x1a0: {  	v12 =	vld [tilespmem:$0x190];
	_ =	sdelay $0x4  }
0x1a1: {  	v12 =	vadd.s32 v11, v12;
	_ =	sdelay $0x4  }
0x1a2: {  	s7 =	sadd.s32 $0xFFFC4000, s15;
	[tilespmem:v12+s20+$0x0] =	vst.idx.msk $0xffff, v2  }
0x1a3: {  	[hbm4b:s7+s2] =	stream.linear.scatter [tilespmem:s20], [sflag:$0x2], $0x5000, $0x38;
	[tilespmem:$0x19500] =	vst v63  }
0x1a4: {  	_ =	swait.ge [sflag:s30], $0x5000  }
0x1a5: {  	[sflag:s30] =	ssyncset.done $0x0  }
0x1a6: {  	[sflag:s30] =	ssyncadd.s32 $0xFFFFB000  }
0x1a7: {  	v59 =	vld [tilespmem:$0x200];
	_ =	sdelay $0x4  }
0x1a8: {  	v12 =	vadd.s32 v0, v59;
	_ =	sdelay $0x4  }
0x1a9: {  	[tilespmem:v12+s22+$0x0] =	vst.idx.msk $0xffff, v1  }
0x1aa: {  	v12 =	vld [tilespmem:$0x210];
	_ =	sdelay $0x4  }
0x1ab: {  	v12 =	vadd.s32 v3, v12;
	_ =	sdelay $0x4  }
0x1ac: {  	[tilespmem:v12+s22+$0x0] =	vst.idx.msk $0xffff, v1  }
0x1ad: {  	v12 =	vld [tilespmem:$0x220];
	_ =	sdelay $0x4  }
0x1ae: {  	v12 =	vadd.s32 v4, v12;
	_ =	sdelay $0x4  }
0x1af: {  	[tilespmem:v12+s22+$0x0] =	vst.idx.msk $0xffff, v1  }
0x1b0: {  	v12 =	vld [tilespmem:$0x230];
	_ =	sdelay $0x4  }
0x1b1: {  	v12 =	vadd.s32 v5, v12;
	_ =	sdelay $0x4  }
0x1b2: {  	[tilespmem:v12+s22+$0x0] =	vst.idx.msk $0xffff, v1  }
0x1b3: {  	v12 =	vld [tilespmem:$0x240];
	_ =	sdelay $0x4  }
0x1b4: {  	v12 =	vadd.s32 v6, v12;
	_ =	sdelay $0x4  }
0x1b5: {  	[tilespmem:v12+s22+$0x0] =	vst.idx.msk $0xffff, v1  }
0x1b6: {  	v12 =	vld [tilespmem:$0x250];
	_ =	sdelay $0x4  }
0x1b7: {  	v12 =	vadd.s32 v7, v12;
	_ =	sdelay $0x4  }
0x1b8: {  	[tilespmem:v12+s22+$0x0] =	vst.idx.msk $0xffff, v1  }
0x1b9: {  	v12 =	vld [tilespmem:$0x260];
	_ =	sdelay $0x4  }
0x1ba: {  	v12 =	vadd.s32 v8, v12;
	_ =	sdelay $0x4  }
0x1bb: {  	[tilespmem:v12+s22+$0x0] =	vst.idx.msk $0xffff, v1  }
0x1bc: {  	v12 =	vld [tilespmem:$0x270];
	_ =	sdelay $0x4  }
0x1bd: {  	v12 =	vadd.s32 v9, v12;
	_ =	sdelay $0x4  }
0x1be: {  	[tilespmem:v12+s22+$0x0] =	vst.idx.msk $0xffff, v1  }
0x1bf: {  	v12 =	vld [tilespmem:$0x280];
	_ =	sdelay $0x4  }
0x1c0: {  	v12 =	vadd.s32 v10, v12;
	_ =	sdelay $0x4  }
0x1c1: {  	[tilespmem:v12+s22+$0x0] =	vst.idx.msk $0xffff, v1  }
0x1c2: {  	v12 =	vld [tilespmem:$0x290];
	_ =	sdelay $0x4  }
0x1c3: {  	v12 =	vadd.s32 v11, v12;
	_ =	sdelay $0x4  }
0x1c4: {  	s7 =	sadd.s32 $0x1180, s5;
	[tilespmem:v12+s22+$0x0] =	vst.idx.msk $0xffff, v1  }
0x1c5: {  	[tilespmem:s21], [sflag:$0x6] =	stream.linear.gather [hbm4b:s7+s2], $0xA0, $0x38;
	[tilespmem:$0x19500] =	vst v63  }
0x1c6: {  	_ =	swait.ge [sflag:s17], $0xA0  }
0x1c7: {  	[sflag:s17] =	ssyncset.done $0x0  }
0x1c8: {  	[sflag:s17] =	ssyncadd.s32 $0xFFFFFF60  }
0x1c9: {  	v60 =	vld [tilespmem:$0x200];
	_ =	sdelay $0x4  }
0x1ca: {  	v12 =	vadd.s32 v0, v60;
	_ =	sdelay $0x4  }
0x1cb: {  	[tilespmem:v12+s22+$0x0] =	vst.idx.msk $0xffff, v2  }
0x1cc: {  	v12 =	vld [tilespmem:$0x210];
	_ =	sdelay $0x4  }
0x1cd: {  	v12 =	vadd.s32 v3, v12;
	_ =	sdelay $0x4  }
0x1ce: {  	[tilespmem:v12+s22+$0x0] =	vst.idx.msk $0xffff, v2  }
0x1cf: {  	v12 =	vld [tilespmem:$0x220];
	_ =	sdelay $0x4  }
0x1d0: {  	v12 =	vadd.s32 v4, v12;
	_ =	sdelay $0x4  }
0x1d1: {  	[tilespmem:v12+s22+$0x0] =	vst.idx.msk $0xffff, v2  }
0x1d2: {  	v12 =	vld [tilespmem:$0x230];
	_ =	sdelay $0x4  }
0x1d3: {  	v12 =	vadd.s32 v5, v12;
	_ =	sdelay $0x4  }
0x1d4: {  	[tilespmem:v12+s22+$0x0] =	vst.idx.msk $0xffff, v2  }
0x1d5: {  	v12 =	vld [tilespmem:$0x240];
	_ =	sdelay $0x4  }
0x1d6: {  	v12 =	vadd.s32 v6, v12;
	_ =	sdelay $0x4  }
0x1d7: {  	[tilespmem:v12+s22+$0x0] =	vst.idx.msk $0xffff, v2  }
0x1d8: {  	v12 =	vld [tilespmem:$0x250];
	_ =	sdelay $0x4  }
0x1d9: {  	v12 =	vadd.s32 v7, v12;
	_ =	sdelay $0x4  }
0x1da: {  	[tilespmem:v12+s22+$0x0] =	vst.idx.msk $0xffff, v2  }
0x1db: {  	v12 =	vld [tilespmem:$0x260];
	_ =	sdelay $0x4  }
0x1dc: {  	v12 =	vadd.s32 v8, v12;
	_ =	sdelay $0x4  }
0x1dd: {  	[tilespmem:v12+s22+$0x0] =	vst.idx.msk $0xffff, v2  }
0x1de: {  	v12 =	vld [tilespmem:$0x270];
	_ =	sdelay $0x4  }
0x1df: {  	v12 =	vadd.s32 v9, v12;
	_ =	sdelay $0x4  }
0x1e0: {  	[tilespmem:v12+s22+$0x0] =	vst.idx.msk $0xffff, v2  }
0x1e1: {  	v12 =	vld [tilespmem:$0x280];
	_ =	sdelay $0x4  }
0x1e2: {  	v12 =	vadd.s32 v10, v12;
	_ =	sdelay $0x4  }
0x1e3: {  	[tilespmem:v12+s22+$0x0] =	vst.idx.msk $0xffff, v2  }
0x1e4: {  	v12 =	vld [tilespmem:$0x290];
	_ =	sdelay $0x4  }
0x1e5: {  	v12 =	vadd.s32 v11, v12;
	_ =	sdelay $0x4  }
0x1e6: {  	s7 =	sadd.s32 $0xFFFD8000, s15;
	[tilespmem:v12+s22+$0x0] =	vst.idx.msk $0xffff, v2  }
0x1e7: {  	[hbm4b:s7+s2] =	stream.linear.scatter [tilespmem:s22], [sflag:$0x3], $0x5000, $0x38;
	[tilespmem:$0x19500] =	vst v63  }
0x1e8: {  	_ =	swait.ge [sflag:s31], $0x5000  }
0x1e9: {  	[sflag:s31] =	ssyncset.done $0x0  }
0x1ea: {  	[sflag:s31] =	ssyncadd.s32 $0xFFFFB000  }
0x1eb: {  	v61 =	vld [tilespmem:$0x300];
	_ =	sdelay $0x4  }
0x1ec: {  	v12 =	vadd.s32 v0, v61;
	_ =	sdelay $0x4  }
0x1ed: {  	[tilespmem:v12+s24+$0x0] =	vst.idx.msk $0xffff, v1  }
0x1ee: {  	v12 =	vld [tilespmem:$0x310];
	_ =	sdelay $0x4  }
0x1ef: {  	v12 =	vadd.s32 v3, v12;
	_ =	sdelay $0x4  }
0x1f0: {  	[tilespmem:v12+s24+$0x0] =	vst.idx.msk $0xffff, v1  }
0x1f1: {  	v12 =	vld [tilespmem:$0x320];
	_ =	sdelay $0x4  }
0x1f2: {  	v12 =	vadd.s32 v4, v12;
	_ =	sdelay $0x4  }
0x1f3: {  	[tilespmem:v12+s24+$0x0] =	vst.idx.msk $0xffff, v1  }
0x1f4: {  	v12 =	vld [tilespmem:$0x330];
	_ =	sdelay $0x4  }
0x1f5: {  	v12 =	vadd.s32 v5, v12;
	_ =	sdelay $0x4  }
0x1f6: {  	[tilespmem:v12+s24+$0x0] =	vst.idx.msk $0xffff, v1  }
0x1f7: {  	v12 =	vld [tilespmem:$0x340];
	_ =	sdelay $0x4  }
0x1f8: {  	v12 =	vadd.s32 v6, v12;
	_ =	sdelay $0x4  }
0x1f9: {  	[tilespmem:v12+s24+$0x0] =	vst.idx.msk $0xffff, v1  }
0x1fa: {  	v12 =	vld [tilespmem:$0x350];
	_ =	sdelay $0x4  }
0x1fb: {  	v12 =	vadd.s32 v7, v12;
	_ =	sdelay $0x4  }
0x1fc: {  	[tilespmem:v12+s24+$0x0] =	vst.idx.msk $0xffff, v1  }
0x1fd: {  	v12 =	vld [tilespmem:$0x360];
	_ =	sdelay $0x4  }
0x1fe: {  	v12 =	vadd.s32 v8, v12;
	_ =	sdelay $0x4  }
0x1ff: {  	[tilespmem:v12+s24+$0x0] =	vst.idx.msk $0xffff, v1  }
0x200: {  	v12 =	vld [tilespmem:$0x370];
	_ =	sdelay $0x4  }
0x201: {  	v12 =	vadd.s32 v9, v12;
	_ =	sdelay $0x4  }
0x202: {  	[tilespmem:v12+s24+$0x0] =	vst.idx.msk $0xffff, v1  }
0x203: {  	v12 =	vld [tilespmem:$0x380];
	_ =	sdelay $0x4  }
0x204: {  	v12 =	vadd.s32 v10, v12;
	_ =	sdelay $0x4  }
0x205: {  	[tilespmem:v12+s24+$0x0] =	vst.idx.msk $0xffff, v1  }
0x206: {  	v12 =	vld [tilespmem:$0x390];
	_ =	sdelay $0x4  }
0x207: {  	v12 =	vadd.s32 v11, v12;
	_ =	sdelay $0x4  }
0x208: {  	s5 =	sadd.s32 $0x1400, s5;
	[tilespmem:v12+s24+$0x0] =	vst.idx.msk $0xffff, v1  }
0x209: {  	[tilespmem:s23], [sflag:$0x6] =	stream.linear.gather [hbm4b:s5+s2], $0xA0, $0x38;
	[tilespmem:$0x19500] =	vst v63  }
0x20a: {  	_ =	swait.ge [sflag:s17], $0xA0  }
0x20b: {  	[sflag:s17] =	ssyncset.done $0x0  }
0x20c: {  	[sflag:s17] =	ssyncadd.s32 $0xFFFFFF60  }
0x20d: {  	v62 =	vld [tilespmem:$0x300];
	_ =	sdelay $0x4  }
0x20e: {  	v12 =	vadd.s32 v0, v62;
	_ =	sdelay $0x4  }
0x20f: {  	[tilespmem:v12+s24+$0x0] =	vst.idx.msk $0xffff, v2  }
0x210: {  	v12 =	vld [tilespmem:$0x310];
	_ =	sdelay $0x4  }
0x211: {  	v12 =	vadd.s32 v3, v12;
	_ =	sdelay $0x4  }
0x212: {  	[tilespmem:v12+s24+$0x0] =	vst.idx.msk $0xffff, v2  }
0x213: {  	v12 =	vld [tilespmem:$0x320];
	_ =	sdelay $0x4  }
0x214: {  	v12 =	vadd.s32 v4, v12;
	_ =	sdelay $0x4  }
0x215: {  	[tilespmem:v12+s24+$0x0] =	vst.idx.msk $0xffff, v2  }
0x216: {  	v12 =	vld [tilespmem:$0x330];
	_ =	sdelay $0x4  }
0x217: {  	v12 =	vadd.s32 v5, v12;
	_ =	sdelay $0x4  }
0x218: {  	[tilespmem:v12+s24+$0x0] =	vst.idx.msk $0xffff, v2  }
0x219: {  	v12 =	vld [tilespmem:$0x340];
	_ =	sdelay $0x4  }
0x21a: {  	v12 =	vadd.s32 v6, v12;
	_ =	sdelay $0x4  }
0x21b: {  	[tilespmem:v12+s24+$0x0] =	vst.idx.msk $0xffff, v2  }
0x21c: {  	v12 =	vld [tilespmem:$0x350];
	_ =	sdelay $0x4  }
0x21d: {  	v12 =	vadd.s32 v7, v12;
	_ =	sdelay $0x4  }
0x21e: {  	[tilespmem:v12+s24+$0x0] =	vst.idx.msk $0xffff, v2  }
0x21f: {  	v12 =	vld [tilespmem:$0x360];
	_ =	sdelay $0x4  }
0x220: {  	v12 =	vadd.s32 v8, v12;
	_ =	sdelay $0x4  }
0x221: {  	[tilespmem:v12+s24+$0x0] =	vst.idx.msk $0xffff, v2  }
0x222: {  	v12 =	vld [tilespmem:$0x370];
	_ =	sdelay $0x4  }
0x223: {  	v12 =	vadd.s32 v9, v12;
	_ =	sdelay $0x4  }
0x224: {  	[tilespmem:v12+s24+$0x0] =	vst.idx.msk $0xffff, v2  }
0x225: {  	v12 =	vld [tilespmem:$0x380];
	_ =	sdelay $0x4  }
0x226: {  	v12 =	vadd.s32 v10, v12;
	_ =	sdelay $0x4  }
0x227: {  	[tilespmem:v12+s24+$0x0] =	vst.idx.msk $0xffff, v2  }
0x228: {  	v12 =	vld [tilespmem:$0x390];
	_ =	sdelay $0x4  }
0x229: {  	v12 =	vadd.s32 v11, v12;
	_ =	sdelay $0x4  }
0x22a: {  	s7 =	sadd.s32 $0xFFFEC000, s15;
	[tilespmem:v12+s24+$0x0] =	vst.idx.msk $0xffff, v2  }
0x22b: {  	[hbm4b:s7+s2] =	stream.linear.scatter [tilespmem:s24], [sflag:$0x4], $0x5000, $0x38;
	[tilespmem:$0x19500] =	vst v63  }
0x22c: {  	_ =	swait.ge [sflag:s1], $0x5000  }
0x22d: {  	[sflag:s1] =	ssyncset.done $0x0  }
0x22e: {  	[sflag:s1] =	ssyncadd.s32 $0xFFFFB000  }
0x22f: {  	v63 =	vld [tilespmem:$0x400];
	_ =	sdelay $0x4  }
0x230: {  	v12 =	vadd.s32 v0, v63;
	_ =	sdelay $0x4  }
0x231: {  	[tilespmem:v12+s26+$0x0] =	vst.idx.msk $0xffff, v1  }
0x232: {  	v12 =	vld [tilespmem:$0x410];
	_ =	sdelay $0x4  }
0x233: {  	v12 =	vadd.s32 v3, v12;
	_ =	sdelay $0x4  }
0x234: {  	[tilespmem:v12+s26+$0x0] =	vst.idx.msk $0xffff, v1  }
0x235: {  	v12 =	vld [tilespmem:$0x420];
	_ =	sdelay $0x4  }
0x236: {  	v12 =	vadd.s32 v4, v12;
	_ =	sdelay $0x4  }
0x237: {  	[tilespmem:v12+s26+$0x0] =	vst.idx.msk $0xffff, v1  }
0x238: {  	v12 =	vld [tilespmem:$0x430];
	_ =	sdelay $0x4  }
0x239: {  	v12 =	vadd.s32 v5, v12;
	_ =	sdelay $0x4  }
0x23a: {  	[tilespmem:v12+s26+$0x0] =	vst.idx.msk $0xffff, v1  }
0x23b: {  	v12 =	vld [tilespmem:$0x440];
	_ =	sdelay $0x4  }
0x23c: {  	v12 =	vadd.s32 v6, v12;
	_ =	sdelay $0x4  }
0x23d: {  	[tilespmem:v12+s26+$0x0] =	vst.idx.msk $0xffff, v1  }
0x23e: {  	v12 =	vld [tilespmem:$0x450];
	_ =	sdelay $0x4  }
0x23f: {  	v12 =	vadd.s32 v7, v12;
	_ =	sdelay $0x4  }
0x240: {  	[tilespmem:v12+s26+$0x0] =	vst.idx.msk $0xffff, v1  }
0x241: {  	v12 =	vld [tilespmem:$0x460];
	_ =	sdelay $0x4  }
0x242: {  	v12 =	vadd.s32 v8, v12;
	_ =	sdelay $0x4  }
0x243: {  	[tilespmem:v12+s26+$0x0] =	vst.idx.msk $0xffff, v1  }
0x244: {  	v12 =	vld [tilespmem:$0x470];
	_ =	sdelay $0x4  }
0x245: {  	v12 =	vadd.s32 v9, v12;
	_ =	sdelay $0x4  }
0x246: {  	[tilespmem:v12+s26+$0x0] =	vst.idx.msk $0xffff, v1  }
0x247: {  	v12 =	vld [tilespmem:$0x480];
	_ =	sdelay $0x4  }
0x248: {  	v12 =	vadd.s32 v10, v12;
	_ =	sdelay $0x4  }
0x249: {  	[tilespmem:v12+s26+$0x0] =	vst.idx.msk $0xffff, v1  }
0x24a: {  	v12 =	vld [tilespmem:$0x490];
	_ =	sdelay $0x4  }
0x24b: {  	v12 =	vadd.s32 v11, v12;
	_ =	sdelay $0x2  }
0x24c: {  	p1 =	sgt.u32 s16, $0x270  }
0x24d: {  	s5 =	sadd.s32 @!p1 s25, s14  }
0x24e: {  	s6 =	simm.s32 @!p1 $0x0;
	s5 =	sadd.s32 @!p1 $0x1680, s5;
	s7 =	simm.s32 @!p1 $0x400;
	[tilespmem:v12+s26+$0x0] =	vst.idx.msk $0xffff, v1  }
0x24f: {  	[tilespmem:s7], [sflag:$0x6] =	stream.linear.gather @!p1 [hbm4b:s5+s6], $0xA0, $0x38;
	[tilespmem:$0x19500] =	vst v63  }
0x250: {  	s5 =	simm.s32 @!p1 $0x6  }
0x251: {  	_ =	swait.ge @!p1 [sflag:s5], $0xA0  }
0x252: {  	[sflag:s5] =	ssyncset.done @!p1 $0x0  }
0x253: {  	[sflag:s5] =	ssyncadd.s32 @!p1 $0xFFFFFF60  }
0x254: {  	v12 =	vld @!p1 [tilespmem:$0x400];
	_ =	sdelay $0x1  }
0x255: {  	v13 =	vlaneseq.u32 @!p1  }
0x256: {  	v13 =	vmul.u32 @!p1 $0x80, v13;
	_ =	sdelay $0x1  }
0x257: {  	v12 =	vadd.s32 @!p1 v13, v12;
	_ =	sdelay $0x3  }
0x258: {  	v14 =	vimm.f32 @!p1 $1.000000000e+00;
	s5 =	simm.s32 @!p1 $0x14500  }
0x259: {  	[tilespmem:v12+s5+$0x0] =	vst.idx.msk @!p1 $0xffff, v14  }
0x25a: {  	v12 =	vld @!p1 [tilespmem:$0x410];
	_ =	sdelay $0x3  }
0x25b: {  	v15 =	vor.u32 @!p1 $0x800, v13  }
0x25c: {  	v12 =	vadd.s32 @!p1 v15, v12;
	_ =	sdelay $0x4  }
0x25d: {  	[tilespmem:v12+s5+$0x0] =	vst.idx.msk @!p1 $0xffff, v14  }
0x25e: {  	v12 =	vld @!p1 [tilespmem:$0x420];
	_ =	sdelay $0x3  }
0x25f: {  	v15 =	vor.u32 @!p1 $0x1000, v13  }
0x260: {  	v12 =	vadd.s32 @!p1 v15, v12;
	_ =	sdelay $0x4  }
0x261: {  	[tilespmem:v12+s5+$0x0] =	vst.idx.msk @!p1 $0xffff, v14  }
0x262: {  	v12 =	vld @!p1 [tilespmem:$0x430];
	_ =	sdelay $0x3  }
0x263: {  	v15 =	vor.u32 @!p1 $0x1800, v13  }
0x264: {  	v12 =	vadd.s32 @!p1 v15, v12;
	_ =	sdelay $0x4  }
0x265: {  	[tilespmem:v12+s5+$0x0] =	vst.idx.msk @!p1 $0xffff, v14  }
0x266: {  	v12 =	vld @!p1 [tilespmem:$0x440];
	_ =	sdelay $0x3  }
0x267: {  	v15 =	vor.u32 @!p1 $0x2000, v13  }
0x268: {  	v12 =	vadd.s32 @!p1 v15, v12;
	_ =	sdelay $0x4  }
0x269: {  	[tilespmem:v12+s5+$0x0] =	vst.idx.msk @!p1 $0xffff, v14  }
0x26a: {  	v12 =	vld @!p1 [tilespmem:$0x450];
	_ =	sdelay $0x3  }
0x26b: {  	v15 =	vor.u32 @!p1 $0x2800, v13  }
0x26c: {  	v12 =	vadd.s32 @!p1 v15, v12;
	_ =	sdelay $0x4  }
0x26d: {  	[tilespmem:v12+s5+$0x0] =	vst.idx.msk @!p1 $0xffff, v14  }
0x26e: {  	v12 =	vld @!p1 [tilespmem:$0x460];
	_ =	sdelay $0x3  }
0x26f: {  	v15 =	vor.u32 @!p1 $0x3000, v13  }
0x270: {  	v12 =	vadd.s32 @!p1 v15, v12;
	_ =	sdelay $0x4  }
0x271: {  	[tilespmem:v12+s5+$0x0] =	vst.idx.msk @!p1 $0xffff, v14  }
0x272: {  	v12 =	vld @!p1 [tilespmem:$0x470];
	_ =	sdelay $0x3  }
0x273: {  	v15 =	vor.u32 @!p1 $0x3800, v13  }
0x274: {  	v12 =	vadd.s32 @!p1 v15, v12;
	_ =	sdelay $0x4  }
0x275: {  	[tilespmem:v12+s5+$0x0] =	vst.idx.msk @!p1 $0xffff, v14  }
0x276: {  	v12 =	vld @!p1 [tilespmem:$0x480];
	_ =	sdelay $0x3  }
0x277: {  	v15 =	vor.u32 @!p1 $0x4000, v13  }
0x278: {  	v12 =	vadd.s32 @!p1 v15, v12;
	_ =	sdelay $0x4  }
0x279: {  	[tilespmem:v12+s5+$0x0] =	vst.idx.msk @!p1 $0xffff, v14  }
0x27a: {  	v12 =	vld @!p1 [tilespmem:$0x490];
	_ =	sdelay $0x3  }
0x27b: {  	v13 =	vor.u32 @!p1 $0x4800, v13  }
0x27c: {  	v12 =	vadd.s32 @!p1 v13, v12;
	_ =	sdelay $0x4  }
0x27d: {  	s25 =	sadd.s32 $0xC80, s25;
	[tilespmem:v12+s5+$0x0] =	vst.idx.msk @!p1 $0xffff, v14  }
0x27e: {  	[hbm4b:s15+s6] =	stream.linear.scatter @!p1 [tilespmem:s5], [sflag:$0x5], $0x5000, $0x38;
	[tilespmem:$0x19500] =	vst v63  }
0x27f: {  	p1 =	sne.s32 s25, $0x2580  }
.Ltmp5:
0x280: {  	_ = 	snop;
	(pc) =	sbr.rel @p1 .LBB2_12-.Ltmp5, $2  }
0x281: {  	_ =	sdelay $0x2  }
0x282: {  	s16 =	sadd.s32 $0xA0, s16;
	s15 =	sadd.s32 $0x64000, s15  }
0x283: {  	_ =	swait.ge [sflag:s28], $0x5000  }
0x284: {  	[sflag:s28] =	ssyncset.done $0x0  }
0x285: {  	[sflag:s28] =	ssyncadd.s32 $0xFFFFB000  }
0x286: {  	_ =	swait.ge [sflag:s29], $0x5000  }
0x287: {  	[sflag:s29] =	ssyncset.done $0x0  }
0x288: {  	[sflag:s29] =	ssyncadd.s32 $0xFFFFB000  }
0x289: {  	_ =	swait.ge [sflag:s30], $0x5000  }
0x28a: {  	[sflag:s30] =	ssyncset.done $0x0  }
0x28b: {  	s0 =	sadd.s32 $0x1, s0;
	[sflag:s30] =	ssyncadd.s32 $0xFFFFB000  }
0x28c: {  	p1 =	sne.s32 s0, s13;
	_ =	swait.ge [sflag:s31], $0x5000  }
.Ltmp6:
0x28d: {  	[sflag:s31] =	ssyncset.done $0x0;
	(pc) =	sbr.rel @p1 .LBB2_1-.Ltmp6, $4  }
0x28e: {  	s5 =	simm.s32 @!p0 $0x5;
	[sflag:s31] =	ssyncadd.s32 $0xFFFFB000  }
0x28f: {  	_ =	swait.ge @!p0 [sflag:s5], $0x5000  }
0x290: {  	[sflag:s5] =	ssyncset.done @!p0 $0x0  }
0x291: {  	[sflag:s5] =	ssyncadd.s32 @!p0 $0xFFFFB000  }
0x292: {  	_ =	sfence.sel $0x180000  }
0x293: {  	[bflag:$0x0] =	sbarrier.arrive $0xFFFF  }
0x294: {  	_ =	strace $0x90000047  }
0x295: {  	s0 =	stileid.u32;
	[bflag:$0x2] =	sbarrier.arrive $0xFFFF  }
0x296: {  	p0 =	sne.s32 s0, $0x0;
	s0 =	rddreg [dreg:$0x2]  }
0x297: {  	s0 =	sadd.s32 @!p0 $0x100000, s0  }
0x298: {  	[sflag:s0] =	ssyncadd.tile.s32 @!p0 $0x1;
	_ =	shalt  }
.Lfunc_end2:
_tile_overlayer_lowered:
.L_overlay_start_2:
0x299: {  	(tag) =	ssettag $0x2  }
0x29a: {  	s0 =	rddreg [dreg:$0x0];
	s2 =	stileid.u32  }
0x29b: {  	s1 =	rddreg [dreg:$0x1];
	p0 =	sne.s32 s2, $0x0  }
0x29c: {  	s3 =	rddreg [dreg:$0x2];
	[bflag:$0x3] =	sbarrier.arrive $0xFFFF;
	s2 =	simm.s32 @!p0 $0x1C06  }
0x29d: {  	[timem:s3], [sflag:s2] =	dma.local @!p0 [hbm:s0], s1  }
0x29e: {  	s0 =	simm.s32 @!p0 $0x6  }
0x29f: {  	_ =	swait.ge @!p0 [sflag:s0], s1  }
0x2a0: {  	s1 =	ssub.s32 @!p0 $0x0, s1;
	[sflag:s0] =	ssyncset.done @!p0 $0x0  }
0x2a1: {  	[sflag:s0] =	ssyncadd.s32 @!p0 s1  }
0x2a2: {  	[bflag:$0x3] =	sbarrier.arrive $0xFFFF  }
0x2a3: {  	_ =	shalt  }

</sc_bundles>
